<compile_context>
chip_gen: v7x
topology: tpu7x:2x2x1
jax: 0.10.2.dev20260603
libtpu: 0.0.44.dev20260713+nightly
codegen_flags: <defaults>
</compile_context>

<pallas_src>
import functools

import jax
import jax.numpy as jnp
from jax import lax
from jax.experimental import pallas as pl
from jax.experimental.pallas import tpu as pltpu
from jax.experimental.pallas import tpu_sc as plsc

N = 10000
E = 160000
DIN = 256
H = 512
OUT = 128
G = 64

NC = 2
NS = 16
CW = 128
C = H // CW

NPAD = 10240
TN = 1024
NBN = NPAD // TN
ROWS_PER_TILE = NPAD // NS

K = 128
EPB = NS * K
NB = 80
EPAD = NS * NB * K


def _enc_body(x_ref, w_ref, b_ref, o_ref):
    y = jnp.dot(x_ref[...], w_ref[...], preferred_element_type=jnp.float32)
    y = y + b_ref[...]
    for c in range(C):
        o_ref[c] = y[:, c * CW:(c + 1) * CW]


def _encoder(x_p, W_enc, b_enc):
    return pl.pallas_call(
        _enc_body,
        grid=(NBN,),
        in_specs=[
            pl.BlockSpec((TN, DIN), lambda i: (i, 0)),
            pl.BlockSpec((DIN, H), lambda i: (0, 0)),
            pl.BlockSpec((1, H), lambda i: (0, 0)),
        ],
        out_specs=pl.BlockSpec((C, TN, CW), lambda i: (0, i, 0)),
        out_shape=jax.ShapeDtypeStruct((C, NPAD, CW), jnp.float32),
    )(x_p, W_enc, b_enc.reshape(1, H))


def _mlp_p1_body(h_ref, w1_ref, b1_ref, o_ref):
    h = h_ref[...].astype(jnp.bfloat16)
    w1 = w1_ref[...].astype(jnp.bfloat16)
    t = jnp.dot(h[0], w1[0:CW, :], preferred_element_type=jnp.float32)
    for c in range(1, C):
        t += jnp.dot(h[c], w1[c * CW:(c + 1) * CW, :],
                     preferred_element_type=jnp.float32)
    o_ref[...] = t + b1_ref[...]


def _mlp_p1(h_ch, W1, b1):
    return pl.pallas_call(
        _mlp_p1_body,
        grid=(NBN,),
        in_specs=[
            pl.BlockSpec((C, TN, CW), lambda i: (0, i, 0)),
            pl.BlockSpec((H, H), lambda i: (0, 0)),
            pl.BlockSpec((1, H), lambda i: (0, 0)),
        ],
        out_specs=pl.BlockSpec((TN, H), lambda i: (i, 0)),
        out_shape=jax.ShapeDtypeStruct((NPAD, H), jnp.float32),
    )(h_ch, W1, b1.reshape(1, H))


def _mlp_p2_body(p_ref, a_ref, w1_ref, w2_ref, b2_ref, o_ref, *, relu_out):
    a = a_ref[...].astype(jnp.bfloat16)
    w1 = w1_ref[...].astype(jnp.bfloat16)
    t = jnp.dot(a[0], w1[0:CW, :], preferred_element_type=jnp.float32)
    for c in range(1, C):
        t += jnp.dot(a[c], w1[c * CW:(c + 1) * CW, :],
                     preferred_element_type=jnp.float32)
    t = jnp.maximum(t + p_ref[...], 0.0).astype(jnp.bfloat16)
    w2 = w2_ref[...].astype(jnp.bfloat16)
    for c in range(C):
        o = jnp.dot(t, w2[:, c * CW:(c + 1) * CW],
                    preferred_element_type=jnp.float32)
        o = o + b2_ref[:, c * CW:(c + 1) * CW]
        if relu_out:
            o = jnp.maximum(o, 0.0)
        o_ref[c] = o


def _mlp_p2(P, agg_ch, W1, W2, b2, relu_out):
    return pl.pallas_call(
        functools.partial(_mlp_p2_body, relu_out=relu_out),
        grid=(NBN,),
        in_specs=[
            pl.BlockSpec((TN, H), lambda i: (i, 0)),
            pl.BlockSpec((C, TN, CW), lambda i: (0, i, 0)),
            pl.BlockSpec((H, H), lambda i: (0, 0)),
            pl.BlockSpec((H, H), lambda i: (0, 0)),
            pl.BlockSpec((1, H), lambda i: (0, 0)),
        ],
        out_specs=pl.BlockSpec((C, TN, CW), lambda i: (0, i, 0)),
        out_shape=jax.ShapeDtypeStruct((C, NPAD, CW), jnp.float32),
    )(P, agg_ch, W1, W2, b2.reshape(1, H))


GBK = 80
NSTEP = (NB * K) // GBK


def _agg_body(h_hbm, src_hbm, dst_hbm, z_hbm, out_hbm,
              srcv, dstv, buf, acc, gsem, ssem):
    cid = lax.axis_index("c")
    sid = lax.axis_index("s")
    pltpu.sync_copy(src_hbm.at[sid], srcv)
    pltpu.sync_copy(dst_hbm.at[sid], dstv)
    for ci in range(NC):
        ch = cid * 2 + ci
        pltpu.sync_copy(z_hbm, acc.at[pl.ds(sid * ROWS_PER_TILE, ROWS_PER_TILE)])
        plsc.subcore_barrier()

        pltpu.async_copy(h_hbm.at[ch].at[srcv.at[pl.ds(0, GBK)]],
                         buf.at[pl.ds(0, GBK)], gsem)

        def step(j, carry):
            slot = lax.rem(j, 2) * GBK
            pltpu.make_async_copy(z_hbm.at[pl.ds(0, GBK)],
                                  buf.at[pl.ds(0, GBK)], gsem).wait()
            pltpu.async_copy(buf.at[pl.ds(slot, GBK)],
                             acc.at[dstv.at[pl.ds(j * GBK, GBK)]], ssem,
                             add=True)

            @pl.when(j > 0)
            def _drain_prev_scatter():
                pltpu.make_async_copy(z_hbm.at[pl.ds(0, GBK)],
                                      buf.at[pl.ds(GBK, GBK)], ssem).wait()

            nxt = j + 1

            @pl.when(nxt < NSTEP)
            def _refill():
                pltpu.async_copy(
                    h_hbm.at[ch].at[srcv.at[pl.ds(nxt * GBK, GBK)]],
                    buf.at[pl.ds(lax.rem(nxt, 2) * GBK, GBK)], gsem)

            return carry

        lax.fori_loop(0, NSTEP, step, 0)
        pltpu.make_async_copy(z_hbm.at[pl.ds(0, GBK)],
                              buf.at[pl.ds(0, GBK)], ssem).wait()
        plsc.subcore_barrier()
        pltpu.sync_copy(
            acc.at[pl.ds(sid * ROWS_PER_TILE, ROWS_PER_TILE)],
            out_hbm.at[ch, pl.ds(sid * ROWS_PER_TILE, ROWS_PER_TILE)])


@functools.lru_cache(maxsize=None)
def _make_sc_aggregate():
    mesh = plsc.VectorSubcoreMesh(
        core_axis_name="c", subcore_axis_name="s",
        num_cores=NC, num_subcores=NS)
    return pl.kernel(
        _agg_body,
        out_type=jax.ShapeDtypeStruct((C, NPAD, CW), jnp.float32),
        mesh=mesh,
        scratch_types=[
            pltpu.VMEM((NB * K,), jnp.int32),
            pltpu.VMEM((NB * K,), jnp.int32),
            pltpu.VMEM((2 * GBK, CW), jnp.float32),
            pltpu.VMEM_SHARED((NPAD, CW), jnp.float32),
            pltpu.SemaphoreType.DMA,
            pltpu.SemaphoreType.DMA,
        ],
    )


def _head_body(hg_ref, hc_ref, b_ref, wl_ref, bl_ref, wc_ref, bc_ref,
               o_ref, pg_acc, pc_acc):
    i = pl.program_id(0)

    @pl.when(i == 0)
    def _init():
        pg_acc[...] = jnp.zeros_like(pg_acc)
        pc_acc[...] = jnp.zeros_like(pc_acc)

    bt = b_ref[0]
    gid = lax.broadcasted_iota(jnp.int32, (G, TN), 0)
    oh = jnp.where(bt == gid, 1.0, 0.0)
    for c in range(C):
        pg_acc[:, c * CW:(c + 1) * CW] += jnp.dot(
            oh, hg_ref[c], preferred_element_type=jnp.float32)
        pc_acc[:, c * CW:(c + 1) * CW] += jnp.dot(
            oh, hc_ref[c], preferred_element_type=jnp.float32)

    @pl.when(i == NBN - 1)
    def _final():
        z = jnp.dot(pg_acc[...], wl_ref[0:H, :],
                    preferred_element_type=jnp.float32)
        z += jnp.dot(pc_acc[...], wl_ref[H:2 * H, :],
                     preferred_element_type=jnp.float32)
        z = jnp.maximum(z + bl_ref[...], 0.0)
        o_ref[...] = jnp.dot(z, wc_ref[...],
                             preferred_element_type=jnp.float32) + bc_ref[...]


def _pool_head(hg_ch, hc_ch, batch_r, W_lin, b_lin, W_clf, b_clf):
    return pl.pallas_call(
        _head_body,
        grid=(NBN,),
        in_specs=[
            pl.BlockSpec((C, TN, CW), lambda i: (0, i, 0)),
            pl.BlockSpec((C, TN, CW), lambda i: (0, i, 0)),
            pl.BlockSpec((1, 1, TN), lambda i: (i, 0, 0)),
            pl.BlockSpec((2 * H, H), lambda i: (0, 0)),
            pl.BlockSpec((1, H), lambda i: (0, 0)),
            pl.BlockSpec((H, OUT), lambda i: (0, 0)),
            pl.BlockSpec((1, OUT), lambda i: (0, 0)),
        ],
        out_specs=pl.BlockSpec((G, OUT), lambda i: (0, 0)),
        out_shape=jax.ShapeDtypeStruct((G, OUT), jnp.float32),
        scratch_shapes=[
            pltpu.VMEM((G, H), jnp.float32),
            pltpu.VMEM((G, H), jnp.float32),
        ],
    )(hg_ch, hc_ch, batch_r, W_lin, b_lin.reshape(1, H),
      W_clf, b_clf.reshape(1, OUT))


def kernel(x, edge_index, batch, W_enc, b_enc,
           g0_W1, g0_b1, g0_W2, g0_b2, g1_W1, g1_b1, g1_W2, g1_b2,
           c0_W1, c0_b1, c0_W2, c0_b2, c1_W1, c1_b1, c1_W2, c1_b2,
           W_lin, b_lin, W_clf, b_clf):
    x_p = jnp.pad(x, ((0, NPAD - N), (0, 0)))
    src = jnp.concatenate(
        [edge_index[0], jnp.zeros((EPAD - E,), jnp.int32)]).reshape(NS, NB * K)
    dst = jnp.concatenate(
        [edge_index[1], jnp.full((EPAD - E,), N, jnp.int32)]).reshape(NS, NB * K)
    batch_r = jnp.concatenate(
        [batch, jnp.full((NPAD - N,), G, jnp.int32)]).reshape(NBN, 1, TN)
    zrows = jnp.zeros((ROWS_PER_TILE, CW), jnp.float32)

    h = _encoder(x_p, W_enc, b_enc)
    layers = [(g0_W1, g0_b1, g0_W2, g0_b2, True),
              (g1_W1, g1_b1, g1_W2, g1_b2, False),
              (c0_W1, c0_b1, c0_W2, c0_b2, True),
              (c1_W1, c1_b1, c1_W2, c1_b2, False)]
    hg = None
    for li, (W1, b1, W2, b2, relu_out) in enumerate(layers):
        agg = _make_sc_aggregate()(h, src, dst, zrows)
        P = _mlp_p1(h, W1, b1)
        h = _mlp_p2(P, agg, W1, W2, b2, relu_out)
        if li == 1:
            hg = h
    return _pool_head(hg, h, batch_r, W_lin, b_lin, W_clf, b_clf)

# --- scband reference (transcript-rebuilt; emitter-appended) ---
"""Pipeline reference for scband-gnn-c-15015205667093 (READ-ONLY COPY).

The authoritative reference and input builder live on the scoring server;
editing this copy changes nothing except your own understanding.
"""

import jax, jax.numpy as jnp
import numpy as np

N = 10000
E = 160000
DIN = 256
H = 512
OUT = 128
G = 64

def _lin(key, fan_in, fan_out):
    k1, k2 = jax.random.split(key)
    s = 1.0 / np.sqrt(fan_in)
    W = jax.random.uniform(k1, (fan_in, fan_out), minval=-s, maxval=s, dtype=jnp.float32)
    b = jax.random.uniform(k2, (fan_out,), minval=-s, maxval=s, dtype=jnp.float32)
    return W, b

def setup_inputs(seed: int = 0):
    key = jax.random.key(seed)
    ks = jax.random.split(key, 16)
    inp = {}
    inp["x"] = jax.random.normal(ks[0], (N, DIN), dtype=jnp.float32)
    inp["edge_index"] = jax.random.randint(ks[1], (2, E), 0, N, dtype=jnp.int32)
    inp["batch"] = jnp.sort(jax.random.randint(ks[2], (N,), 0, G, dtype=jnp.int32))
    inp["W_enc"], inp["b_enc"] = _lin(ks[3], DIN, H)
    idx = 4
    for pfx in ("g", "c"):
        for l in range(2):
            W1, b1 = _lin(ks[idx], H, H); idx += 1
            W2, b2 = _lin(ks[idx], H, H); idx += 1
            inp[pfx + str(l) + "_W1"] = W1
            inp[pfx + str(l) + "_b1"] = b1
            inp[pfx + str(l) + "_W2"] = W2
            inp[pfx + str(l) + "_b2"] = b2
    inp["W_lin"], inp["b_lin"] = _lin(ks[idx], 2 * H, H); idx += 1
    inp["W_clf"], inp["b_clf"] = _lin(ks[idx], H, OUT)
    return inp

def _gin_conv(x, src, dst, W1, b1, W2, b2):
    # GINConv with eps=0: MLP(x + sum_{j in N(i)} x_j); MLP = Linear->ReLU->Linear
    agg = jnp.zeros_like(x).at[dst].add(x[src])
    h = x + agg
    h = jnp.maximum(h @ W1 + b1, 0.0)
    return h @ W2 + b2

def _gin_net(x, src, dst, layers):
    n = len(layers)
    for i, (W1, b1, W2, b2) in enumerate(layers):
        x = _gin_conv(x, src, dst, W1, b1, W2, b2)
        if i + 1 < n:
            x = jnp.maximum(x, 0.0)  # relu(dropout(x)) with dropout=0 at eval
    return x

def reference(x, edge_index, batch, W_enc, b_enc,
              g0_W1, g0_b1, g0_W2, g0_b2, g1_W1, g1_b1, g1_W2, g1_b2,
              c0_W1, c0_b1, c0_W2, c0_b2, c1_W1, c1_b1, c1_W2, c1_b2,
              W_lin, b_lin, W_clf, b_clf):
    src, dst = edge_index[0], edge_index[1]
    h = x @ W_enc + b_enc
    hg = _gin_net(h, src, dst, [(g0_W1, g0_b1, g0_W2, g0_b2), (g1_W1, g1_b1, g1_W2, g1_b2)])
    hc = _gin_net(hg, src, dst, [(c0_W1, c0_b1, c0_W2, c0_b2), (c1_W1, c1_b1, c1_W2, c1_b2)])
    pg = jax.ops.segment_sum(hg, batch, num_segments=G)
    pc = jax.ops.segment_sum(hc, batch, num_segments=G)
    z = jnp.concatenate([pg, pc], axis=1)
    z = jnp.maximum(z @ W_lin + b_lin, 0.0)
    return z @ W_clf + b_clf

if __name__ == "__main__":
    import jax
    _d = setup_inputs()
    print(jax.jit(kernel)(*tuple(_d.values())))

</pallas_src>

<mosaic_0001>
#map = affine_map<(d0, d1) -> (0, 0, 0)>
#map1 = affine_map<(d0, d1) -> (0, 0)>
module attributes {stable_mosaic.version = 14 : i64} {
  func.func @_agg_body(%arg0: i32, %arg1: i32, %arg2: memref<4x10240x128xf32, #tpu.memory_space<hbm>>, %arg3: memref<16x10240xi32, #tpu.memory_space<hbm>>, %arg4: memref<16x10240xi32, #tpu.memory_space<hbm>>, %arg5: memref<640x128xf32, #tpu.memory_space<hbm>>, %arg6: memref<4x10240x128xf32, #tpu.memory_space<hbm>>, %arg7: memref<10240xi32, #tpu.memory_space<vmem>>, %arg8: memref<10240xi32, #tpu.memory_space<vmem>>, %arg9: memref<160x128xf32, #tpu.memory_space<vmem>>, %arg10: memref<10240x128xf32, #tpu.memory_space<vmem_shared>>, %arg11: memref<!tpu.dma_semaphore, #tpu.memory_space<semaphore_mem>>, %arg12: memref<!tpu.dma_semaphore, #tpu.memory_space<semaphore_mem>>) attributes {dimension_semantics = [#tpu.dimension_semantics<core_parallel>, #tpu.dimension_semantics<subcore_parallel>], iteration_bounds = array<i64: 2, 16>, scalar_prefetch = 0 : i64, scratch_operands = 6 : i64, tpu.core_type = #tpu.core_type<sc_vector_subcore>, window_params = [{transform_indices = #map}, {transform_indices = #map1}, {transform_indices = #map1}, {transform_indices = #map1}, {transform_indices = #map}]} {
    "tpu.region"() ({
      %run_scoped3A = tpu.sem_alloc : memref<!tpu.dma_semaphore, #tpu.memory_space<semaphore_mem>>
      %dma_start3A_78 = arith.constant 0 : i32
      %dma_start3A_79 = tpu.memref_slice %arg3[%arg1, %dma_start3A_78] : memref<16x10240xi32, #tpu.memory_space<hbm>> -> memref<1x10240xi32, #tpu.memory_space<hbm>>
      %dma_start3A_80 = tpu.memref_squeeze %dma_start3A_79 : memref<1x10240xi32, #tpu.memory_space<hbm>> -> memref<10240xi32, #tpu.memory_space<hbm>>
      %dma_start3A_81 = arith.constant 0 : i32
      %dma_start3A_82 = tpu.memref_slice %arg3[%arg1, %dma_start3A_81] : memref<16x10240xi32, #tpu.memory_space<hbm>> -> memref<1x10240xi32, #tpu.memory_space<hbm>>
      %dma_start3A_83 = tpu.memref_squeeze %dma_start3A_82 : memref<1x10240xi32, #tpu.memory_space<hbm>> -> memref<10240xi32, #tpu.memory_space<hbm>>
      tpu.enqueue_dma source(%dma_start3A_83 : memref<10240xi32, #tpu.memory_space<hbm>>) target(%arg7 : memref<10240xi32, #tpu.memory_space<vmem>>) target_semaphore(%run_scoped3A : memref<!tpu.dma_semaphore, #tpu.memory_space<semaphore_mem>>)
      %dma_wait3A_84 = arith.constant 0 : i32
      %dma_wait3A_85 = tpu.memref_slice %arg3[%arg1, %dma_wait3A_84] : memref<16x10240xi32, #tpu.memory_space<hbm>> -> memref<1x10240xi32, #tpu.memory_space<hbm>>
      %dma_wait3A_86 = tpu.memref_squeeze %dma_wait3A_85 : memref<1x10240xi32, #tpu.memory_space<hbm>> -> memref<10240xi32, #tpu.memory_space<hbm>>
      %dma_wait3A_87 = arith.constant 0 : i32
      %dma_wait3A_88 = tpu.memref_slice %arg3[%arg1, %dma_wait3A_87] : memref<16x10240xi32, #tpu.memory_space<hbm>> -> memref<1x10240xi32, #tpu.memory_space<hbm>>
      %dma_wait3A_89 = tpu.memref_squeeze %dma_wait3A_88 : memref<1x10240xi32, #tpu.memory_space<hbm>> -> memref<10240xi32, #tpu.memory_space<hbm>>
      tpu.wait_dma2 semaphore(%run_scoped3A : memref<!tpu.dma_semaphore, #tpu.memory_space<semaphore_mem>>) src(%dma_wait3A_89 : memref<10240xi32, #tpu.memory_space<hbm>>) dst(%arg7 : memref<10240xi32, #tpu.memory_space<vmem>>)
      tpu.yield
    }) : () -> ()
    "tpu.region"() ({
      %run_scoped3A = tpu.sem_alloc : memref<!tpu.dma_semaphore, #tpu.memory_space<semaphore_mem>>
      %dma_start3A_78 = arith.constant 0 : i32
      %dma_start3A_79 = tpu.memref_slice %arg4[%arg1, %dma_start3A_78] : memref<16x10240xi32, #tpu.memory_space<hbm>> -> memref<1x10240xi32, #tpu.memory_space<hbm>>
      %dma_start3A_80 = tpu.memref_squeeze %dma_start3A_79 : memref<1x10240xi32, #tpu.memory_space<hbm>> -> memref<10240xi32, #tpu.memory_space<hbm>>
      %dma_start3A_81 = arith.constant 0 : i32
      %dma_start3A_82 = tpu.memref_slice %arg4[%arg1, %dma_start3A_81] : memref<16x10240xi32, #tpu.memory_space<hbm>> -> memref<1x10240xi32, #tpu.memory_space<hbm>>
      %dma_start3A_83 = tpu.memref_squeeze %dma_start3A_82 : memref<1x10240xi32, #tpu.memory_space<hbm>> -> memref<10240xi32, #tpu.memory_space<hbm>>
      tpu.enqueue_dma source(%dma_start3A_83 : memref<10240xi32, #tpu.memory_space<hbm>>) target(%arg8 : memref<10240xi32, #tpu.memory_space<vmem>>) target_semaphore(%run_scoped3A : memref<!tpu.dma_semaphore, #tpu.memory_space<semaphore_mem>>)
      %dma_wait3A_84 = arith.constant 0 : i32
      %dma_wait3A_85 = tpu.memref_slice %arg4[%arg1, %dma_wait3A_84] : memref<16x10240xi32, #tpu.memory_space<hbm>> -> memref<1x10240xi32, #tpu.memory_space<hbm>>
      %dma_wait3A_86 = tpu.memref_squeeze %dma_wait3A_85 : memref<1x10240xi32, #tpu.memory_space<hbm>> -> memref<10240xi32, #tpu.memory_space<hbm>>
      %dma_wait3A_87 = arith.constant 0 : i32
      %dma_wait3A_88 = tpu.memref_slice %arg4[%arg1, %dma_wait3A_87] : memref<16x10240xi32, #tpu.memory_space<hbm>> -> memref<1x10240xi32, #tpu.memory_space<hbm>>
      %dma_wait3A_89 = tpu.memref_squeeze %dma_wait3A_88 : memref<1x10240xi32, #tpu.memory_space<hbm>> -> memref<10240xi32, #tpu.memory_space<hbm>>
      tpu.wait_dma2 semaphore(%run_scoped3A : memref<!tpu.dma_semaphore, #tpu.memory_space<semaphore_mem>>) src(%dma_wait3A_89 : memref<10240xi32, #tpu.memory_space<hbm>>) dst(%arg8 : memref<10240xi32, #tpu.memory_space<vmem>>)
      tpu.yield
    }) : () -> ()
    %mul3A = arith.constant 2 : i32
    %mul3A_0 = arith.muli %arg0, %mul3A : i32
    %add3A = arith.constant 0 : i32
    %add3A_1 = arith.addi %mul3A_0, %add3A : i32
    %mul3A_2 = arith.constant 640 : i32
    %mul3A_3 = arith.muli %arg1, %mul3A_2 : i32
    "tpu.region"() ({
      %run_scoped3A = tpu.sem_alloc : memref<!tpu.dma_semaphore, #tpu.memory_space<semaphore_mem>>
      %dma_start3A_78 = arith.constant 0 : i32
      %dma_start3A_79 = tpu.memref_slice %arg10[%mul3A_3, %dma_start3A_78] : memref<10240x128xf32, #tpu.memory_space<vmem_shared>> -> memref<640x128xf32, #tpu.memory_space<vmem_shared>>
      tpu.enqueue_dma source(%arg5 : memref<640x128xf32, #tpu.memory_space<hbm>>) target(%dma_start3A_79 : memref<640x128xf32, #tpu.memory_space<vmem_shared>>) target_semaphore(%run_scoped3A : memref<!tpu.dma_semaphore, #tpu.memory_space<semaphore_mem>>)
      %dma_wait3A_80 = arith.constant 0 : i32
      %dma_wait3A_81 = tpu.memref_slice %arg10[%mul3A_3, %dma_wait3A_80] : memref<10240x128xf32, #tpu.memory_space<vmem_shared>> -> memref<640x128xf32, #tpu.memory_space<vmem_shared>>
      tpu.wait_dma2 semaphore(%run_scoped3A : memref<!tpu.dma_semaphore, #tpu.memory_space<semaphore_mem>>) src(%arg5 : memref<640x128xf32, #tpu.memory_space<hbm>>) dst(%dma_wait3A_81 : memref<640x128xf32, #tpu.memory_space<vmem_shared>>)
      tpu.yield
    }) : () -> ()
    %barrier3A = arith.constant 0 : index
    tpu.barrier barrier_id(%barrier3A)
    %dma_start3A = arith.constant 0 : i32
    %dma_start3A_4 = arith.constant 0 : i32
    %dma_start3A_5 = tpu.memref_slice %arg9[%dma_start3A, %dma_start3A_4] : memref<160x128xf32, #tpu.memory_space<vmem>> -> memref<80x128xf32, #tpu.memory_space<vmem>>
    %dma_start3A_6 = arith.constant 0 : i32
    %dma_start3A_7 = tpu.memref_slice %arg7[%dma_start3A_6] : memref<10240xi32, #tpu.memory_space<vmem>> -> memref<80xi32, #tpu.memory_space<vmem>>
    %dma_start3A_8 = arith.constant 0 : i32
    %dma_start3A_9 = arith.constant 0 : i32
    %dma_start3A_10 = tpu.memref_slice %arg2[%add3A_1, %dma_start3A_8, %dma_start3A_9] : memref<4x10240x128xf32, #tpu.memory_space<hbm>> -> memref<1x10240x128xf32, #tpu.memory_space<hbm>>
    %dma_start3A_11 = tpu.memref_squeeze %dma_start3A_10 : memref<1x10240x128xf32, #tpu.memory_space<hbm>> -> memref<10240x128xf32, #tpu.memory_space<hbm>>
    %dma_start3A_12 = arith.constant 0 : i32
    %dma_start3A_13 = arith.constant 0 : i32
    %dma_start3A_14 = tpu.memref_slice %dma_start3A_11[%dma_start3A_12, %dma_start3A_13] : memref<10240x128xf32, #tpu.memory_space<hbm>> -> memref<10240x128xf32, #tpu.memory_space<hbm>>
    tpu.enqueue_indirect_dma source(%dma_start3A_14 : memref<10240x128xf32, #tpu.memory_space<hbm>>) target(%dma_start3A_5 : memref<80x128xf32, #tpu.memory_space<vmem>>) offsets(%dma_start3A_7 : memref<80xi32, #tpu.memory_space<vmem>>) semaphore(%arg11 : memref<!tpu.dma_semaphore, #tpu.memory_space<semaphore_mem>>)
    %scan3A = arith.constant 0 : i32
    %scan3A_15 = arith.constant 0 : i32
    %scan3A_16 = arith.constant 128 : i32
    %scan3A_17 = arith.addi %scan3A_15, %scan3A_16 : i32
    %scan3A_18 = arith.constant 1 : i32
    scf.for %scan3A_78 = %scan3A_15 to %scan3A_17 step %scan3A_18  : i32 {
      %rem3A = arith.constant 2 : i32
      %rem3A_79 = arith.remsi %scan3A_78, %rem3A : i32
      %mul3A_80 = arith.constant 80 : i32
      %mul3A_81 = arith.muli %rem3A_79, %mul3A_80 : i32
      %dma_wait3A_82 = arith.constant 0 : i32
      %dma_wait3A_83 = arith.constant 0 : i32
      %dma_wait3A_84 = tpu.memref_slice %arg9[%dma_wait3A_82, %dma_wait3A_83] : memref<160x128xf32, #tpu.memory_space<vmem>> -> memref<80x128xf32, #tpu.memory_space<vmem>>
      %dma_wait3A_85 = arith.constant 0 : i32
      %dma_wait3A_86 = arith.constant 0 : i32
      %dma_wait3A_87 = tpu.memref_slice %arg5[%dma_wait3A_85, %dma_wait3A_86] : memref<640x128xf32, #tpu.memory_space<hbm>> -> memref<80x128xf32, #tpu.memory_space<hbm>>
      %dma_wait3A_88 = arith.constant 0 : i32
      %dma_wait3A_89 = arith.constant 0 : i32
      %dma_wait3A_90 = tpu.memref_slice %arg9[%dma_wait3A_88, %dma_wait3A_89] : memref<160x128xf32, #tpu.memory_space<vmem>> -> memref<80x128xf32, #tpu.memory_space<vmem>>
      %dma_wait3A_91 = arith.constant 0 : i32
      %dma_wait3A_92 = arith.constant 0 : i32
      %dma_wait3A_93 = tpu.memref_slice %arg5[%dma_wait3A_91, %dma_wait3A_92] : memref<640x128xf32, #tpu.memory_space<hbm>> -> memref<80x128xf32, #tpu.memory_space<hbm>>
      tpu.wait_dma2 semaphore(%arg11 : memref<!tpu.dma_semaphore, #tpu.memory_space<semaphore_mem>>) src(%dma_wait3A_93 : memref<80x128xf32, #tpu.memory_space<hbm>>) dst(%dma_wait3A_90 : memref<80x128xf32, #tpu.memory_space<vmem>>)
      %mul3A_94 = arith.constant 80 : i32
      %mul3A_95 = arith.muli %scan3A_78, %mul3A_94 : i32
      %dma_start3A_96 = arith.constant 0 : i32
      %dma_start3A_97 = tpu.memref_slice %arg9[%mul3A_81, %dma_start3A_96] : memref<160x128xf32, #tpu.memory_space<vmem>> -> memref<80x128xf32, #tpu.memory_space<vmem>>
      %dma_start3A_98 = tpu.memref_slice %arg8[%mul3A_95] : memref<10240xi32, #tpu.memory_space<vmem>> -> memref<80xi32, #tpu.memory_space<vmem>>
      %dma_start3A_99 = arith.constant 0 : i32
      %dma_start3A_100 = arith.constant 0 : i32
      %dma_start3A_101 = tpu.memref_slice %arg10[%dma_start3A_99, %dma_start3A_100] : memref<10240x128xf32, #tpu.memory_space<vmem_shared>> -> memref<10240x128xf32, #tpu.memory_space<vmem_shared>>
      tpu.enqueue_indirect_dma source(%dma_start3A_97 : memref<80x128xf32, #tpu.memory_space<vmem>>) target(%dma_start3A_101 : memref<10240x128xf32, #tpu.memory_space<vmem_shared>>) offsets(%dma_start3A_98 : memref<80xi32, #tpu.memory_space<vmem>>) semaphore(%arg12 : memref<!tpu.dma_semaphore, #tpu.memory_space<semaphore_mem>>) {add = true}
      %gt3A = arith.constant 0 : i32
      %gt3A_102 = arith.cmpi sgt, %scan3A_78, %gt3A : i32
      %convert_element_type3A = arith.extui %gt3A_102 : i1 to i32
      %cond3A = arith.constant 0 : i32
      %cond3A_103 = arith.cmpi ne, %convert_element_type3A, %cond3A : i32
      scf.if %cond3A_103 {
        %dma_wait3A_110 = arith.constant 80 : i32
        %dma_wait3A_111 = arith.constant 0 : i32
        %dma_wait3A_112 = tpu.memref_slice %arg9[%dma_wait3A_110, %dma_wait3A_111] : memref<160x128xf32, #tpu.memory_space<vmem>> -> memref<80x128xf32, #tpu.memory_space<vmem>>
        %dma_wait3A_113 = arith.constant 0 : i32
        %dma_wait3A_114 = arith.constant 0 : i32
        %dma_wait3A_115 = tpu.memref_slice %arg5[%dma_wait3A_113, %dma_wait3A_114] : memref<640x128xf32, #tpu.memory_space<hbm>> -> memref<80x128xf32, #tpu.memory_space<hbm>>
        %dma_wait3A_116 = arith.constant 80 : i32
        %dma_wait3A_117 = arith.constant 0 : i32
        %dma_wait3A_118 = tpu.memref_slice %arg9[%dma_wait3A_116, %dma_wait3A_117] : memref<160x128xf32, #tpu.memory_space<vmem>> -> memref<80x128xf32, #tpu.memory_space<vmem>>
        %dma_wait3A_119 = arith.constant 0 : i32
        %dma_wait3A_120 = arith.constant 0 : i32
        %dma_wait3A_121 = tpu.memref_slice %arg5[%dma_wait3A_119, %dma_wait3A_120] : memref<640x128xf32, #tpu.memory_space<hbm>> -> memref<80x128xf32, #tpu.memory_space<hbm>>
        tpu.wait_dma2 semaphore(%arg12 : memref<!tpu.dma_semaphore, #tpu.memory_space<semaphore_mem>>) src(%dma_wait3A_121 : memref<80x128xf32, #tpu.memory_space<hbm>>) dst(%dma_wait3A_118 : memref<80x128xf32, #tpu.memory_space<vmem>>)
      } else {
      }
      %add3A_104 = arith.constant 1 : i32
      %add3A_105 = arith.addi %scan3A_78, %add3A_104 : i32
      %lt3A = arith.constant 128 : i32
      %lt3A_106 = arith.cmpi slt, %add3A_105, %lt3A : i32
      %convert_element_type3A_107 = arith.extui %lt3A_106 : i1 to i32
      %cond3A_108 = arith.constant 0 : i32
      %cond3A_109 = arith.cmpi ne, %convert_element_type3A_107, %cond3A_108 : i32
      scf.if %cond3A_109 {
        %mul3A_110 = arith.constant 80 : i32
        %mul3A_111 = arith.muli %add3A_105, %mul3A_110 : i32
        %rem3A_112 = arith.constant 2 : i32
        %rem3A_113 = arith.remsi %add3A_105, %rem3A_112 : i32
        %mul3A_114 = arith.constant 80 : i32
        %mul3A_115 = arith.muli %rem3A_113, %mul3A_114 : i32
        %dma_start3A_116 = arith.constant 0 : i32
        %dma_start3A_117 = tpu.memref_slice %arg9[%mul3A_115, %dma_start3A_116] : memref<160x128xf32, #tpu.memory_space<vmem>> -> memref<80x128xf32, #tpu.memory_space<vmem>>
        %dma_start3A_118 = tpu.memref_slice %arg7[%mul3A_111] : memref<10240xi32, #tpu.memory_space<vmem>> -> memref<80xi32, #tpu.memory_space<vmem>>
        %dma_start3A_119 = arith.constant 0 : i32
        %dma_start3A_120 = arith.constant 0 : i32
        %dma_start3A_121 = tpu.memref_slice %arg2[%add3A_1, %dma_start3A_119, %dma_start3A_120] : memref<4x10240x128xf32, #tpu.memory_space<hbm>> -> memref<1x10240x128xf32, #tpu.memory_space<hbm>>
        %dma_start3A_122 = tpu.memref_squeeze %dma_start3A_121 : memref<1x10240x128xf32, #tpu.memory_space<hbm>> -> memref<10240x128xf32, #tpu.memory_space<hbm>>
        %dma_start3A_123 = arith.constant 0 : i32
        %dma_start3A_124 = arith.constant 0 : i32
        %dma_start3A_125 = tpu.memref_slice %dma_start3A_122[%dma_start3A_123, %dma_start3A_124] : memref<10240x128xf32, #tpu.memory_space<hbm>> -> memref<10240x128xf32, #tpu.memory_space<hbm>>
        tpu.enqueue_indirect_dma source(%dma_start3A_125 : memref<10240x128xf32, #tpu.memory_space<hbm>>) target(%dma_start3A_117 : memref<80x128xf32, #tpu.memory_space<vmem>>) offsets(%dma_start3A_118 : memref<80xi32, #tpu.memory_space<vmem>>) semaphore(%arg11 : memref<!tpu.dma_semaphore, #tpu.memory_space<semaphore_mem>>)
      } else {
      }
    }
    %scan3A_19 = arith.constant 128 : i32
    %dma_wait3A = arith.constant 0 : i32
    %dma_wait3A_20 = arith.constant 0 : i32
    %dma_wait3A_21 = tpu.memref_slice %arg9[%dma_wait3A, %dma_wait3A_20] : memref<160x128xf32, #tpu.memory_space<vmem>> -> memref<80x128xf32, #tpu.memory_space<vmem>>
    %dma_wait3A_22 = arith.constant 0 : i32
    %dma_wait3A_23 = arith.constant 0 : i32
    %dma_wait3A_24 = tpu.memref_slice %arg5[%dma_wait3A_22, %dma_wait3A_23] : memref<640x128xf32, #tpu.memory_space<hbm>> -> memref<80x128xf32, #tpu.memory_space<hbm>>
    %dma_wait3A_25 = arith.constant 0 : i32
    %dma_wait3A_26 = arith.constant 0 : i32
    %dma_wait3A_27 = tpu.memref_slice %arg9[%dma_wait3A_25, %dma_wait3A_26] : memref<160x128xf32, #tpu.memory_space<vmem>> -> memref<80x128xf32, #tpu.memory_space<vmem>>
    %dma_wait3A_28 = arith.constant 0 : i32
    %dma_wait3A_29 = arith.constant 0 : i32
    %dma_wait3A_30 = tpu.memref_slice %arg5[%dma_wait3A_28, %dma_wait3A_29] : memref<640x128xf32, #tpu.memory_space<hbm>> -> memref<80x128xf32, #tpu.memory_space<hbm>>
    tpu.wait_dma2 semaphore(%arg12 : memref<!tpu.dma_semaphore, #tpu.memory_space<semaphore_mem>>) src(%dma_wait3A_30 : memref<80x128xf32, #tpu.memory_space<hbm>>) dst(%dma_wait3A_27 : memref<80x128xf32, #tpu.memory_space<vmem>>)
    %barrier3A_31 = arith.constant 0 : index
    tpu.barrier barrier_id(%barrier3A_31)
    %mul3A_32 = arith.constant 640 : i32
    %mul3A_33 = arith.muli %arg1, %mul3A_32 : i32
    %mul3A_34 = arith.constant 640 : i32
    %mul3A_35 = arith.muli %arg1, %mul3A_34 : i32
    "tpu.region"() ({
      %run_scoped3A = tpu.sem_alloc : memref<!tpu.dma_semaphore, #tpu.memory_space<semaphore_mem>>
      %dma_start3A_78 = arith.constant 0 : i32
      %dma_start3A_79 = tpu.memref_slice %arg6[%add3A_1, %mul3A_35, %dma_start3A_78] : memref<4x10240x128xf32, #tpu.memory_space<hbm>> -> memref<1x640x128xf32, #tpu.memory_space<hbm>>
      %dma_start3A_80 = tpu.memref_squeeze %dma_start3A_79 : memref<1x640x128xf32, #tpu.memory_space<hbm>> -> memref<640x128xf32, #tpu.memory_space<hbm>>
      %dma_start3A_81 = arith.constant 0 : i32
      %dma_start3A_82 = tpu.memref_slice %arg10[%mul3A_33, %dma_start3A_81] : memref<10240x128xf32, #tpu.memory_space<vmem_shared>> -> memref<640x128xf32, #tpu.memory_space<vmem_shared>>
      tpu.enqueue_dma source(%dma_start3A_82 : memref<640x128xf32, #tpu.memory_space<vmem_shared>>) target(%dma_start3A_80 : memref<640x128xf32, #tpu.memory_space<hbm>>) target_semaphore(%run_scoped3A : memref<!tpu.dma_semaphore, #tpu.memory_space<semaphore_mem>>)
      %dma_wait3A_83 = arith.constant 0 : i32
      %dma_wait3A_84 = tpu.memref_slice %arg6[%add3A_1, %mul3A_35, %dma_wait3A_83] : memref<4x10240x128xf32, #tpu.memory_space<hbm>> -> memref<1x640x128xf32, #tpu.memory_space<hbm>>
      %dma_wait3A_85 = tpu.memref_squeeze %dma_wait3A_84 : memref<1x640x128xf32, #tpu.memory_space<hbm>> -> memref<640x128xf32, #tpu.memory_space<hbm>>
      %dma_wait3A_86 = arith.constant 0 : i32
      %dma_wait3A_87 = tpu.memref_slice %arg10[%mul3A_33, %dma_wait3A_86] : memref<10240x128xf32, #tpu.memory_space<vmem_shared>> -> memref<640x128xf32, #tpu.memory_space<vmem_shared>>
      tpu.wait_dma2 semaphore(%run_scoped3A : memref<!tpu.dma_semaphore, #tpu.memory_space<semaphore_mem>>) src(%dma_wait3A_87 : memref<640x128xf32, #tpu.memory_space<vmem_shared>>) dst(%dma_wait3A_85 : memref<640x128xf32, #tpu.memory_space<hbm>>)
      tpu.yield
    }) : () -> ()
    %mul3A_36 = arith.constant 2 : i32
    %mul3A_37 = arith.muli %arg0, %mul3A_36 : i32
    %add3A_38 = arith.constant 1 : i32
    %add3A_39 = arith.addi %mul3A_37, %add3A_38 : i32
    %mul3A_40 = arith.constant 640 : i32
    %mul3A_41 = arith.muli %arg1, %mul3A_40 : i32
    "tpu.region"() ({
      %run_scoped3A = tpu.sem_alloc : memref<!tpu.dma_semaphore, #tpu.memory_space<semaphore_mem>>
      %dma_start3A_78 = arith.constant 0 : i32
      %dma_start3A_79 = tpu.memref_slice %arg10[%mul3A_41, %dma_start3A_78] : memref<10240x128xf32, #tpu.memory_space<vmem_shared>> -> memref<640x128xf32, #tpu.memory_space<vmem_shared>>
      tpu.enqueue_dma source(%arg5 : memref<640x128xf32, #tpu.memory_space<hbm>>) target(%dma_start3A_79 : memref<640x128xf32, #tpu.memory_space<vmem_shared>>) target_semaphore(%run_scoped3A : memref<!tpu.dma_semaphore, #tpu.memory_space<semaphore_mem>>)
      %dma_wait3A_80 = arith.constant 0 : i32
      %dma_wait3A_81 = tpu.memref_slice %arg10[%mul3A_41, %dma_wait3A_80] : memref<10240x128xf32, #tpu.memory_space<vmem_shared>> -> memref<640x128xf32, #tpu.memory_space<vmem_shared>>
      tpu.wait_dma2 semaphore(%run_scoped3A : memref<!tpu.dma_semaphore, #tpu.memory_space<semaphore_mem>>) src(%arg5 : memref<640x128xf32, #tpu.memory_space<hbm>>) dst(%dma_wait3A_81 : memref<640x128xf32, #tpu.memory_space<vmem_shared>>)
      tpu.yield
    }) : () -> ()
    %barrier3A_42 = arith.constant 0 : index
    tpu.barrier barrier_id(%barrier3A_42)
    %dma_start3A_43 = arith.constant 0 : i32
    %dma_start3A_44 = arith.constant 0 : i32
    %dma_start3A_45 = tpu.memref_slice %arg9[%dma_start3A_43, %dma_start3A_44] : memref<160x128xf32, #tpu.memory_space<vmem>> -> memref<80x128xf32, #tpu.memory_space<vmem>>
    %dma_start3A_46 = arith.constant 0 : i32
    %dma_start3A_47 = tpu.memref_slice %arg7[%dma_start3A_46] : memref<10240xi32, #tpu.memory_space<vmem>> -> memref<80xi32, #tpu.memory_space<vmem>>
    %dma_start3A_48 = arith.constant 0 : i32
    %dma_start3A_49 = arith.constant 0 : i32
    %dma_start3A_50 = tpu.memref_slice %arg2[%add3A_39, %dma_start3A_48, %dma_start3A_49] : memref<4x10240x128xf32, #tpu.memory_space<hbm>> -> memref<1x10240x128xf32, #tpu.memory_space<hbm>>
    %dma_start3A_51 = tpu.memref_squeeze %dma_start3A_50 : memref<1x10240x128xf32, #tpu.memory_space<hbm>> -> memref<10240x128xf32, #tpu.memory_space<hbm>>
    %dma_start3A_52 = arith.constant 0 : i32
    %dma_start3A_53 = arith.constant 0 : i32
    %dma_start3A_54 = tpu.memref_slice %dma_start3A_51[%dma_start3A_52, %dma_start3A_53] : memref<10240x128xf32, #tpu.memory_space<hbm>> -> memref<10240x128xf32, #tpu.memory_space<hbm>>
    tpu.enqueue_indirect_dma source(%dma_start3A_54 : memref<10240x128xf32, #tpu.memory_space<hbm>>) target(%dma_start3A_45 : memref<80x128xf32, #tpu.memory_space<vmem>>) offsets(%dma_start3A_47 : memref<80xi32, #tpu.memory_space<vmem>>) semaphore(%arg11 : memref<!tpu.dma_semaphore, #tpu.memory_space<semaphore_mem>>)
    %scan3A_55 = arith.constant 0 : i32
    %scan3A_56 = arith.constant 0 : i32
    %scan3A_57 = arith.constant 128 : i32
    %scan3A_58 = arith.addi %scan3A_56, %scan3A_57 : i32
    %scan3A_59 = arith.constant 1 : i32
    scf.for %scan3A_78 = %scan3A_56 to %scan3A_58 step %scan3A_59  : i32 {
      %rem3A = arith.constant 2 : i32
      %rem3A_79 = arith.remsi %scan3A_78, %rem3A : i32
      %mul3A_80 = arith.constant 80 : i32
      %mul3A_81 = arith.muli %rem3A_79, %mul3A_80 : i32
      %dma_wait3A_82 = arith.constant 0 : i32
      %dma_wait3A_83 = arith.constant 0 : i32
      %dma_wait3A_84 = tpu.memref_slice %arg9[%dma_wait3A_82, %dma_wait3A_83] : memref<160x128xf32, #tpu.memory_space<vmem>> -> memref<80x128xf32, #tpu.memory_space<vmem>>
      %dma_wait3A_85 = arith.constant 0 : i32
      %dma_wait3A_86 = arith.constant 0 : i32
      %dma_wait3A_87 = tpu.memref_slice %arg5[%dma_wait3A_85, %dma_wait3A_86] : memref<640x128xf32, #tpu.memory_space<hbm>> -> memref<80x128xf32, #tpu.memory_space<hbm>>
      %dma_wait3A_88 = arith.constant 0 : i32
      %dma_wait3A_89 = arith.constant 0 : i32
      %dma_wait3A_90 = tpu.memref_slice %arg9[%dma_wait3A_88, %dma_wait3A_89] : memref<160x128xf32, #tpu.memory_space<vmem>> -> memref<80x128xf32, #tpu.memory_space<vmem>>
      %dma_wait3A_91 = arith.constant 0 : i32
      %dma_wait3A_92 = arith.constant 0 : i32
      %dma_wait3A_93 = tpu.memref_slice %arg5[%dma_wait3A_91, %dma_wait3A_92] : memref<640x128xf32, #tpu.memory_space<hbm>> -> memref<80x128xf32, #tpu.memory_space<hbm>>
      tpu.wait_dma2 semaphore(%arg11 : memref<!tpu.dma_semaphore, #tpu.memory_space<semaphore_mem>>) src(%dma_wait3A_93 : memref<80x128xf32, #tpu.memory_space<hbm>>) dst(%dma_wait3A_90 : memref<80x128xf32, #tpu.memory_space<vmem>>)
      %mul3A_94 = arith.constant 80 : i32
      %mul3A_95 = arith.muli %scan3A_78, %mul3A_94 : i32
      %dma_start3A_96 = arith.constant 0 : i32
      %dma_start3A_97 = tpu.memref_slice %arg9[%mul3A_81, %dma_start3A_96] : memref<160x128xf32, #tpu.memory_space<vmem>> -> memref<80x128xf32, #tpu.memory_space<vmem>>
      %dma_start3A_98 = tpu.memref_slice %arg8[%mul3A_95] : memref<10240xi32, #tpu.memory_space<vmem>> -> memref<80xi32, #tpu.memory_space<vmem>>
      %dma_start3A_99 = arith.constant 0 : i32
      %dma_start3A_100 = arith.constant 0 : i32
      %dma_start3A_101 = tpu.memref_slice %arg10[%dma_start3A_99, %dma_start3A_100] : memref<10240x128xf32, #tpu.memory_space<vmem_shared>> -> memref<10240x128xf32, #tpu.memory_space<vmem_shared>>
      tpu.enqueue_indirect_dma source(%dma_start3A_97 : memref<80x128xf32, #tpu.memory_space<vmem>>) target(%dma_start3A_101 : memref<10240x128xf32, #tpu.memory_space<vmem_shared>>) offsets(%dma_start3A_98 : memref<80xi32, #tpu.memory_space<vmem>>) semaphore(%arg12 : memref<!tpu.dma_semaphore, #tpu.memory_space<semaphore_mem>>) {add = true}
      %gt3A = arith.constant 0 : i32
      %gt3A_102 = arith.cmpi sgt, %scan3A_78, %gt3A : i32
      %convert_element_type3A = arith.extui %gt3A_102 : i1 to i32
      %cond3A = arith.constant 0 : i32
      %cond3A_103 = arith.cmpi ne, %convert_element_type3A, %cond3A : i32
      scf.if %cond3A_103 {
        %dma_wait3A_110 = arith.constant 80 : i32
        %dma_wait3A_111 = arith.constant 0 : i32
        %dma_wait3A_112 = tpu.memref_slice %arg9[%dma_wait3A_110, %dma_wait3A_111] : memref<160x128xf32, #tpu.memory_space<vmem>> -> memref<80x128xf32, #tpu.memory_space<vmem>>
        %dma_wait3A_113 = arith.constant 0 : i32
        %dma_wait3A_114 = arith.constant 0 : i32
        %dma_wait3A_115 = tpu.memref_slice %arg5[%dma_wait3A_113, %dma_wait3A_114] : memref<640x128xf32, #tpu.memory_space<hbm>> -> memref<80x128xf32, #tpu.memory_space<hbm>>
        %dma_wait3A_116 = arith.constant 80 : i32
        %dma_wait3A_117 = arith.constant 0 : i32
        %dma_wait3A_118 = tpu.memref_slice %arg9[%dma_wait3A_116, %dma_wait3A_117] : memref<160x128xf32, #tpu.memory_space<vmem>> -> memref<80x128xf32, #tpu.memory_space<vmem>>
        %dma_wait3A_119 = arith.constant 0 : i32
        %dma_wait3A_120 = arith.constant 0 : i32
        %dma_wait3A_121 = tpu.memref_slice %arg5[%dma_wait3A_119, %dma_wait3A_120] : memref<640x128xf32, #tpu.memory_space<hbm>> -> memref<80x128xf32, #tpu.memory_space<hbm>>
        tpu.wait_dma2 semaphore(%arg12 : memref<!tpu.dma_semaphore, #tpu.memory_space<semaphore_mem>>) src(%dma_wait3A_121 : memref<80x128xf32, #tpu.memory_space<hbm>>) dst(%dma_wait3A_118 : memref<80x128xf32, #tpu.memory_space<vmem>>)
      } else {
      }
      %add3A_104 = arith.constant 1 : i32
      %add3A_105 = arith.addi %scan3A_78, %add3A_104 : i32
      %lt3A = arith.constant 128 : i32
      %lt3A_106 = arith.cmpi slt, %add3A_105, %lt3A : i32
      %convert_element_type3A_107 = arith.extui %lt3A_106 : i1 to i32
      %cond3A_108 = arith.constant 0 : i32
      %cond3A_109 = arith.cmpi ne, %convert_element_type3A_107, %cond3A_108 : i32
      scf.if %cond3A_109 {
        %mul3A_110 = arith.constant 80 : i32
        %mul3A_111 = arith.muli %add3A_105, %mul3A_110 : i32
        %rem3A_112 = arith.constant 2 : i32
        %rem3A_113 = arith.remsi %add3A_105, %rem3A_112 : i32
        %mul3A_114 = arith.constant 80 : i32
        %mul3A_115 = arith.muli %rem3A_113, %mul3A_114 : i32
        %dma_start3A_116 = arith.constant 0 : i32
        %dma_start3A_117 = tpu.memref_slice %arg9[%mul3A_115, %dma_start3A_116] : memref<160x128xf32, #tpu.memory_space<vmem>> -> memref<80x128xf32, #tpu.memory_space<vmem>>
        %dma_start3A_118 = tpu.memref_slice %arg7[%mul3A_111] : memref<10240xi32, #tpu.memory_space<vmem>> -> memref<80xi32, #tpu.memory_space<vmem>>
        %dma_start3A_119 = arith.constant 0 : i32
        %dma_start3A_120 = arith.constant 0 : i32
        %dma_start3A_121 = tpu.memref_slice %arg2[%add3A_39, %dma_start3A_119, %dma_start3A_120] : memref<4x10240x128xf32, #tpu.memory_space<hbm>> -> memref<1x10240x128xf32, #tpu.memory_space<hbm>>
        %dma_start3A_122 = tpu.memref_squeeze %dma_start3A_121 : memref<1x10240x128xf32, #tpu.memory_space<hbm>> -> memref<10240x128xf32, #tpu.memory_space<hbm>>
        %dma_start3A_123 = arith.constant 0 : i32
        %dma_start3A_124 = arith.constant 0 : i32
        %dma_start3A_125 = tpu.memref_slice %dma_start3A_122[%dma_start3A_123, %dma_start3A_124] : memref<10240x128xf32, #tpu.memory_space<hbm>> -> memref<10240x128xf32, #tpu.memory_space<hbm>>
        tpu.enqueue_indirect_dma source(%dma_start3A_125 : memref<10240x128xf32, #tpu.memory_space<hbm>>) target(%dma_start3A_117 : memref<80x128xf32, #tpu.memory_space<vmem>>) offsets(%dma_start3A_118 : memref<80xi32, #tpu.memory_space<vmem>>) semaphore(%arg11 : memref<!tpu.dma_semaphore, #tpu.memory_space<semaphore_mem>>)
      } else {
      }
    }
    %scan3A_60 = arith.constant 128 : i32
    %dma_wait3A_61 = arith.constant 0 : i32
    %dma_wait3A_62 = arith.constant 0 : i32
    %dma_wait3A_63 = tpu.memref_slice %arg9[%dma_wait3A_61, %dma_wait3A_62] : memref<160x128xf32, #tpu.memory_space<vmem>> -> memref<80x128xf32, #tpu.memory_space<vmem>>
    %dma_wait3A_64 = arith.constant 0 : i32
    %dma_wait3A_65 = arith.constant 0 : i32
    %dma_wait3A_66 = tpu.memref_slice %arg5[%dma_wait3A_64, %dma_wait3A_65] : memref<640x128xf32, #tpu.memory_space<hbm>> -> memref<80x128xf32, #tpu.memory_space<hbm>>
    %dma_wait3A_67 = arith.constant 0 : i32
    %dma_wait3A_68 = arith.constant 0 : i32
    %dma_wait3A_69 = tpu.memref_slice %arg9[%dma_wait3A_67, %dma_wait3A_68] : memref<160x128xf32, #tpu.memory_space<vmem>> -> memref<80x128xf32, #tpu.memory_space<vmem>>
    %dma_wait3A_70 = arith.constant 0 : i32
    %dma_wait3A_71 = arith.constant 0 : i32
    %dma_wait3A_72 = tpu.memref_slice %arg5[%dma_wait3A_70, %dma_wait3A_71] : memref<640x128xf32, #tpu.memory_space<hbm>> -> memref<80x128xf32, #tpu.memory_space<hbm>>
    tpu.wait_dma2 semaphore(%arg12 : memref<!tpu.dma_semaphore, #tpu.memory_space<semaphore_mem>>) src(%dma_wait3A_72 : memref<80x128xf32, #tpu.memory_space<hbm>>) dst(%dma_wait3A_69 : memref<80x128xf32, #tpu.memory_space<vmem>>)
    %barrier3A_73 = arith.constant 0 : index
    tpu.barrier barrier_id(%barrier3A_73)
    %mul3A_74 = arith.constant 640 : i32
    %mul3A_75 = arith.muli %arg1, %mul3A_74 : i32
    %mul3A_76 = arith.constant 640 : i32
    %mul3A_77 = arith.muli %arg1, %mul3A_76 : i32
    "tpu.region"() ({
      %run_scoped3A = tpu.sem_alloc : memref<!tpu.dma_semaphore, #tpu.memory_space<semaphore_mem>>
      %dma_start3A_78 = arith.constant 0 : i32
      %dma_start3A_79 = tpu.memref_slice %arg6[%add3A_39, %mul3A_77, %dma_start3A_78] : memref<4x10240x128xf32, #tpu.memory_space<hbm>> -> memref<1x640x128xf32, #tpu.memory_space<hbm>>
      %dma_start3A_80 = tpu.memref_squeeze %dma_start3A_79 : memref<1x640x128xf32, #tpu.memory_space<hbm>> -> memref<640x128xf32, #tpu.memory_space<hbm>>
      %dma_start3A_81 = arith.constant 0 : i32
      %dma_start3A_82 = tpu.memref_slice %arg10[%mul3A_75, %dma_start3A_81] : memref<10240x128xf32, #tpu.memory_space<vmem_shared>> -> memref<640x128xf32, #tpu.memory_space<vmem_shared>>
      tpu.enqueue_dma source(%dma_start3A_82 : memref<640x128xf32, #tpu.memory_space<vmem_shared>>) target(%dma_start3A_80 : memref<640x128xf32, #tpu.memory_space<hbm>>) target_semaphore(%run_scoped3A : memref<!tpu.dma_semaphore, #tpu.memory_space<semaphore_mem>>)
      %dma_wait3A_83 = arith.constant 0 : i32
      %dma_wait3A_84 = tpu.memref_slice %arg6[%add3A_39, %mul3A_77, %dma_wait3A_83] : memref<4x10240x128xf32, #tpu.memory_space<hbm>> -> memref<1x640x128xf32, #tpu.memory_space<hbm>>
      %dma_wait3A_85 = tpu.memref_squeeze %dma_wait3A_84 : memref<1x640x128xf32, #tpu.memory_space<hbm>> -> memref<640x128xf32, #tpu.memory_space<hbm>>
      %dma_wait3A_86 = arith.constant 0 : i32
      %dma_wait3A_87 = tpu.memref_slice %arg10[%mul3A_75, %dma_wait3A_86] : memref<10240x128xf32, #tpu.memory_space<vmem_shared>> -> memref<640x128xf32, #tpu.memory_space<vmem_shared>>
      tpu.wait_dma2 semaphore(%run_scoped3A : memref<!tpu.dma_semaphore, #tpu.memory_space<semaphore_mem>>) src(%dma_wait3A_87 : memref<640x128xf32, #tpu.memory_space<vmem_shared>>) dst(%dma_wait3A_85 : memref<640x128xf32, #tpu.memory_space<hbm>>)
      tpu.yield
    }) : () -> ()
    return
  }
}

#map = affine_map<(d0, d1) -> (0, 0, 0)>
#map1 = affine_map<(d0, d1) -> (0, 0)>
module attributes {stable_mosaic.version = 14 : i64} {
  func.func @_agg_body(%arg0: i32, %arg1: i32, %arg2: memref<4x10240x128xf32, #tpu.memory_space<hbm>>, %arg3: memref<16x10240xi32, #tpu.memory_space<hbm>>, %arg4: memref<16x10240xi32, #tpu.memory_space<hbm>>, %arg5: memref<640x128xf32, #tpu.memory_space<hbm>>, %arg6: memref<4x10240x128xf32, #tpu.memory_space<hbm>>, %arg7: memref<10240xi32, #tpu.memory_space<vmem>>, %arg8: memref<10240xi32, #tpu.memory_space<vmem>>, %arg9: memref<160x128xf32, #tpu.memory_space<vmem>>, %arg10: memref<10240x128xf32, #tpu.memory_space<vmem_shared>>, %arg11: memref<!tpu.dma_semaphore, #tpu.memory_space<semaphore_mem>>, %arg12: memref<!tpu.dma_semaphore, #tpu.memory_space<semaphore_mem>>) attributes {dimension_semantics = [#tpu.dimension_semantics<core_parallel>, #tpu.dimension_semantics<subcore_parallel>], iteration_bounds = array<i64: 2, 16>, scalar_prefetch = 0 : i64, scratch_operands = 6 : i64, tpu.core_type = #tpu.core_type<sc_vector_subcore>, window_params = [{transform_indices = #map}, {transform_indices = #map1}, {transform_indices = #map1}, {transform_indices = #map1}, {transform_indices = #map}]} {
    "tpu.region"() ({
      %run_scoped3A = tpu.sem_alloc : memref<!tpu.dma_semaphore, #tpu.memory_space<semaphore_mem>>
      %dma_start3A_78 = arith.constant 0 : i32
      %dma_start3A_79 = tpu.memref_slice %arg3[%arg1, %dma_start3A_78] : memref<16x10240xi32, #tpu.memory_space<hbm>> -> memref<1x10240xi32, #tpu.memory_space<hbm>>
      %dma_start3A_80 = tpu.memref_squeeze %dma_start3A_79 : memref<1x10240xi32, #tpu.memory_space<hbm>> -> memref<10240xi32, #tpu.memory_space<hbm>>
      %dma_start3A_81 = arith.constant 0 : i32
      %dma_start3A_82 = tpu.memref_slice %arg3[%arg1, %dma_start3A_81] : memref<16x10240xi32, #tpu.memory_space<hbm>> -> memref<1x10240xi32, #tpu.memory_space<hbm>>
      %dma_start3A_83 = tpu.memref_squeeze %dma_start3A_82 : memref<1x10240xi32, #tpu.memory_space<hbm>> -> memref<10240xi32, #tpu.memory_space<hbm>>
      tpu.enqueue_dma source(%dma_start3A_83 : memref<10240xi32, #tpu.memory_space<hbm>>) target(%arg7 : memref<10240xi32, #tpu.memory_space<vmem>>) target_semaphore(%run_scoped3A : memref<!tpu.dma_semaphore, #tpu.memory_space<semaphore_mem>>)
      %dma_wait3A_84 = arith.constant 0 : i32
      %dma_wait3A_85 = tpu.memref_slice %arg3[%arg1, %dma_wait3A_84] : memref<16x10240xi32, #tpu.memory_space<hbm>> -> memref<1x10240xi32, #tpu.memory_space<hbm>>
      %dma_wait3A_86 = tpu.memref_squeeze %dma_wait3A_85 : memref<1x10240xi32, #tpu.memory_space<hbm>> -> memref<10240xi32, #tpu.memory_space<hbm>>
      %dma_wait3A_87 = arith.constant 0 : i32
      %dma_wait3A_88 = tpu.memref_slice %arg3[%arg1, %dma_wait3A_87] : memref<16x10240xi32, #tpu.memory_space<hbm>> -> memref<1x10240xi32, #tpu.memory_space<hbm>>
      %dma_wait3A_89 = tpu.memref_squeeze %dma_wait3A_88 : memref<1x10240xi32, #tpu.memory_space<hbm>> -> memref<10240xi32, #tpu.memory_space<hbm>>
      tpu.wait_dma2 semaphore(%run_scoped3A : memref<!tpu.dma_semaphore, #tpu.memory_space<semaphore_mem>>) src(%dma_wait3A_89 : memref<10240xi32, #tpu.memory_space<hbm>>) dst(%arg7 : memref<10240xi32, #tpu.memory_space<vmem>>)
      tpu.yield
    }) : () -> ()
    "tpu.region"() ({
      %run_scoped3A = tpu.sem_alloc : memref<!tpu.dma_semaphore, #tpu.memory_space<semaphore_mem>>
      %dma_start3A_78 = arith.constant 0 : i32
      %dma_start3A_79 = tpu.memref_slice %arg4[%arg1, %dma_start3A_78] : memref<16x10240xi32, #tpu.memory_space<hbm>> -> memref<1x10240xi32, #tpu.memory_space<hbm>>
      %dma_start3A_80 = tpu.memref_squeeze %dma_start3A_79 : memref<1x10240xi32, #tpu.memory_space<hbm>> -> memref<10240xi32, #tpu.memory_space<hbm>>
      %dma_start3A_81 = arith.constant 0 : i32
      %dma_start3A_82 = tpu.memref_slice %arg4[%arg1, %dma_start3A_81] : memref<16x10240xi32, #tpu.memory_space<hbm>> -> memref<1x10240xi32, #tpu.memory_space<hbm>>
      %dma_start3A_83 = tpu.memref_squeeze %dma_start3A_82 : memref<1x10240xi32, #tpu.memory_space<hbm>> -> memref<10240xi32, #tpu.memory_space<hbm>>
      tpu.enqueue_dma source(%dma_start3A_83 : memref<10240xi32, #tpu.memory_space<hbm>>) target(%arg8 : memref<10240xi32, #tpu.memory_space<vmem>>) target_semaphore(%run_scoped3A : memref<!tpu.dma_semaphore, #tpu.memory_space<semaphore_mem>>)
      %dma_wait3A_84 = arith.constant 0 : i32
      %dma_wait3A_85 = tpu.memref_slice %arg4[%arg1, %dma_wait3A_84] : memref<16x10240xi32, #tpu.memory_space<hbm>> -> memref<1x10240xi32, #tpu.memory_space<hbm>>
      %dma_wait3A_86 = tpu.memref_squeeze %dma_wait3A_85 : memref<1x10240xi32, #tpu.memory_space<hbm>> -> memref<10240xi32, #tpu.memory_space<hbm>>
      %dma_wait3A_87 = arith.constant 0 : i32
      %dma_wait3A_88 = tpu.memref_slice %arg4[%arg1, %dma_wait3A_87] : memref<16x10240xi32, #tpu.memory_space<hbm>> -> memref<1x10240xi32, #tpu.memory_space<hbm>>
      %dma_wait3A_89 = tpu.memref_squeeze %dma_wait3A_88 : memref<1x10240xi32, #tpu.memory_space<hbm>> -> memref<10240xi32, #tpu.memory_space<hbm>>
      tpu.wait_dma2 semaphore(%run_scoped3A : memref<!tpu.dma_semaphore, #tpu.memory_space<semaphore_mem>>) src(%dma_wait3A_89 : memref<10240xi32, #tpu.memory_space<hbm>>) dst(%arg8 : memref<10240xi32, #tpu.memory_space<vmem>>)
      tpu.yield
    }) : () -> ()
    %mul3A = arith.constant 2 : i32
    %mul3A_0 = arith.muli %arg0, %mul3A : i32
    %add3A = arith.constant 0 : i32
    %add3A_1 = arith.addi %mul3A_0, %add3A : i32
    %mul3A_2 = arith.constant 640 : i32
    %mul3A_3 = arith.muli %arg1, %mul3A_2 : i32
    "tpu.region"() ({
      %run_scoped3A = tpu.sem_alloc : memref<!tpu.dma_semaphore, #tpu.memory_space<semaphore_mem>>
      %dma_start3A_78 = arith.constant 0 : i32
      %dma_start3A_79 = tpu.memref_slice %arg10[%mul3A_3, %dma_start3A_78] : memref<10240x128xf32, #tpu.memory_space<vmem_shared>> -> memref<640x128xf32, #tpu.memory_space<vmem_shared>>
      tpu.enqueue_dma source(%arg5 : memref<640x128xf32, #tpu.memory_space<hbm>>) target(%dma_start3A_79 : memref<640x128xf32, #tpu.memory_space<vmem_shared>>) target_semaphore(%run_scoped3A : memref<!tpu.dma_semaphore, #tpu.memory_space<semaphore_mem>>)
      %dma_wait3A_80 = arith.constant 0 : i32
      %dma_wait3A_81 = tpu.memref_slice %arg10[%mul3A_3, %dma_wait3A_80] : memref<10240x128xf32, #tpu.memory_space<vmem_shared>> -> memref<640x128xf32, #tpu.memory_space<vmem_shared>>
      tpu.wait_dma2 semaphore(%run_scoped3A : memref<!tpu.dma_semaphore, #tpu.memory_space<semaphore_mem>>) src(%arg5 : memref<640x128xf32, #tpu.memory_space<hbm>>) dst(%dma_wait3A_81 : memref<640x128xf32, #tpu.memory_space<vmem_shared>>)
      tpu.yield
    }) : () -> ()
    %barrier3A = arith.constant 0 : index
    tpu.barrier barrier_id(%barrier3A)
    %dma_start3A = arith.constant 0 : i32
    %dma_start3A_4 = arith.constant 0 : i32
    %dma_start3A_5 = tpu.memref_slice %arg9[%dma_start3A, %dma_start3A_4] : memref<160x128xf32, #tpu.memory_space<vmem>> -> memref<80x128xf32, #tpu.memory_space<vmem>>
    %dma_start3A_6 = arith.constant 0 : i32
    %dma_start3A_7 = tpu.memref_slice %arg7[%dma_start3A_6] : memref<10240xi32, #tpu.memory_space<vmem>> -> memref<80xi32, #tpu.memory_space<vmem>>
    %dma_start3A_8 = arith.constant 0 : i32
    %dma_start3A_9 = arith.constant 0 : i32
    %dma_start3A_10 = tpu.memref_slice %arg2[%add3A_1, %dma_start3A_8, %dma_start3A_9] : memref<4x10240x128xf32, #tpu.memory_space<hbm>> -> memref<1x10240x128xf32, #tpu.memory_space<hbm>>
    %dma_start3A_11 = tpu.memref_squeeze %dma_start3A_10 : memref<1x10240x128xf32, #tpu.memory_space<hbm>> -> memref<10240x128xf32, #tpu.memory_space<hbm>>
    %dma_start3A_12 = arith.constant 0 : i32
    %dma_start3A_13 = arith.constant 0 : i32
    %dma_start3A_14 = tpu.memref_slice %dma_start3A_11[%dma_start3A_12, %dma_start3A_13] : memref<10240x128xf32, #tpu.memory_space<hbm>> -> memref<10240x128xf32, #tpu.memory_space<hbm>>
    tpu.enqueue_indirect_dma source(%dma_start3A_14 : memref<10240x128xf32, #tpu.memory_space<hbm>>) target(%dma_start3A_5 : memref<80x128xf32, #tpu.memory_space<vmem>>) offsets(%dma_start3A_7 : memref<80xi32, #tpu.memory_space<vmem>>) semaphore(%arg11 : memref<!tpu.dma_semaphore, #tpu.memory_space<semaphore_mem>>)
    %scan3A = arith.constant 0 : i32
    %scan3A_15 = arith.constant 0 : i32
    %scan3A_16 = arith.constant 128 : i32
    %scan3A_17 = arith.addi %scan3A_15, %scan3A_16 : i32
    %scan3A_18 = arith.constant 1 : i32
    scf.for %scan3A_78 = %scan3A_15 to %scan3A_17 step %scan3A_18  : i32 {
      %rem3A = arith.constant 2 : i32
      %rem3A_79 = arith.remsi %scan3A_78, %rem3A : i32
      %mul3A_80 = arith.constant 80 : i32
      %mul3A_81 = arith.muli %rem3A_79, %mul3A_80 : i32
      %dma_wait3A_82 = arith.constant 0 : i32
      %dma_wait3A_83 = arith.constant 0 : i32
      %dma_wait3A_84 = tpu.memref_slice %arg9[%dma_wait3A_82, %dma_wait3A_83] : memref<160x128xf32, #tpu.memory_space<vmem>> -> memref<80x128xf32, #tpu.memory_space<vmem>>
      %dma_wait3A_85 = arith.constant 0 : i32
      %dma_wait3A_86 = arith.constant 0 : i32
      %dma_wait3A_87 = tpu.memref_slice %arg5[%dma_wait3A_85, %dma_wait3A_86] : memref<640x128xf32, #tpu.memory_space<hbm>> -> memref<80x128xf32, #tpu.memory_space<hbm>>
      %dma_wait3A_88 = arith.constant 0 : i32
      %dma_wait3A_89 = arith.constant 0 : i32
      %dma_wait3A_90 = tpu.memref_slice %arg9[%dma_wait3A_88, %dma_wait3A_89] : memref<160x128xf32, #tpu.memory_space<vmem>> -> memref<80x128xf32, #tpu.memory_space<vmem>>
      %dma_wait3A_91 = arith.constant 0 : i32
      %dma_wait3A_92 = arith.constant 0 : i32
      %dma_wait3A_93 = tpu.memref_slice %arg5[%dma_wait3A_91, %dma_wait3A_92] : memref<640x128xf32, #tpu.memory_space<hbm>> -> memref<80x128xf32, #tpu.memory_space<hbm>>
      tpu.wait_dma2 semaphore(%arg11 : memref<!tpu.dma_semaphore, #tpu.memory_space<semaphore_mem>>) src(%dma_wait3A_93 : memref<80x128xf32, #tpu.memory_space<hbm>>) dst(%dma_wait3A_90 : memref<80x128xf32, #tpu.memory_space<vmem>>)
      %mul3A_94 = arith.constant 80 : i32
      %mul3A_95 = arith.muli %scan3A_78, %mul3A_94 : i32
      %dma_start3A_96 = arith.constant 0 : i32
      %dma_start3A_97 = tpu.memref_slice %arg9[%mul3A_81, %dma_start3A_96] : memref<160x128xf32, #tpu.memory_space<vmem>> -> memref<80x128xf32, #tpu.memory_space<vmem>>
      %dma_start3A_98 = tpu.memref_slice %arg8[%mul3A_95] : memref<10240xi32, #tpu.memory_space<vmem>> -> memref<80xi32, #tpu.memory_space<vmem>>
      %dma_start3A_99 = arith.constant 0 : i32
      %dma_start3A_100 = arith.constant 0 : i32
      %dma_start3A_101 = tpu.memref_slice %arg10[%dma_start3A_99, %dma_start3A_100] : memref<10240x128xf32, #tpu.memory_space<vmem_shared>> -> memref<10240x128xf32, #tpu.memory_space<vmem_shared>>
      tpu.enqueue_indirect_dma source(%dma_start3A_97 : memref<80x128xf32, #tpu.memory_space<vmem>>) target(%dma_start3A_101 : memref<10240x128xf32, #tpu.memory_space<vmem_shared>>) offsets(%dma_start3A_98 : memref<80xi32, #tpu.memory_space<vmem>>) semaphore(%arg12 : memref<!tpu.dma_semaphore, #tpu.memory_space<semaphore_mem>>) {add = true}
      %gt3A = arith.constant 0 : i32
      %gt3A_102 = arith.cmpi sgt, %scan3A_78, %gt3A : i32
      %convert_element_type3A = arith.extui %gt3A_102 : i1 to i32
      %cond3A = arith.constant 0 : i32
      %cond3A_103 = arith.cmpi ne, %convert_element_type3A, %cond3A : i32
      scf.if %cond3A_103 {
        %dma_wait3A_110 = arith.constant 80 : i32
        %dma_wait3A_111 = arith.constant 0 : i32
        %dma_wait3A_112 = tpu.memref_slice %arg9[%dma_wait3A_110, %dma_wait3A_111] : memref<160x128xf32, #tpu.memory_space<vmem>> -> memref<80x128xf32, #tpu.memory_space<vmem>>
        %dma_wait3A_113 = arith.constant 0 : i32
        %dma_wait3A_114 = arith.constant 0 : i32
        %dma_wait3A_115 = tpu.memref_slice %arg5[%dma_wait3A_113, %dma_wait3A_114] : memref<640x128xf32, #tpu.memory_space<hbm>> -> memref<80x128xf32, #tpu.memory_space<hbm>>
        %dma_wait3A_116 = arith.constant 80 : i32
        %dma_wait3A_117 = arith.constant 0 : i32
        %dma_wait3A_118 = tpu.memref_slice %arg9[%dma_wait3A_116, %dma_wait3A_117] : memref<160x128xf32, #tpu.memory_space<vmem>> -> memref<80x128xf32, #tpu.memory_space<vmem>>
        %dma_wait3A_119 = arith.constant 0 : i32
        %dma_wait3A_120 = arith.constant 0 : i32
        %dma_wait3A_121 = tpu.memref_slice %arg5[%dma_wait3A_119, %dma_wait3A_120] : memref<640x128xf32, #tpu.memory_space<hbm>> -> memref<80x128xf32, #tpu.memory_space<hbm>>
        tpu.wait_dma2 semaphore(%arg12 : memref<!tpu.dma_semaphore, #tpu.memory_space<semaphore_mem>>) src(%dma_wait3A_121 : memref<80x128xf32, #tpu.memory_space<hbm>>) dst(%dma_wait3A_118 : memref<80x128xf32, #tpu.memory_space<vmem>>)
      } else {
      }
      %add3A_104 = arith.constant 1 : i32
      %add3A_105 = arith.addi %scan3A_78, %add3A_104 : i32
      %lt3A = arith.constant 128 : i32
      %lt3A_106 = arith.cmpi slt, %add3A_105, %lt3A : i32
      %convert_element_type3A_107 = arith.extui %lt3A_106 : i1 to i32
      %cond3A_108 = arith.constant 0 : i32
      %cond3A_109 = arith.cmpi ne, %convert_element_type3A_107, %cond3A_108 : i32
      scf.if %cond3A_109 {
        %mul3A_110 = arith.constant 80 : i32
        %mul3A_111 = arith.muli %add3A_105, %mul3A_110 : i32
        %rem3A_112 = arith.constant 2 : i32
        %rem3A_113 = arith.remsi %add3A_105, %rem3A_112 : i32
        %mul3A_114 = arith.constant 80 : i32
        %mul3A_115 = arith.muli %rem3A_113, %mul3A_114 : i32
        %dma_start3A_116 = arith.constant 0 : i32
        %dma_start3A_117 = tpu.memref_slice %arg9[%mul3A_115, %dma_start3A_116] : memref<160x128xf32, #tpu.memory_space<vmem>> -> memref<80x128xf32, #tpu.memory_space<vmem>>
        %dma_start3A_118 = tpu.memref_slice %arg7[%mul3A_111] : memref<10240xi32, #tpu.memory_space<vmem>> -> memref<80xi32, #tpu.memory_space<vmem>>
        %dma_start3A_119 = arith.constant 0 : i32
        %dma_start3A_120 = arith.constant 0 : i32
        %dma_start3A_121 = tpu.memref_slice %arg2[%add3A_1, %dma_start3A_119, %dma_start3A_120] : memref<4x10240x128xf32, #tpu.memory_space<hbm>> -> memref<1x10240x128xf32, #tpu.memory_space<hbm>>
        %dma_start3A_122 = tpu.memref_squeeze %dma_start3A_121 : memref<1x10240x128xf32, #tpu.memory_space<hbm>> -> memref<10240x128xf32, #tpu.memory_space<hbm>>
        %dma_start3A_123 = arith.constant 0 : i32
        %dma_start3A_124 = arith.constant 0 : i32
        %dma_start3A_125 = tpu.memref_slice %dma_start3A_122[%dma_start3A_123, %dma_start3A_124] : memref<10240x128xf32, #tpu.memory_space<hbm>> -> memref<10240x128xf32, #tpu.memory_space<hbm>>
        tpu.enqueue_indirect_dma source(%dma_start3A_125 : memref<10240x128xf32, #tpu.memory_space<hbm>>) target(%dma_start3A_117 : memref<80x128xf32, #tpu.memory_space<vmem>>) offsets(%dma_start3A_118 : memref<80xi32, #tpu.memory_space<vmem>>) semaphore(%arg11 : memref<!tpu.dma_semaphore, #tpu.memory_space<semaphore_mem>>)
      } else {
      }
    }
    %scan3A_19 = arith.constant 128 : i32
    %dma_wait3A = arith.constant 0 : i32
    %dma_wait3A_20 = arith.constant 0 : i32
    %dma_wait3A_21 = tpu.memref_slice %arg9[%dma_wait3A, %dma_wait3A_20] : memref<160x128xf32, #tpu.memory_space<vmem>> -> memref<80x128xf32, #tpu.memory_space<vmem>>
    %dma_wait3A_22 = arith.constant 0 : i32
    %dma_wait3A_23 = arith.constant 0 : i32
    %dma_wait3A_24 = tpu.memref_slice %arg5[%dma_wait3A_22, %dma_wait3A_23] : memref<640x128xf32, #tpu.memory_space<hbm>> -> memref<80x128xf32, #tpu.memory_space<hbm>>
    %dma_wait3A_25 = arith.constant 0 : i32
    %dma_wait3A_26 = arith.constant 0 : i32
    %dma_wait3A_27 = tpu.memref_slice %arg9[%dma_wait3A_25, %dma_wait3A_26] : memref<160x128xf32, #tpu.memory_space<vmem>> -> memref<80x128xf32, #tpu.memory_space<vmem>>
    %dma_wait3A_28 = arith.constant 0 : i32
    %dma_wait3A_29 = arith.constant 0 : i32
    %dma_wait3A_30 = tpu.memref_slice %arg5[%dma_wait3A_28, %dma_wait3A_29] : memref<640x128xf32, #tpu.memory_space<hbm>> -> memref<80x128xf32, #tpu.memory_space<hbm>>
    tpu.wait_dma2 semaphore(%arg12 : memref<!tpu.dma_semaphore, #tpu.memory_space<semaphore_mem>>) src(%dma_wait3A_30 : memref<80x128xf32, #tpu.memory_space<hbm>>) dst(%dma_wait3A_27 : memref<80x128xf32, #tpu.memory_space<vmem>>)
    %barrier3A_31 = arith.constant 0 : index
    tpu.barrier barrier_id(%barrier3A_31)
    %mul3A_32 = arith.constant 640 : i32
    %mul3A_33 = arith.muli %arg1, %mul3A_32 : i32
    %mul3A_34 = arith.constant 640 : i32
    %mul3A_35 = arith.muli %arg1, %mul3A_34 : i32
    "tpu.region"() ({
      %run_scoped3A = tpu.sem_alloc : memref<!tpu.dma_semaphore, #tpu.memory_space<semaphore_mem>>
      %dma_start3A_78 = arith.constant 0 : i32
      %dma_start3A_79 = tpu.memref_slice %arg6[%add3A_1, %mul3A_35, %dma_start3A_78] : memref<4x10240x128xf32, #tpu.memory_space<hbm>> -> memref<1x640x128xf32, #tpu.memory_space<hbm>>
      %dma_start3A_80 = tpu.memref_squeeze %dma_start3A_79 : memref<1x640x128xf32, #tpu.memory_space<hbm>> -> memref<640x128xf32, #tpu.memory_space<hbm>>
      %dma_start3A_81 = arith.constant 0 : i32
      %dma_start3A_82 = tpu.memref_slice %arg10[%mul3A_33, %dma_start3A_81] : memref<10240x128xf32, #tpu.memory_space<vmem_shared>> -> memref<640x128xf32, #tpu.memory_space<vmem_shared>>
      tpu.enqueue_dma source(%dma_start3A_82 : memref<640x128xf32, #tpu.memory_space<vmem_shared>>) target(%dma_start3A_80 : memref<640x128xf32, #tpu.memory_space<hbm>>) target_semaphore(%run_scoped3A : memref<!tpu.dma_semaphore, #tpu.memory_space<semaphore_mem>>)
      %dma_wait3A_83 = arith.constant 0 : i32
      %dma_wait3A_84 = tpu.memref_slice %arg6[%add3A_1, %mul3A_35, %dma_wait3A_83] : memref<4x10240x128xf32, #tpu.memory_space<hbm>> -> memref<1x640x128xf32, #tpu.memory_space<hbm>>
      %dma_wait3A_85 = tpu.memref_squeeze %dma_wait3A_84 : memref<1x640x128xf32, #tpu.memory_space<hbm>> -> memref<640x128xf32, #tpu.memory_space<hbm>>
      %dma_wait3A_86 = arith.constant 0 : i32
      %dma_wait3A_87 = tpu.memref_slice %arg10[%mul3A_33, %dma_wait3A_86] : memref<10240x128xf32, #tpu.memory_space<vmem_shared>> -> memref<640x128xf32, #tpu.memory_space<vmem_shared>>
      tpu.wait_dma2 semaphore(%run_scoped3A : memref<!tpu.dma_semaphore, #tpu.memory_space<semaphore_mem>>) src(%dma_wait3A_87 : memref<640x128xf32, #tpu.memory_space<vmem_shared>>) dst(%dma_wait3A_85 : memref<640x128xf32, #tpu.memory_space<hbm>>)
      tpu.yield
    }) : () -> ()
    %mul3A_36 = arith.constant 2 : i32
    %mul3A_37 = arith.muli %arg0, %mul3A_36 : i32
    %add3A_38 = arith.constant 1 : i32
    %add3A_39 = arith.addi %mul3A_37, %add3A_38 : i32
    %mul3A_40 = arith.constant 640 : i32
    %mul3A_41 = arith.muli %arg1, %mul3A_40 : i32
    "tpu.region"() ({
      %run_scoped3A = tpu.sem_alloc : memref<!tpu.dma_semaphore, #tpu.memory_space<semaphore_mem>>
      %dma_start3A_78 = arith.constant 0 : i32
      %dma_start3A_79 = tpu.memref_slice %arg10[%mul3A_41, %dma_start3A_78] : memref<10240x128xf32, #tpu.memory_space<vmem_shared>> -> memref<640x128xf32, #tpu.memory_space<vmem_shared>>
      tpu.enqueue_dma source(%arg5 : memref<640x128xf32, #tpu.memory_space<hbm>>) target(%dma_start3A_79 : memref<640x128xf32, #tpu.memory_space<vmem_shared>>) target_semaphore(%run_scoped3A : memref<!tpu.dma_semaphore, #tpu.memory_space<semaphore_mem>>)
      %dma_wait3A_80 = arith.constant 0 : i32
      %dma_wait3A_81 = tpu.memref_slice %arg10[%mul3A_41, %dma_wait3A_80] : memref<10240x128xf32, #tpu.memory_space<vmem_shared>> -> memref<640x128xf32, #tpu.memory_space<vmem_shared>>
      tpu.wait_dma2 semaphore(%run_scoped3A : memref<!tpu.dma_semaphore, #tpu.memory_space<semaphore_mem>>) src(%arg5 : memref<640x128xf32, #tpu.memory_space<hbm>>) dst(%dma_wait3A_81 : memref<640x128xf32, #tpu.memory_space<vmem_shared>>)
      tpu.yield
    }) : () -> ()
    %barrier3A_42 = arith.constant 0 : index
    tpu.barrier barrier_id(%barrier3A_42)
    %dma_start3A_43 = arith.constant 0 : i32
    %dma_start3A_44 = arith.constant 0 : i32
    %dma_start3A_45 = tpu.memref_slice %arg9[%dma_start3A_43, %dma_start3A_44] : memref<160x128xf32, #tpu.memory_space<vmem>> -> memref<80x128xf32, #tpu.memory_space<vmem>>
    %dma_start3A_46 = arith.constant 0 : i32
    %dma_start3A_47 = tpu.memref_slice %arg7[%dma_start3A_46] : memref<10240xi32, #tpu.memory_space<vmem>> -> memref<80xi32, #tpu.memory_space<vmem>>
    %dma_start3A_48 = arith.constant 0 : i32
    %dma_start3A_49 = arith.constant 0 : i32
    %dma_start3A_50 = tpu.memref_slice %arg2[%add3A_39, %dma_start3A_48, %dma_start3A_49] : memref<4x10240x128xf32, #tpu.memory_space<hbm>> -> memref<1x10240x128xf32, #tpu.memory_space<hbm>>
    %dma_start3A_51 = tpu.memref_squeeze %dma_start3A_50 : memref<1x10240x128xf32, #tpu.memory_space<hbm>> -> memref<10240x128xf32, #tpu.memory_space<hbm>>
    %dma_start3A_52 = arith.constant 0 : i32
    %dma_start3A_53 = arith.constant 0 : i32
    %dma_start3A_54 = tpu.memref_slice %dma_start3A_51[%dma_start3A_52, %dma_start3A_53] : memref<10240x128xf32, #tpu.memory_space<hbm>> -> memref<10240x128xf32, #tpu.memory_space<hbm>>
    tpu.enqueue_indirect_dma source(%dma_start3A_54 : memref<10240x128xf32, #tpu.memory_space<hbm>>) target(%dma_start3A_45 : memref<80x128xf32, #tpu.memory_space<vmem>>) offsets(%dma_start3A_47 : memref<80xi32, #tpu.memory_space<vmem>>) semaphore(%arg11 : memref<!tpu.dma_semaphore, #tpu.memory_space<semaphore_mem>>)
    %scan3A_55 = arith.constant 0 : i32
    %scan3A_56 = arith.constant 0 : i32
    %scan3A_57 = arith.constant 128 : i32
    %scan3A_58 = arith.addi %scan3A_56, %scan3A_57 : i32
    %scan3A_59 = arith.constant 1 : i32
    scf.for %scan3A_78 = %scan3A_56 to %scan3A_58 step %scan3A_59  : i32 {
      %rem3A = arith.constant 2 : i32
      %rem3A_79 = arith.remsi %scan3A_78, %rem3A : i32
      %mul3A_80 = arith.constant 80 : i32
      %mul3A_81 = arith.muli %rem3A_79, %mul3A_80 : i32
      %dma_wait3A_82 = arith.constant 0 : i32
      %dma_wait3A_83 = arith.constant 0 : i32
      %dma_wait3A_84 = tpu.memref_slice %arg9[%dma_wait3A_82, %dma_wait3A_83] : memref<160x128xf32, #tpu.memory_space<vmem>> -> memref<80x128xf32, #tpu.memory_space<vmem>>
      %dma_wait3A_85 = arith.constant 0 : i32
      %dma_wait3A_86 = arith.constant 0 : i32
      %dma_wait3A_87 = tpu.memref_slice %arg5[%dma_wait3A_85, %dma_wait3A_86] : memref<640x128xf32, #tpu.memory_space<hbm>> -> memref<80x128xf32, #tpu.memory_space<hbm>>
      %dma_wait3A_88 = arith.constant 0 : i32
      %dma_wait3A_89 = arith.constant 0 : i32
      %dma_wait3A_90 = tpu.memref_slice %arg9[%dma_wait3A_88, %dma_wait3A_89] : memref<160x128xf32, #tpu.memory_space<vmem>> -> memref<80x128xf32, #tpu.memory_space<vmem>>
      %dma_wait3A_91 = arith.constant 0 : i32
      %dma_wait3A_92 = arith.constant 0 : i32
      %dma_wait3A_93 = tpu.memref_slice %arg5[%dma_wait3A_91, %dma_wait3A_92] : memref<640x128xf32, #tpu.memory_space<hbm>> -> memref<80x128xf32, #tpu.memory_space<hbm>>
      tpu.wait_dma2 semaphore(%arg11 : memref<!tpu.dma_semaphore, #tpu.memory_space<semaphore_mem>>) src(%dma_wait3A_93 : memref<80x128xf32, #tpu.memory_space<hbm>>) dst(%dma_wait3A_90 : memref<80x128xf32, #tpu.memory_space<vmem>>)
      %mul3A_94 = arith.constant 80 : i32
      %mul3A_95 = arith.muli %scan3A_78, %mul3A_94 : i32
      %dma_start3A_96 = arith.constant 0 : i32
      %dma_start3A_97 = tpu.memref_slice %arg9[%mul3A_81, %dma_start3A_96] : memref<160x128xf32, #tpu.memory_space<vmem>> -> memref<80x128xf32, #tpu.memory_space<vmem>>
      %dma_start3A_98 = tpu.memref_slice %arg8[%mul3A_95] : memref<10240xi32, #tpu.memory_space<vmem>> -> memref<80xi32, #tpu.memory_space<vmem>>
      %dma_start3A_99 = arith.constant 0 : i32
      %dma_start3A_100 = arith.constant 0 : i32
      %dma_start3A_101 = tpu.memref_slice %arg10[%dma_start3A_99, %dma_start3A_100] : memref<10240x128xf32, #tpu.memory_space<vmem_shared>> -> memref<10240x128xf32, #tpu.memory_space<vmem_shared>>
      tpu.enqueue_indirect_dma source(%dma_start3A_97 : memref<80x128xf32, #tpu.memory_space<vmem>>) target(%dma_start3A_101 : memref<10240x128xf32, #tpu.memory_space<vmem_shared>>) offsets(%dma_start3A_98 : memref<80xi32, #tpu.memory_space<vmem>>) semaphore(%arg12 : memref<!tpu.dma_semaphore, #tpu.memory_space<semaphore_mem>>) {add = true}
      %gt3A = arith.constant 0 : i32
      %gt3A_102 = arith.cmpi sgt, %scan3A_78, %gt3A : i32
      %convert_element_type3A = arith.extui %gt3A_102 : i1 to i32
      %cond3A = arith.constant 0 : i32
      %cond3A_103 = arith.cmpi ne, %convert_element_type3A, %cond3A : i32
      scf.if %cond3A_103 {
        %dma_wait3A_110 = arith.constant 80 : i32
        %dma_wait3A_111 = arith.constant 0 : i32
        %dma_wait3A_112 = tpu.memref_slice %arg9[%dma_wait3A_110, %dma_wait3A_111] : memref<160x128xf32, #tpu.memory_space<vmem>> -> memref<80x128xf32, #tpu.memory_space<vmem>>
        %dma_wait3A_113 = arith.constant 0 : i32
        %dma_wait3A_114 = arith.constant 0 : i32
        %dma_wait3A_115 = tpu.memref_slice %arg5[%dma_wait3A_113, %dma_wait3A_114] : memref<640x128xf32, #tpu.memory_space<hbm>> -> memref<80x128xf32, #tpu.memory_space<hbm>>
        %dma_wait3A_116 = arith.constant 80 : i32
        %dma_wait3A_117 = arith.constant 0 : i32
        %dma_wait3A_118 = tpu.memref_slice %arg9[%dma_wait3A_116, %dma_wait3A_117] : memref<160x128xf32, #tpu.memory_space<vmem>> -> memref<80x128xf32, #tpu.memory_space<vmem>>
        %dma_wait3A_119 = arith.constant 0 : i32
        %dma_wait3A_120 = arith.constant 0 : i32
        %dma_wait3A_121 = tpu.memref_slice %arg5[%dma_wait3A_119, %dma_wait3A_120] : memref<640x128xf32, #tpu.memory_space<hbm>> -> memref<80x128xf32, #tpu.memory_space<hbm>>
        tpu.wait_dma2 semaphore(%arg12 : memref<!tpu.dma_semaphore, #tpu.memory_space<semaphore_mem>>) src(%dma_wait3A_121 : memref<80x128xf32, #tpu.memory_space<hbm>>) dst(%dma_wait3A_118 : memref<80x128xf32, #tpu.memory_space<vmem>>)
      } else {
      }
      %add3A_104 = arith.constant 1 : i32
      %add3A_105 = arith.addi %scan3A_78, %add3A_104 : i32
      %lt3A = arith.constant 128 : i32
      %lt3A_106 = arith.cmpi slt, %add3A_105, %lt3A : i32
      %convert_element_type3A_107 = arith.extui %lt3A_106 : i1 to i32
      %cond3A_108 = arith.constant 0 : i32
      %cond3A_109 = arith.cmpi ne, %convert_element_type3A_107, %cond3A_108 : i32
      scf.if %cond3A_109 {
        %mul3A_110 = arith.constant 80 : i32
        %mul3A_111 = arith.muli %add3A_105, %mul3A_110 : i32
        %rem3A_112 = arith.constant 2 : i32
        %rem3A_113 = arith.remsi %add3A_105, %rem3A_112 : i32
        %mul3A_114 = arith.constant 80 : i32
        %mul3A_115 = arith.muli %rem3A_113, %mul3A_114 : i32
        %dma_start3A_116 = arith.constant 0 : i32
        %dma_start3A_117 = tpu.memref_slice %arg9[%mul3A_115, %dma_start3A_116] : memref<160x128xf32, #tpu.memory_space<vmem>> -> memref<80x128xf32, #tpu.memory_space<vmem>>
        %dma_start3A_118 = tpu.memref_slice %arg7[%mul3A_111] : memref<10240xi32, #tpu.memory_space<vmem>> -> memref<80xi32, #tpu.memory_space<vmem>>
        %dma_start3A_119 = arith.constant 0 : i32
        %dma_start3A_120 = arith.constant 0 : i32
        %dma_start3A_121 = tpu.memref_slice %arg2[%add3A_39, %dma_start3A_119, %dma_start3A_120] : memref<4x10240x128xf32, #tpu.memory_space<hbm>> -> memref<1x10240x128xf32, #tpu.memory_space<hbm>>
        %dma_start3A_122 = tpu.memref_squeeze %dma_start3A_121 : memref<1x10240x128xf32, #tpu.memory_space<hbm>> -> memref<10240x128xf32, #tpu.memory_space<hbm>>
        %dma_start3A_123 = arith.constant 0 : i32
        %dma_start3A_124 = arith.constant 0 : i32
        %dma_start3A_125 = tpu.memref_slice %dma_start3A_122[%dma_start3A_123, %dma_start3A_124] : memref<10240x128xf32, #tpu.memory_space<hbm>> -> memref<10240x128xf32, #tpu.memory_space<hbm>>
        tpu.enqueue_indirect_dma source(%dma_start3A_125 : memref<10240x128xf32, #tpu.memory_space<hbm>>) target(%dma_start3A_117 : memref<80x128xf32, #tpu.memory_space<vmem>>) offsets(%dma_start3A_118 : memref<80xi32, #tpu.memory_space<vmem>>) semaphore(%arg11 : memref<!tpu.dma_semaphore, #tpu.memory_space<semaphore_mem>>)
      } else {
      }
    }
    %scan3A_60 = arith.constant 128 : i32
    %dma_wait3A_61 = arith.constant 0 : i32
    %dma_wait3A_62 = arith.constant 0 : i32
    %dma_wait3A_63 = tpu.memref_slice %arg9[%dma_wait3A_61, %dma_wait3A_62] : memref<160x128xf32, #tpu.memory_space<vmem>> -> memref<80x128xf32, #tpu.memory_space<vmem>>
    %dma_wait3A_64 = arith.constant 0 : i32
    %dma_wait3A_65 = arith.constant 0 : i32
    %dma_wait3A_66 = tpu.memref_slice %arg5[%dma_wait3A_64, %dma_wait3A_65] : memref<640x128xf32, #tpu.memory_space<hbm>> -> memref<80x128xf32, #tpu.memory_space<hbm>>
    %dma_wait3A_67 = arith.constant 0 : i32
    %dma_wait3A_68 = arith.constant 0 : i32
    %dma_wait3A_69 = tpu.memref_slice %arg9[%dma_wait3A_67, %dma_wait3A_68] : memref<160x128xf32, #tpu.memory_space<vmem>> -> memref<80x128xf32, #tpu.memory_space<vmem>>
    %dma_wait3A_70 = arith.constant 0 : i32
    %dma_wait3A_71 = arith.constant 0 : i32
    %dma_wait3A_72 = tpu.memref_slice %arg5[%dma_wait3A_70, %dma_wait3A_71] : memref<640x128xf32, #tpu.memory_space<hbm>> -> memref<80x128xf32, #tpu.memory_space<hbm>>
    tpu.wait_dma2 semaphore(%arg12 : memref<!tpu.dma_semaphore, #tpu.memory_space<semaphore_mem>>) src(%dma_wait3A_72 : memref<80x128xf32, #tpu.memory_space<hbm>>) dst(%dma_wait3A_69 : memref<80x128xf32, #tpu.memory_space<vmem>>)
    %barrier3A_73 = arith.constant 0 : index
    tpu.barrier barrier_id(%barrier3A_73)
    %mul3A_74 = arith.constant 640 : i32
    %mul3A_75 = arith.muli %arg1, %mul3A_74 : i32
    %mul3A_76 = arith.constant 640 : i32
    %mul3A_77 = arith.muli %arg1, %mul3A_76 : i32
    "tpu.region"() ({
      %run_scoped3A = tpu.sem_alloc : memref<!tpu.dma_semaphore, #tpu.memory_space<semaphore_mem>>
      %dma_start3A_78 = arith.constant 0 : i32
      %dma_start3A_79 = tpu.memref_slice %arg6[%add3A_39, %mul3A_77, %dma_start3A_78] : memref<4x10240x128xf32, #tpu.memory_space<hbm>> -> memref<1x640x128xf32, #tpu.memory_space<hbm>>
      %dma_start3A_80 = tpu.memref_squeeze %dma_start3A_79 : memref<1x640x128xf32, #tpu.memory_space<hbm>> -> memref<640x128xf32, #tpu.memory_space<hbm>>
      %dma_start3A_81 = arith.constant 0 : i32
      %dma_start3A_82 = tpu.memref_slice %arg10[%mul3A_75, %dma_start3A_81] : memref<10240x128xf32, #tpu.memory_space<vmem_shared>> -> memref<640x128xf32, #tpu.memory_space<vmem_shared>>
      tpu.enqueue_dma source(%dma_start3A_82 : memref<640x128xf32, #tpu.memory_space<vmem_shared>>) target(%dma_start3A_80 : memref<640x128xf32, #tpu.memory_space<hbm>>) target_semaphore(%run_scoped3A : memref<!tpu.dma_semaphore, #tpu.memory_space<semaphore_mem>>)
      %dma_wait3A_83 = arith.constant 0 : i32
      %dma_wait3A_84 = tpu.memref_slice %arg6[%add3A_39, %mul3A_77, %dma_wait3A_83] : memref<4x10240x128xf32, #tpu.memory_space<hbm>> -> memref<1x640x128xf32, #tpu.memory_space<hbm>>
      %dma_wait3A_85 = tpu.memref_squeeze %dma_wait3A_84 : memref<1x640x128xf32, #tpu.memory_space<hbm>> -> memref<640x128xf32, #tpu.memory_space<hbm>>
      %dma_wait3A_86 = arith.constant 0 : i32
      %dma_wait3A_87 = tpu.memref_slice %arg10[%mul3A_75, %dma_wait3A_86] : memref<10240x128xf32, #tpu.memory_space<vmem_shared>> -> memref<640x128xf32, #tpu.memory_space<vmem_shared>>
      tpu.wait_dma2 semaphore(%run_scoped3A : memref<!tpu.dma_semaphore, #tpu.memory_space<semaphore_mem>>) src(%dma_wait3A_87 : memref<640x128xf32, #tpu.memory_space<vmem_shared>>) dst(%dma_wait3A_85 : memref<640x128xf32, #tpu.memory_space<hbm>>)
      tpu.yield
    }) : () -> ()
    return
  }
}

#map = affine_map<(d0, d1) -> (0, 0, 0)>
#map1 = affine_map<(d0, d1) -> (0, 0)>
module attributes {stable_mosaic.version = 14 : i64} {
  func.func @_agg_body(%arg0: i32, %arg1: i32, %arg2: memref<4x10240x128xf32, #tpu.memory_space<hbm>>, %arg3: memref<16x10240xi32, #tpu.memory_space<hbm>>, %arg4: memref<16x10240xi32, #tpu.memory_space<hbm>>, %arg5: memref<640x128xf32, #tpu.memory_space<hbm>>, %arg6: memref<4x10240x128xf32, #tpu.memory_space<hbm>>, %arg7: memref<10240xi32, #tpu.memory_space<vmem>>, %arg8: memref<10240xi32, #tpu.memory_space<vmem>>, %arg9: memref<160x128xf32, #tpu.memory_space<vmem>>, %arg10: memref<10240x128xf32, #tpu.memory_space<vmem_shared>>, %arg11: memref<!tpu.dma_semaphore, #tpu.memory_space<semaphore_mem>>, %arg12: memref<!tpu.dma_semaphore, #tpu.memory_space<semaphore_mem>>) attributes {dimension_semantics = [#tpu.dimension_semantics<core_parallel>, #tpu.dimension_semantics<subcore_parallel>], iteration_bounds = array<i64: 2, 16>, scalar_prefetch = 0 : i64, scratch_operands = 6 : i64, tpu.core_type = #tpu.core_type<sc_vector_subcore>, window_params = [{transform_indices = #map}, {transform_indices = #map1}, {transform_indices = #map1}, {transform_indices = #map1}, {transform_indices = #map}]} {
    "tpu.region"() ({
      %run_scoped3A = tpu.sem_alloc : memref<!tpu.dma_semaphore, #tpu.memory_space<semaphore_mem>>
      %dma_start3A_78 = arith.constant 0 : i32
      %dma_start3A_79 = tpu.memref_slice %arg3[%arg1, %dma_start3A_78] : memref<16x10240xi32, #tpu.memory_space<hbm>> -> memref<1x10240xi32, #tpu.memory_space<hbm>>
      %dma_start3A_80 = tpu.memref_squeeze %dma_start3A_79 : memref<1x10240xi32, #tpu.memory_space<hbm>> -> memref<10240xi32, #tpu.memory_space<hbm>>
      %dma_start3A_81 = arith.constant 0 : i32
      %dma_start3A_82 = tpu.memref_slice %arg3[%arg1, %dma_start3A_81] : memref<16x10240xi32, #tpu.memory_space<hbm>> -> memref<1x10240xi32, #tpu.memory_space<hbm>>
      %dma_start3A_83 = tpu.memref_squeeze %dma_start3A_82 : memref<1x10240xi32, #tpu.memory_space<hbm>> -> memref<10240xi32, #tpu.memory_space<hbm>>
      tpu.enqueue_dma source(%dma_start3A_83 : memref<10240xi32, #tpu.memory_space<hbm>>) target(%arg7 : memref<10240xi32, #tpu.memory_space<vmem>>) target_semaphore(%run_scoped3A : memref<!tpu.dma_semaphore, #tpu.memory_space<semaphore_mem>>)
      %dma_wait3A_84 = arith.constant 0 : i32
      %dma_wait3A_85 = tpu.memref_slice %arg3[%arg1, %dma_wait3A_84] : memref<16x10240xi32, #tpu.memory_space<hbm>> -> memref<1x10240xi32, #tpu.memory_space<hbm>>
      %dma_wait3A_86 = tpu.memref_squeeze %dma_wait3A_85 : memref<1x10240xi32, #tpu.memory_space<hbm>> -> memref<10240xi32, #tpu.memory_space<hbm>>
      %dma_wait3A_87 = arith.constant 0 : i32
      %dma_wait3A_88 = tpu.memref_slice %arg3[%arg1, %dma_wait3A_87] : memref<16x10240xi32, #tpu.memory_space<hbm>> -> memref<1x10240xi32, #tpu.memory_space<hbm>>
      %dma_wait3A_89 = tpu.memref_squeeze %dma_wait3A_88 : memref<1x10240xi32, #tpu.memory_space<hbm>> -> memref<10240xi32, #tpu.memory_space<hbm>>
      tpu.wait_dma2 semaphore(%run_scoped3A : memref<!tpu.dma_semaphore, #tpu.memory_space<semaphore_mem>>) src(%dma_wait3A_89 : memref<10240xi32, #tpu.memory_space<hbm>>) dst(%arg7 : memref<10240xi32, #tpu.memory_space<vmem>>)
      tpu.yield
    }) : () -> ()
    "tpu.region"() ({
      %run_scoped3A = tpu.sem_alloc : memref<!tpu.dma_semaphore, #tpu.memory_space<semaphore_mem>>
      %dma_start3A_78 = arith.constant 0 : i32
      %dma_start3A_79 = tpu.memref_slice %arg4[%arg1, %dma_start3A_78] : memref<16x10240xi32, #tpu.memory_space<hbm>> -> memref<1x10240xi32, #tpu.memory_space<hbm>>
      %dma_start3A_80 = tpu.memref_squeeze %dma_start3A_79 : memref<1x10240xi32, #tpu.memory_space<hbm>> -> memref<10240xi32, #tpu.memory_space<hbm>>
      %dma_start3A_81 = arith.constant 0 : i32
      %dma_start3A_82 = tpu.memref_slice %arg4[%arg1, %dma_start3A_81] : memref<16x10240xi32, #tpu.memory_space<hbm>> -> memref<1x10240xi32, #tpu.memory_space<hbm>>
      %dma_start3A_83 = tpu.memref_squeeze %dma_start3A_82 : memref<1x10240xi32, #tpu.memory_space<hbm>> -> memref<10240xi32, #tpu.memory_space<hbm>>
      tpu.enqueue_dma source(%dma_start3A_83 : memref<10240xi32, #tpu.memory_space<hbm>>) target(%arg8 : memref<10240xi32, #tpu.memory_space<vmem>>) target_semaphore(%run_scoped3A : memref<!tpu.dma_semaphore, #tpu.memory_space<semaphore_mem>>)
      %dma_wait3A_84 = arith.constant 0 : i32
      %dma_wait3A_85 = tpu.memref_slice %arg4[%arg1, %dma_wait3A_84] : memref<16x10240xi32, #tpu.memory_space<hbm>> -> memref<1x10240xi32, #tpu.memory_space<hbm>>
      %dma_wait3A_86 = tpu.memref_squeeze %dma_wait3A_85 : memref<1x10240xi32, #tpu.memory_space<hbm>> -> memref<10240xi32, #tpu.memory_space<hbm>>
      %dma_wait3A_87 = arith.constant 0 : i32
      %dma_wait3A_88 = tpu.memref_slice %arg4[%arg1, %dma_wait3A_87] : memref<16x10240xi32, #tpu.memory_space<hbm>> -> memref<1x10240xi32, #tpu.memory_space<hbm>>
      %dma_wait3A_89 = tpu.memref_squeeze %dma_wait3A_88 : memref<1x10240xi32, #tpu.memory_space<hbm>> -> memref<10240xi32, #tpu.memory_space<hbm>>
      tpu.wait_dma2 semaphore(%run_scoped3A : memref<!tpu.dma_semaphore, #tpu.memory_space<semaphore_mem>>) src(%dma_wait3A_89 : memref<10240xi32, #tpu.memory_space<hbm>>) dst(%arg8 : memref<10240xi32, #tpu.memory_space<vmem>>)
      tpu.yield
    }) : () -> ()
    %mul3A = arith.constant 2 : i32
    %mul3A_0 = arith.muli %arg0, %mul3A : i32
    %add3A = arith.constant 0 : i32
    %add3A_1 = arith.addi %mul3A_0, %add3A : i32
    %mul3A_2 = arith.constant 640 : i32
    %mul3A_3 = arith.muli %arg1, %mul3A_2 : i32
    "tpu.region"() ({
      %run_scoped3A = tpu.sem_alloc : memref<!tpu.dma_semaphore, #tpu.memory_space<semaphore_mem>>
      %dma_start3A_78 = arith.constant 0 : i32
      %dma_start3A_79 = tpu.memref_slice %arg10[%mul3A_3, %dma_start3A_78] : memref<10240x128xf32, #tpu.memory_space<vmem_shared>> -> memref<640x128xf32, #tpu.memory_space<vmem_shared>>
      tpu.enqueue_dma source(%arg5 : memref<640x128xf32, #tpu.memory_space<hbm>>) target(%dma_start3A_79 : memref<640x128xf32, #tpu.memory_space<vmem_shared>>) target_semaphore(%run_scoped3A : memref<!tpu.dma_semaphore, #tpu.memory_space<semaphore_mem>>)
      %dma_wait3A_80 = arith.constant 0 : i32
      %dma_wait3A_81 = tpu.memref_slice %arg10[%mul3A_3, %dma_wait3A_80] : memref<10240x128xf32, #tpu.memory_space<vmem_shared>> -> memref<640x128xf32, #tpu.memory_space<vmem_shared>>
      tpu.wait_dma2 semaphore(%run_scoped3A : memref<!tpu.dma_semaphore, #tpu.memory_space<semaphore_mem>>) src(%arg5 : memref<640x128xf32, #tpu.memory_space<hbm>>) dst(%dma_wait3A_81 : memref<640x128xf32, #tpu.memory_space<vmem_shared>>)
      tpu.yield
    }) : () -> ()
    %barrier3A = arith.constant 0 : index
    tpu.barrier barrier_id(%barrier3A)
    %dma_start3A = arith.constant 0 : i32
    %dma_start3A_4 = arith.constant 0 : i32
    %dma_start3A_5 = tpu.memref_slice %arg9[%dma_start3A, %dma_start3A_4] : memref<160x128xf32, #tpu.memory_space<vmem>> -> memref<80x128xf32, #tpu.memory_space<vmem>>
    %dma_start3A_6 = arith.constant 0 : i32
    %dma_start3A_7 = tpu.memref_slice %arg7[%dma_start3A_6] : memref<10240xi32, #tpu.memory_space<vmem>> -> memref<80xi32, #tpu.memory_space<vmem>>
    %dma_start3A_8 = arith.constant 0 : i32
    %dma_start3A_9 = arith.constant 0 : i32
    %dma_start3A_10 = tpu.memref_slice %arg2[%add3A_1, %dma_start3A_8, %dma_start3A_9] : memref<4x10240x128xf32, #tpu.memory_space<hbm>> -> memref<1x10240x128xf32, #tpu.memory_space<hbm>>
    %dma_start3A_11 = tpu.memref_squeeze %dma_start3A_10 : memref<1x10240x128xf32, #tpu.memory_space<hbm>> -> memref<10240x128xf32, #tpu.memory_space<hbm>>
    %dma_start3A_12 = arith.constant 0 : i32
    %dma_start3A_13 = arith.constant 0 : i32
    %dma_start3A_14 = tpu.memref_slice %dma_start3A_11[%dma_start3A_12, %dma_start3A_13] : memref<10240x128xf32, #tpu.memory_space<hbm>> -> memref<10240x128xf32, #tpu.memory_space<hbm>>
    tpu.enqueue_indirect_dma source(%dma_start3A_14 : memref<10240x128xf32, #tpu.memory_space<hbm>>) target(%dma_start3A_5 : memref<80x128xf32, #tpu.memory_space<vmem>>) offsets(%dma_start3A_7 : memref<80xi32, #tpu.memory_space<vmem>>) semaphore(%arg11 : memref<!tpu.dma_semaphore, #tpu.memory_space<semaphore_mem>>)
    %scan3A = arith.constant 0 : i32
    %scan3A_15 = arith.constant 0 : i32
    %scan3A_16 = arith.constant 128 : i32
    %scan3A_17 = arith.addi %scan3A_15, %scan3A_16 : i32
    %scan3A_18 = arith.constant 1 : i32
    scf.for %scan3A_78 = %scan3A_15 to %scan3A_17 step %scan3A_18  : i32 {
      %rem3A = arith.constant 2 : i32
      %rem3A_79 = arith.remsi %scan3A_78, %rem3A : i32
      %mul3A_80 = arith.constant 80 : i32
      %mul3A_81 = arith.muli %rem3A_79, %mul3A_80 : i32
      %dma_wait3A_82 = arith.constant 0 : i32
      %dma_wait3A_83 = arith.constant 0 : i32
      %dma_wait3A_84 = tpu.memref_slice %arg9[%dma_wait3A_82, %dma_wait3A_83] : memref<160x128xf32, #tpu.memory_space<vmem>> -> memref<80x128xf32, #tpu.memory_space<vmem>>
      %dma_wait3A_85 = arith.constant 0 : i32
      %dma_wait3A_86 = arith.constant 0 : i32
      %dma_wait3A_87 = tpu.memref_slice %arg5[%dma_wait3A_85, %dma_wait3A_86] : memref<640x128xf32, #tpu.memory_space<hbm>> -> memref<80x128xf32, #tpu.memory_space<hbm>>
      %dma_wait3A_88 = arith.constant 0 : i32
      %dma_wait3A_89 = arith.constant 0 : i32
      %dma_wait3A_90 = tpu.memref_slice %arg9[%dma_wait3A_88, %dma_wait3A_89] : memref<160x128xf32, #tpu.memory_space<vmem>> -> memref<80x128xf32, #tpu.memory_space<vmem>>
      %dma_wait3A_91 = arith.constant 0 : i32
      %dma_wait3A_92 = arith.constant 0 : i32
      %dma_wait3A_93 = tpu.memref_slice %arg5[%dma_wait3A_91, %dma_wait3A_92] : memref<640x128xf32, #tpu.memory_space<hbm>> -> memref<80x128xf32, #tpu.memory_space<hbm>>
      tpu.wait_dma2 semaphore(%arg11 : memref<!tpu.dma_semaphore, #tpu.memory_space<semaphore_mem>>) src(%dma_wait3A_93 : memref<80x128xf32, #tpu.memory_space<hbm>>) dst(%dma_wait3A_90 : memref<80x128xf32, #tpu.memory_space<vmem>>)
      %mul3A_94 = arith.constant 80 : i32
      %mul3A_95 = arith.muli %scan3A_78, %mul3A_94 : i32
      %dma_start3A_96 = arith.constant 0 : i32
      %dma_start3A_97 = tpu.memref_slice %arg9[%mul3A_81, %dma_start3A_96] : memref<160x128xf32, #tpu.memory_space<vmem>> -> memref<80x128xf32, #tpu.memory_space<vmem>>
      %dma_start3A_98 = tpu.memref_slice %arg8[%mul3A_95] : memref<10240xi32, #tpu.memory_space<vmem>> -> memref<80xi32, #tpu.memory_space<vmem>>
      %dma_start3A_99 = arith.constant 0 : i32
      %dma_start3A_100 = arith.constant 0 : i32
      %dma_start3A_101 = tpu.memref_slice %arg10[%dma_start3A_99, %dma_start3A_100] : memref<10240x128xf32, #tpu.memory_space<vmem_shared>> -> memref<10240x128xf32, #tpu.memory_space<vmem_shared>>
      tpu.enqueue_indirect_dma source(%dma_start3A_97 : memref<80x128xf32, #tpu.memory_space<vmem>>) target(%dma_start3A_101 : memref<10240x128xf32, #tpu.memory_space<vmem_shared>>) offsets(%dma_start3A_98 : memref<80xi32, #tpu.memory_space<vmem>>) semaphore(%arg12 : memref<!tpu.dma_semaphore, #tpu.memory_space<semaphore_mem>>) {add = true}
      %gt3A = arith.constant 0 : i32
      %gt3A_102 = arith.cmpi sgt, %scan3A_78, %gt3A : i32
      %convert_element_type3A = arith.extui %gt3A_102 : i1 to i32
      %cond3A = arith.constant 0 : i32
      %cond3A_103 = arith.cmpi ne, %convert_element_type3A, %cond3A : i32
      scf.if %cond3A_103 {
        %dma_wait3A_110 = arith.constant 80 : i32
        %dma_wait3A_111 = arith.constant 0 : i32
        %dma_wait3A_112 = tpu.memref_slice %arg9[%dma_wait3A_110, %dma_wait3A_111] : memref<160x128xf32, #tpu.memory_space<vmem>> -> memref<80x128xf32, #tpu.memory_space<vmem>>
        %dma_wait3A_113 = arith.constant 0 : i32
        %dma_wait3A_114 = arith.constant 0 : i32
        %dma_wait3A_115 = tpu.memref_slice %arg5[%dma_wait3A_113, %dma_wait3A_114] : memref<640x128xf32, #tpu.memory_space<hbm>> -> memref<80x128xf32, #tpu.memory_space<hbm>>
        %dma_wait3A_116 = arith.constant 80 : i32
        %dma_wait3A_117 = arith.constant 0 : i32
        %dma_wait3A_118 = tpu.memref_slice %arg9[%dma_wait3A_116, %dma_wait3A_117] : memref<160x128xf32, #tpu.memory_space<vmem>> -> memref<80x128xf32, #tpu.memory_space<vmem>>
        %dma_wait3A_119 = arith.constant 0 : i32
        %dma_wait3A_120 = arith.constant 0 : i32
        %dma_wait3A_121 = tpu.memref_slice %arg5[%dma_wait3A_119, %dma_wait3A_120] : memref<640x128xf32, #tpu.memory_space<hbm>> -> memref<80x128xf32, #tpu.memory_space<hbm>>
        tpu.wait_dma2 semaphore(%arg12 : memref<!tpu.dma_semaphore, #tpu.memory_space<semaphore_mem>>) src(%dma_wait3A_121 : memref<80x128xf32, #tpu.memory_space<hbm>>) dst(%dma_wait3A_118 : memref<80x128xf32, #tpu.memory_space<vmem>>)
      } else {
      }
      %add3A_104 = arith.constant 1 : i32
      %add3A_105 = arith.addi %scan3A_78, %add3A_104 : i32
      %lt3A = arith.constant 128 : i32
      %lt3A_106 = arith.cmpi slt, %add3A_105, %lt3A : i32
      %convert_element_type3A_107 = arith.extui %lt3A_106 : i1 to i32
      %cond3A_108 = arith.constant 0 : i32
      %cond3A_109 = arith.cmpi ne, %convert_element_type3A_107, %cond3A_108 : i32
      scf.if %cond3A_109 {
        %mul3A_110 = arith.constant 80 : i32
        %mul3A_111 = arith.muli %add3A_105, %mul3A_110 : i32
        %rem3A_112 = arith.constant 2 : i32
        %rem3A_113 = arith.remsi %add3A_105, %rem3A_112 : i32
        %mul3A_114 = arith.constant 80 : i32
        %mul3A_115 = arith.muli %rem3A_113, %mul3A_114 : i32
        %dma_start3A_116 = arith.constant 0 : i32
        %dma_start3A_117 = tpu.memref_slice %arg9[%mul3A_115, %dma_start3A_116] : memref<160x128xf32, #tpu.memory_space<vmem>> -> memref<80x128xf32, #tpu.memory_space<vmem>>
        %dma_start3A_118 = tpu.memref_slice %arg7[%mul3A_111] : memref<10240xi32, #tpu.memory_space<vmem>> -> memref<80xi32, #tpu.memory_space<vmem>>
        %dma_start3A_119 = arith.constant 0 : i32
        %dma_start3A_120 = arith.constant 0 : i32
        %dma_start3A_121 = tpu.memref_slice %arg2[%add3A_1, %dma_start3A_119, %dma_start3A_120] : memref<4x10240x128xf32, #tpu.memory_space<hbm>> -> memref<1x10240x128xf32, #tpu.memory_space<hbm>>
        %dma_start3A_122 = tpu.memref_squeeze %dma_start3A_121 : memref<1x10240x128xf32, #tpu.memory_space<hbm>> -> memref<10240x128xf32, #tpu.memory_space<hbm>>
        %dma_start3A_123 = arith.constant 0 : i32
        %dma_start3A_124 = arith.constant 0 : i32
        %dma_start3A_125 = tpu.memref_slice %dma_start3A_122[%dma_start3A_123, %dma_start3A_124] : memref<10240x128xf32, #tpu.memory_space<hbm>> -> memref<10240x128xf32, #tpu.memory_space<hbm>>
        tpu.enqueue_indirect_dma source(%dma_start3A_125 : memref<10240x128xf32, #tpu.memory_space<hbm>>) target(%dma_start3A_117 : memref<80x128xf32, #tpu.memory_space<vmem>>) offsets(%dma_start3A_118 : memref<80xi32, #tpu.memory_space<vmem>>) semaphore(%arg11 : memref<!tpu.dma_semaphore, #tpu.memory_space<semaphore_mem>>)
      } else {
      }
    }
    %scan3A_19 = arith.constant 128 : i32
    %dma_wait3A = arith.constant 0 : i32
    %dma_wait3A_20 = arith.constant 0 : i32
    %dma_wait3A_21 = tpu.memref_slice %arg9[%dma_wait3A, %dma_wait3A_20] : memref<160x128xf32, #tpu.memory_space<vmem>> -> memref<80x128xf32, #tpu.memory_space<vmem>>
    %dma_wait3A_22 = arith.constant 0 : i32
    %dma_wait3A_23 = arith.constant 0 : i32
    %dma_wait3A_24 = tpu.memref_slice %arg5[%dma_wait3A_22, %dma_wait3A_23] : memref<640x128xf32, #tpu.memory_space<hbm>> -> memref<80x128xf32, #tpu.memory_space<hbm>>
    %dma_wait3A_25 = arith.constant 0 : i32
    %dma_wait3A_26 = arith.constant 0 : i32
    %dma_wait3A_27 = tpu.memref_slice %arg9[%dma_wait3A_25, %dma_wait3A_26] : memref<160x128xf32, #tpu.memory_space<vmem>> -> memref<80x128xf32, #tpu.memory_space<vmem>>
    %dma_wait3A_28 = arith.constant 0 : i32
    %dma_wait3A_29 = arith.constant 0 : i32
    %dma_wait3A_30 = tpu.memref_slice %arg5[%dma_wait3A_28, %dma_wait3A_29] : memref<640x128xf32, #tpu.memory_space<hbm>> -> memref<80x128xf32, #tpu.memory_space<hbm>>
    tpu.wait_dma2 semaphore(%arg12 : memref<!tpu.dma_semaphore, #tpu.memory_space<semaphore_mem>>) src(%dma_wait3A_30 : memref<80x128xf32, #tpu.memory_space<hbm>>) dst(%dma_wait3A_27 : memref<80x128xf32, #tpu.memory_space<vmem>>)
    %barrier3A_31 = arith.constant 0 : index
    tpu.barrier barrier_id(%barrier3A_31)
    %mul3A_32 = arith.constant 640 : i32
    %mul3A_33 = arith.muli %arg1, %mul3A_32 : i32
    %mul3A_34 = arith.constant 640 : i32
    %mul3A_35 = arith.muli %arg1, %mul3A_34 : i32
    "tpu.region"() ({
      %run_scoped3A = tpu.sem_alloc : memref<!tpu.dma_semaphore, #tpu.memory_space<semaphore_mem>>
      %dma_start3A_78 = arith.constant 0 : i32
      %dma_start3A_79 = tpu.memref_slice %arg6[%add3A_1, %mul3A_35, %dma_start3A_78] : memref<4x10240x128xf32, #tpu.memory_space<hbm>> -> memref<1x640x128xf32, #tpu.memory_space<hbm>>
      %dma_start3A_80 = tpu.memref_squeeze %dma_start3A_79 : memref<1x640x128xf32, #tpu.memory_space<hbm>> -> memref<640x128xf32, #tpu.memory_space<hbm>>
      %dma_start3A_81 = arith.constant 0 : i32
      %dma_start3A_82 = tpu.memref_slice %arg10[%mul3A_33, %dma_start3A_81] : memref<10240x128xf32, #tpu.memory_space<vmem_shared>> -> memref<640x128xf32, #tpu.memory_space<vmem_shared>>
      tpu.enqueue_dma source(%dma_start3A_82 : memref<640x128xf32, #tpu.memory_space<vmem_shared>>) target(%dma_start3A_80 : memref<640x128xf32, #tpu.memory_space<hbm>>) target_semaphore(%run_scoped3A : memref<!tpu.dma_semaphore, #tpu.memory_space<semaphore_mem>>)
      %dma_wait3A_83 = arith.constant 0 : i32
      %dma_wait3A_84 = tpu.memref_slice %arg6[%add3A_1, %mul3A_35, %dma_wait3A_83] : memref<4x10240x128xf32, #tpu.memory_space<hbm>> -> memref<1x640x128xf32, #tpu.memory_space<hbm>>
      %dma_wait3A_85 = tpu.memref_squeeze %dma_wait3A_84 : memref<1x640x128xf32, #tpu.memory_space<hbm>> -> memref<640x128xf32, #tpu.memory_space<hbm>>
      %dma_wait3A_86 = arith.constant 0 : i32
      %dma_wait3A_87 = tpu.memref_slice %arg10[%mul3A_33, %dma_wait3A_86] : memref<10240x128xf32, #tpu.memory_space<vmem_shared>> -> memref<640x128xf32, #tpu.memory_space<vmem_shared>>
      tpu.wait_dma2 semaphore(%run_scoped3A : memref<!tpu.dma_semaphore, #tpu.memory_space<semaphore_mem>>) src(%dma_wait3A_87 : memref<640x128xf32, #tpu.memory_space<vmem_shared>>) dst(%dma_wait3A_85 : memref<640x128xf32, #tpu.memory_space<hbm>>)
      tpu.yield
    }) : () -> ()
    %mul3A_36 = arith.constant 2 : i32
    %mul3A_37 = arith.muli %arg0, %mul3A_36 : i32
    %add3A_38 = arith.constant 1 : i32
    %add3A_39 = arith.addi %mul3A_37, %add3A_38 : i32
    %mul3A_40 = arith.constant 640 : i32
    %mul3A_41 = arith.muli %arg1, %mul3A_40 : i32
    "tpu.region"() ({
      %run_scoped3A = tpu.sem_alloc : memref<!tpu.dma_semaphore, #tpu.memory_space<semaphore_mem>>
      %dma_start3A_78 = arith.constant 0 : i32
      %dma_start3A_79 = tpu.memref_slice %arg10[%mul3A_41, %dma_start3A_78] : memref<10240x128xf32, #tpu.memory_space<vmem_shared>> -> memref<640x128xf32, #tpu.memory_space<vmem_shared>>
      tpu.enqueue_dma source(%arg5 : memref<640x128xf32, #tpu.memory_space<hbm>>) target(%dma_start3A_79 : memref<640x128xf32, #tpu.memory_space<vmem_shared>>) target_semaphore(%run_scoped3A : memref<!tpu.dma_semaphore, #tpu.memory_space<semaphore_mem>>)
      %dma_wait3A_80 = arith.constant 0 : i32
      %dma_wait3A_81 = tpu.memref_slice %arg10[%mul3A_41, %dma_wait3A_80] : memref<10240x128xf32, #tpu.memory_space<vmem_shared>> -> memref<640x128xf32, #tpu.memory_space<vmem_shared>>
      tpu.wait_dma2 semaphore(%run_scoped3A : memref<!tpu.dma_semaphore, #tpu.memory_space<semaphore_mem>>) src(%arg5 : memref<640x128xf32, #tpu.memory_space<hbm>>) dst(%dma_wait3A_81 : memref<640x128xf32, #tpu.memory_space<vmem_shared>>)
      tpu.yield
    }) : () -> ()
    %barrier3A_42 = arith.constant 0 : index
    tpu.barrier barrier_id(%barrier3A_42)
    %dma_start3A_43 = arith.constant 0 : i32
    %dma_start3A_44 = arith.constant 0 : i32
    %dma_start3A_45 = tpu.memref_slice %arg9[%dma_start3A_43, %dma_start3A_44] : memref<160x128xf32, #tpu.memory_space<vmem>> -> memref<80x128xf32, #tpu.memory_space<vmem>>
    %dma_start3A_46 = arith.constant 0 : i32
    %dma_start3A_47 = tpu.memref_slice %arg7[%dma_start3A_46] : memref<10240xi32, #tpu.memory_space<vmem>> -> memref<80xi32, #tpu.memory_space<vmem>>
    %dma_start3A_48 = arith.constant 0 : i32
    %dma_start3A_49 = arith.constant 0 : i32
    %dma_start3A_50 = tpu.memref_slice %arg2[%add3A_39, %dma_start3A_48, %dma_start3A_49] : memref<4x10240x128xf32, #tpu.memory_space<hbm>> -> memref<1x10240x128xf32, #tpu.memory_space<hbm>>
    %dma_start3A_51 = tpu.memref_squeeze %dma_start3A_50 : memref<1x10240x128xf32, #tpu.memory_space<hbm>> -> memref<10240x128xf32, #tpu.memory_space<hbm>>
    %dma_start3A_52 = arith.constant 0 : i32
    %dma_start3A_53 = arith.constant 0 : i32
    %dma_start3A_54 = tpu.memref_slice %dma_start3A_51[%dma_start3A_52, %dma_start3A_53] : memref<10240x128xf32, #tpu.memory_space<hbm>> -> memref<10240x128xf32, #tpu.memory_space<hbm>>
    tpu.enqueue_indirect_dma source(%dma_start3A_54 : memref<10240x128xf32, #tpu.memory_space<hbm>>) target(%dma_start3A_45 : memref<80x128xf32, #tpu.memory_space<vmem>>) offsets(%dma_start3A_47 : memref<80xi32, #tpu.memory_space<vmem>>) semaphore(%arg11 : memref<!tpu.dma_semaphore, #tpu.memory_space<semaphore_mem>>)
    %scan3A_55 = arith.constant 0 : i32
    %scan3A_56 = arith.constant 0 : i32
    %scan3A_57 = arith.constant 128 : i32
    %scan3A_58 = arith.addi %scan3A_56, %scan3A_57 : i32
    %scan3A_59 = arith.constant 1 : i32
    scf.for %scan3A_78 = %scan3A_56 to %scan3A_58 step %scan3A_59  : i32 {
      %rem3A = arith.constant 2 : i32
      %rem3A_79 = arith.remsi %scan3A_78, %rem3A : i32
      %mul3A_80 = arith.constant 80 : i32
      %mul3A_81 = arith.muli %rem3A_79, %mul3A_80 : i32
      %dma_wait3A_82 = arith.constant 0 : i32
      %dma_wait3A_83 = arith.constant 0 : i32
      %dma_wait3A_84 = tpu.memref_slice %arg9[%dma_wait3A_82, %dma_wait3A_83] : memref<160x128xf32, #tpu.memory_space<vmem>> -> memref<80x128xf32, #tpu.memory_space<vmem>>
      %dma_wait3A_85 = arith.constant 0 : i32
      %dma_wait3A_86 = arith.constant 0 : i32
      %dma_wait3A_87 = tpu.memref_slice %arg5[%dma_wait3A_85, %dma_wait3A_86] : memref<640x128xf32, #tpu.memory_space<hbm>> -> memref<80x128xf32, #tpu.memory_space<hbm>>
      %dma_wait3A_88 = arith.constant 0 : i32
      %dma_wait3A_89 = arith.constant 0 : i32
      %dma_wait3A_90 = tpu.memref_slice %arg9[%dma_wait3A_88, %dma_wait3A_89] : memref<160x128xf32, #tpu.memory_space<vmem>> -> memref<80x128xf32, #tpu.memory_space<vmem>>
      %dma_wait3A_91 = arith.constant 0 : i32
      %dma_wait3A_92 = arith.constant 0 : i32
      %dma_wait3A_93 = tpu.memref_slice %arg5[%dma_wait3A_91, %dma_wait3A_92] : memref<640x128xf32, #tpu.memory_space<hbm>> -> memref<80x128xf32, #tpu.memory_space<hbm>>
      tpu.wait_dma2 semaphore(%arg11 : memref<!tpu.dma_semaphore, #tpu.memory_space<semaphore_mem>>) src(%dma_wait3A_93 : memref<80x128xf32, #tpu.memory_space<hbm>>) dst(%dma_wait3A_90 : memref<80x128xf32, #tpu.memory_space<vmem>>)
      %mul3A_94 = arith.constant 80 : i32
      %mul3A_95 = arith.muli %scan3A_78, %mul3A_94 : i32
      %dma_start3A_96 = arith.constant 0 : i32
      %dma_start3A_97 = tpu.memref_slice %arg9[%mul3A_81, %dma_start3A_96] : memref<160x128xf32, #tpu.memory_space<vmem>> -> memref<80x128xf32, #tpu.memory_space<vmem>>
      %dma_start3A_98 = tpu.memref_slice %arg8[%mul3A_95] : memref<10240xi32, #tpu.memory_space<vmem>> -> memref<80xi32, #tpu.memory_space<vmem>>
      %dma_start3A_99 = arith.constant 0 : i32
      %dma_start3A_100 = arith.constant 0 : i32
      %dma_start3A_101 = tpu.memref_slice %arg10[%dma_start3A_99, %dma_start3A_100] : memref<10240x128xf32, #tpu.memory_space<vmem_shared>> -> memref<10240x128xf32, #tpu.memory_space<vmem_shared>>
      tpu.enqueue_indirect_dma source(%dma_start3A_97 : memref<80x128xf32, #tpu.memory_space<vmem>>) target(%dma_start3A_101 : memref<10240x128xf32, #tpu.memory_space<vmem_shared>>) offsets(%dma_start3A_98 : memref<80xi32, #tpu.memory_space<vmem>>) semaphore(%arg12 : memref<!tpu.dma_semaphore, #tpu.memory_space<semaphore_mem>>) {add = true}
      %gt3A = arith.constant 0 : i32
      %gt3A_102 = arith.cmpi sgt, %scan3A_78, %gt3A : i32
      %convert_element_type3A = arith.extui %gt3A_102 : i1 to i32
      %cond3A = arith.constant 0 : i32
      %cond3A_103 = arith.cmpi ne, %convert_element_type3A, %cond3A : i32
      scf.if %cond3A_103 {
        %dma_wait3A_110 = arith.constant 80 : i32
        %dma_wait3A_111 = arith.constant 0 : i32
        %dma_wait3A_112 = tpu.memref_slice %arg9[%dma_wait3A_110, %dma_wait3A_111] : memref<160x128xf32, #tpu.memory_space<vmem>> -> memref<80x128xf32, #tpu.memory_space<vmem>>
        %dma_wait3A_113 = arith.constant 0 : i32
        %dma_wait3A_114 = arith.constant 0 : i32
        %dma_wait3A_115 = tpu.memref_slice %arg5[%dma_wait3A_113, %dma_wait3A_114] : memref<640x128xf32, #tpu.memory_space<hbm>> -> memref<80x128xf32, #tpu.memory_space<hbm>>
        %dma_wait3A_116 = arith.constant 80 : i32
        %dma_wait3A_117 = arith.constant 0 : i32
        %dma_wait3A_118 = tpu.memref_slice %arg9[%dma_wait3A_116, %dma_wait3A_117] : memref<160x128xf32, #tpu.memory_space<vmem>> -> memref<80x128xf32, #tpu.memory_space<vmem>>
        %dma_wait3A_119 = arith.constant 0 : i32
        %dma_wait3A_120 = arith.constant 0 : i32
        %dma_wait3A_121 = tpu.memref_slice %arg5[%dma_wait3A_119, %dma_wait3A_120] : memref<640x128xf32, #tpu.memory_space<hbm>> -> memref<80x128xf32, #tpu.memory_space<hbm>>
        tpu.wait_dma2 semaphore(%arg12 : memref<!tpu.dma_semaphore, #tpu.memory_space<semaphore_mem>>) src(%dma_wait3A_121 : memref<80x128xf32, #tpu.memory_space<hbm>>) dst(%dma_wait3A_118 : memref<80x128xf32, #tpu.memory_space<vmem>>)
      } else {
      }
      %add3A_104 = arith.constant 1 : i32
      %add3A_105 = arith.addi %scan3A_78, %add3A_104 : i32
      %lt3A = arith.constant 128 : i32
      %lt3A_106 = arith.cmpi slt, %add3A_105, %lt3A : i32
      %convert_element_type3A_107 = arith.extui %lt3A_106 : i1 to i32
      %cond3A_108 = arith.constant 0 : i32
      %cond3A_109 = arith.cmpi ne, %convert_element_type3A_107, %cond3A_108 : i32
      scf.if %cond3A_109 {
        %mul3A_110 = arith.constant 80 : i32
        %mul3A_111 = arith.muli %add3A_105, %mul3A_110 : i32
        %rem3A_112 = arith.constant 2 : i32
        %rem3A_113 = arith.remsi %add3A_105, %rem3A_112 : i32
        %mul3A_114 = arith.constant 80 : i32
        %mul3A_115 = arith.muli %rem3A_113, %mul3A_114 : i32
        %dma_start3A_116 = arith.constant 0 : i32
        %dma_start3A_117 = tpu.memref_slice %arg9[%mul3A_115, %dma_start3A_116] : memref<160x128xf32, #tpu.memory_space<vmem>> -> memref<80x128xf32, #tpu.memory_space<vmem>>
        %dma_start3A_118 = tpu.memref_slice %arg7[%mul3A_111] : memref<10240xi32, #tpu.memory_space<vmem>> -> memref<80xi32, #tpu.memory_space<vmem>>
        %dma_start3A_119 = arith.constant 0 : i32
        %dma_start3A_120 = arith.constant 0 : i32
        %dma_start3A_121 = tpu.memref_slice %arg2[%add3A_39, %dma_start3A_119, %dma_start3A_120] : memref<4x10240x128xf32, #tpu.memory_space<hbm>> -> memref<1x10240x128xf32, #tpu.memory_space<hbm>>
        %dma_start3A_122 = tpu.memref_squeeze %dma_start3A_121 : memref<1x10240x128xf32, #tpu.memory_space<hbm>> -> memref<10240x128xf32, #tpu.memory_space<hbm>>
        %dma_start3A_123 = arith.constant 0 : i32
        %dma_start3A_124 = arith.constant 0 : i32
        %dma_start3A_125 = tpu.memref_slice %dma_start3A_122[%dma_start3A_123, %dma_start3A_124] : memref<10240x128xf32, #tpu.memory_space<hbm>> -> memref<10240x128xf32, #tpu.memory_space<hbm>>
        tpu.enqueue_indirect_dma source(%dma_start3A_125 : memref<10240x128xf32, #tpu.memory_space<hbm>>) target(%dma_start3A_117 : memref<80x128xf32, #tpu.memory_space<vmem>>) offsets(%dma_start3A_118 : memref<80xi32, #tpu.memory_space<vmem>>) semaphore(%arg11 : memref<!tpu.dma_semaphore, #tpu.memory_space<semaphore_mem>>)
      } else {
      }
    }
    %scan3A_60 = arith.constant 128 : i32
    %dma_wait3A_61 = arith.constant 0 : i32
    %dma_wait3A_62 = arith.constant 0 : i32
    %dma_wait3A_63 = tpu.memref_slice %arg9[%dma_wait3A_61, %dma_wait3A_62] : memref<160x128xf32, #tpu.memory_space<vmem>> -> memref<80x128xf32, #tpu.memory_space<vmem>>
    %dma_wait3A_64 = arith.constant 0 : i32
    %dma_wait3A_65 = arith.constant 0 : i32
    %dma_wait3A_66 = tpu.memref_slice %arg5[%dma_wait3A_64, %dma_wait3A_65] : memref<640x128xf32, #tpu.memory_space<hbm>> -> memref<80x128xf32, #tpu.memory_space<hbm>>
    %dma_wait3A_67 = arith.constant 0 : i32
    %dma_wait3A_68 = arith.constant 0 : i32
    %dma_wait3A_69 = tpu.memref_slice %arg9[%dma_wait3A_67, %dma_wait3A_68] : memref<160x128xf32, #tpu.memory_space<vmem>> -> memref<80x128xf32, #tpu.memory_space<vmem>>
    %dma_wait3A_70 = arith.constant 0 : i32
    %dma_wait3A_71 = arith.constant 0 : i32
    %dma_wait3A_72 = tpu.memref_slice %arg5[%dma_wait3A_70, %dma_wait3A_71] : memref<640x128xf32, #tpu.memory_space<hbm>> -> memref<80x128xf32, #tpu.memory_space<hbm>>
    tpu.wait_dma2 semaphore(%arg12 : memref<!tpu.dma_semaphore, #tpu.memory_space<semaphore_mem>>) src(%dma_wait3A_72 : memref<80x128xf32, #tpu.memory_space<hbm>>) dst(%dma_wait3A_69 : memref<80x128xf32, #tpu.memory_space<vmem>>)
    %barrier3A_73 = arith.constant 0 : index
    tpu.barrier barrier_id(%barrier3A_73)
    %mul3A_74 = arith.constant 640 : i32
    %mul3A_75 = arith.muli %arg1, %mul3A_74 : i32
    %mul3A_76 = arith.constant 640 : i32
    %mul3A_77 = arith.muli %arg1, %mul3A_76 : i32
    "tpu.region"() ({
      %run_scoped3A = tpu.sem_alloc : memref<!tpu.dma_semaphore, #tpu.memory_space<semaphore_mem>>
      %dma_start3A_78 = arith.constant 0 : i32
      %dma_start3A_79 = tpu.memref_slice %arg6[%add3A_39, %mul3A_77, %dma_start3A_78] : memref<4x10240x128xf32, #tpu.memory_space<hbm>> -> memref<1x640x128xf32, #tpu.memory_space<hbm>>
      %dma_start3A_80 = tpu.memref_squeeze %dma_start3A_79 : memref<1x640x128xf32, #tpu.memory_space<hbm>> -> memref<640x128xf32, #tpu.memory_space<hbm>>
      %dma_start3A_81 = arith.constant 0 : i32
      %dma_start3A_82 = tpu.memref_slice %arg10[%mul3A_75, %dma_start3A_81] : memref<10240x128xf32, #tpu.memory_space<vmem_shared>> -> memref<640x128xf32, #tpu.memory_space<vmem_shared>>
      tpu.enqueue_dma source(%dma_start3A_82 : memref<640x128xf32, #tpu.memory_space<vmem_shared>>) target(%dma_start3A_80 : memref<640x128xf32, #tpu.memory_space<hbm>>) target_semaphore(%run_scoped3A : memref<!tpu.dma_semaphore, #tpu.memory_space<semaphore_mem>>)
      %dma_wait3A_83 = arith.constant 0 : i32
      %dma_wait3A_84 = tpu.memref_slice %arg6[%add3A_39, %mul3A_77, %dma_wait3A_83] : memref<4x10240x128xf32, #tpu.memory_space<hbm>> -> memref<1x640x128xf32, #tpu.memory_space<hbm>>
      %dma_wait3A_85 = tpu.memref_squeeze %dma_wait3A_84 : memref<1x640x128xf32, #tpu.memory_space<hbm>> -> memref<640x128xf32, #tpu.memory_space<hbm>>
      %dma_wait3A_86 = arith.constant 0 : i32
      %dma_wait3A_87 = tpu.memref_slice %arg10[%mul3A_75, %dma_wait3A_86] : memref<10240x128xf32, #tpu.memory_space<vmem_shared>> -> memref<640x128xf32, #tpu.memory_space<vmem_shared>>
      tpu.wait_dma2 semaphore(%run_scoped3A : memref<!tpu.dma_semaphore, #tpu.memory_space<semaphore_mem>>) src(%dma_wait3A_87 : memref<640x128xf32, #tpu.memory_space<vmem_shared>>) dst(%dma_wait3A_85 : memref<640x128xf32, #tpu.memory_space<hbm>>)
      tpu.yield
    }) : () -> ()
    return
  }
}

#map = affine_map<(d0, d1) -> (0, 0, 0)>
#map1 = affine_map<(d0, d1) -> (0, 0)>
module attributes {stable_mosaic.version = 14 : i64} {
  func.func @_agg_body(%arg0: i32, %arg1: i32, %arg2: memref<4x10240x128xf32, #tpu.memory_space<hbm>>, %arg3: memref<16x10240xi32, #tpu.memory_space<hbm>>, %arg4: memref<16x10240xi32, #tpu.memory_space<hbm>>, %arg5: memref<640x128xf32, #tpu.memory_space<hbm>>, %arg6: memref<4x10240x128xf32, #tpu.memory_space<hbm>>, %arg7: memref<10240xi32, #tpu.memory_space<vmem>>, %arg8: memref<10240xi32, #tpu.memory_space<vmem>>, %arg9: memref<160x128xf32, #tpu.memory_space<vmem>>, %arg10: memref<10240x128xf32, #tpu.memory_space<vmem_shared>>, %arg11: memref<!tpu.dma_semaphore, #tpu.memory_space<semaphore_mem>>, %arg12: memref<!tpu.dma_semaphore, #tpu.memory_space<semaphore_mem>>) attributes {dimension_semantics = [#tpu.dimension_semantics<core_parallel>, #tpu.dimension_semantics<subcore_parallel>], iteration_bounds = array<i64: 2, 16>, scalar_prefetch = 0 : i64, scratch_operands = 6 : i64, tpu.core_type = #tpu.core_type<sc_vector_subcore>, window_params = [{transform_indices = #map}, {transform_indices = #map1}, {transform_indices = #map1}, {transform_indices = #map1}, {transform_indices = #map}]} {
    "tpu.region"() ({
      %run_scoped3A = tpu.sem_alloc : memref<!tpu.dma_semaphore, #tpu.memory_space<semaphore_mem>>
      %dma_start3A_78 = arith.constant 0 : i32
      %dma_start3A_79 = tpu.memref_slice %arg3[%arg1, %dma_start3A_78] : memref<16x10240xi32, #tpu.memory_space<hbm>> -> memref<1x10240xi32, #tpu.memory_space<hbm>>
      %dma_start3A_80 = tpu.memref_squeeze %dma_start3A_79 : memref<1x10240xi32, #tpu.memory_space<hbm>> -> memref<10240xi32, #tpu.memory_space<hbm>>
      %dma_start3A_81 = arith.constant 0 : i32
      %dma_start3A_82 = tpu.memref_slice %arg3[%arg1, %dma_start3A_81] : memref<16x10240xi32, #tpu.memory_space<hbm>> -> memref<1x10240xi32, #tpu.memory_space<hbm>>
      %dma_start3A_83 = tpu.memref_squeeze %dma_start3A_82 : memref<1x10240xi32, #tpu.memory_space<hbm>> -> memref<10240xi32, #tpu.memory_space<hbm>>
      tpu.enqueue_dma source(%dma_start3A_83 : memref<10240xi32, #tpu.memory_space<hbm>>) target(%arg7 : memref<10240xi32, #tpu.memory_space<vmem>>) target_semaphore(%run_scoped3A : memref<!tpu.dma_semaphore, #tpu.memory_space<semaphore_mem>>)
      %dma_wait3A_84 = arith.constant 0 : i32
      %dma_wait3A_85 = tpu.memref_slice %arg3[%arg1, %dma_wait3A_84] : memref<16x10240xi32, #tpu.memory_space<hbm>> -> memref<1x10240xi32, #tpu.memory_space<hbm>>
      %dma_wait3A_86 = tpu.memref_squeeze %dma_wait3A_85 : memref<1x10240xi32, #tpu.memory_space<hbm>> -> memref<10240xi32, #tpu.memory_space<hbm>>
      %dma_wait3A_87 = arith.constant 0 : i32
      %dma_wait3A_88 = tpu.memref_slice %arg3[%arg1, %dma_wait3A_87] : memref<16x10240xi32, #tpu.memory_space<hbm>> -> memref<1x10240xi32, #tpu.memory_space<hbm>>
      %dma_wait3A_89 = tpu.memref_squeeze %dma_wait3A_88 : memref<1x10240xi32, #tpu.memory_space<hbm>> -> memref<10240xi32, #tpu.memory_space<hbm>>
      tpu.wait_dma2 semaphore(%run_scoped3A : memref<!tpu.dma_semaphore, #tpu.memory_space<semaphore_mem>>) src(%dma_wait3A_89 : memref<10240xi32, #tpu.memory_space<hbm>>) dst(%arg7 : memref<10240xi32, #tpu.memory_space<vmem>>)
      tpu.yield
    }) : () -> ()
    "tpu.region"() ({
      %run_scoped3A = tpu.sem_alloc : memref<!tpu.dma_semaphore, #tpu.memory_space<semaphore_mem>>
      %dma_start3A_78 = arith.constant 0 : i32
      %dma_start3A_79 = tpu.memref_slice %arg4[%arg1, %dma_start3A_78] : memref<16x10240xi32, #tpu.memory_space<hbm>> -> memref<1x10240xi32, #tpu.memory_space<hbm>>
      %dma_start3A_80 = tpu.memref_squeeze %dma_start3A_79 : memref<1x10240xi32, #tpu.memory_space<hbm>> -> memref<10240xi32, #tpu.memory_space<hbm>>
      %dma_start3A_81 = arith.constant 0 : i32
      %dma_start3A_82 = tpu.memref_slice %arg4[%arg1, %dma_start3A_81] : memref<16x10240xi32, #tpu.memory_space<hbm>> -> memref<1x10240xi32, #tpu.memory_space<hbm>>
      %dma_start3A_83 = tpu.memref_squeeze %dma_start3A_82 : memref<1x10240xi32, #tpu.memory_space<hbm>> -> memref<10240xi32, #tpu.memory_space<hbm>>
      tpu.enqueue_dma source(%dma_start3A_83 : memref<10240xi32, #tpu.memory_space<hbm>>) target(%arg8 : memref<10240xi32, #tpu.memory_space<vmem>>) target_semaphore(%run_scoped3A : memref<!tpu.dma_semaphore, #tpu.memory_space<semaphore_mem>>)
      %dma_wait3A_84 = arith.constant 0 : i32
      %dma_wait3A_85 = tpu.memref_slice %arg4[%arg1, %dma_wait3A_84] : memref<16x10240xi32, #tpu.memory_space<hbm>> -> memref<1x10240xi32, #tpu.memory_space<hbm>>
      %dma_wait3A_86 = tpu.memref_squeeze %dma_wait3A_85 : memref<1x10240xi32, #tpu.memory_space<hbm>> -> memref<10240xi32, #tpu.memory_space<hbm>>
      %dma_wait3A_87 = arith.constant 0 : i32
      %dma_wait3A_88 = tpu.memref_slice %arg4[%arg1, %dma_wait3A_87] : memref<16x10240xi32, #tpu.memory_space<hbm>> -> memref<1x10240xi32, #tpu.memory_space<hbm>>
      %dma_wait3A_89 = tpu.memref_squeeze %dma_wait3A_88 : memref<1x10240xi32, #tpu.memory_space<hbm>> -> memref<10240xi32, #tpu.memory_space<hbm>>
      tpu.wait_dma2 semaphore(%run_scoped3A : memref<!tpu.dma_semaphore, #tpu.memory_space<semaphore_mem>>) src(%dma_wait3A_89 : memref<10240xi32, #tpu.memory_space<hbm>>) dst(%arg8 : memref<10240xi32, #tpu.memory_space<vmem>>)
      tpu.yield
    }) : () -> ()
    %mul3A = arith.constant 2 : i32
    %mul3A_0 = arith.muli %arg0, %mul3A : i32
    %add3A = arith.constant 0 : i32
    %add3A_1 = arith.addi %mul3A_0, %add3A : i32
    %mul3A_2 = arith.constant 640 : i32
    %mul3A_3 = arith.muli %arg1, %mul3A_2 : i32
    "tpu.region"() ({
      %run_scoped3A = tpu.sem_alloc : memref<!tpu.dma_semaphore, #tpu.memory_space<semaphore_mem>>
      %dma_start3A_78 = arith.constant 0 : i32
      %dma_start3A_79 = tpu.memref_slice %arg10[%mul3A_3, %dma_start3A_78] : memref<10240x128xf32, #tpu.memory_space<vmem_shared>> -> memref<640x128xf32, #tpu.memory_space<vmem_shared>>
      tpu.enqueue_dma source(%arg5 : memref<640x128xf32, #tpu.memory_space<hbm>>) target(%dma_start3A_79 : memref<640x128xf32, #tpu.memory_space<vmem_shared>>) target_semaphore(%run_scoped3A : memref<!tpu.dma_semaphore, #tpu.memory_space<semaphore_mem>>)
      %dma_wait3A_80 = arith.constant 0 : i32
      %dma_wait3A_81 = tpu.memref_slice %arg10[%mul3A_3, %dma_wait3A_80] : memref<10240x128xf32, #tpu.memory_space<vmem_shared>> -> memref<640x128xf32, #tpu.memory_space<vmem_shared>>
      tpu.wait_dma2 semaphore(%run_scoped3A : memref<!tpu.dma_semaphore, #tpu.memory_space<semaphore_mem>>) src(%arg5 : memref<640x128xf32, #tpu.memory_space<hbm>>) dst(%dma_wait3A_81 : memref<640x128xf32, #tpu.memory_space<vmem_shared>>)
      tpu.yield
    }) : () -> ()
    %barrier3A = arith.constant 0 : index
    tpu.barrier barrier_id(%barrier3A)
    %dma_start3A = arith.constant 0 : i32
    %dma_start3A_4 = arith.constant 0 : i32
    %dma_start3A_5 = tpu.memref_slice %arg9[%dma_start3A, %dma_start3A_4] : memref<160x128xf32, #tpu.memory_space<vmem>> -> memref<80x128xf32, #tpu.memory_space<vmem>>
    %dma_start3A_6 = arith.constant 0 : i32
    %dma_start3A_7 = tpu.memref_slice %arg7[%dma_start3A_6] : memref<10240xi32, #tpu.memory_space<vmem>> -> memref<80xi32, #tpu.memory_space<vmem>>
    %dma_start3A_8 = arith.constant 0 : i32
    %dma_start3A_9 = arith.constant 0 : i32
    %dma_start3A_10 = tpu.memref_slice %arg2[%add3A_1, %dma_start3A_8, %dma_start3A_9] : memref<4x10240x128xf32, #tpu.memory_space<hbm>> -> memref<1x10240x128xf32, #tpu.memory_space<hbm>>
    %dma_start3A_11 = tpu.memref_squeeze %dma_start3A_10 : memref<1x10240x128xf32, #tpu.memory_space<hbm>> -> memref<10240x128xf32, #tpu.memory_space<hbm>>
    %dma_start3A_12 = arith.constant 0 : i32
    %dma_start3A_13 = arith.constant 0 : i32
    %dma_start3A_14 = tpu.memref_slice %dma_start3A_11[%dma_start3A_12, %dma_start3A_13] : memref<10240x128xf32, #tpu.memory_space<hbm>> -> memref<10240x128xf32, #tpu.memory_space<hbm>>
    tpu.enqueue_indirect_dma source(%dma_start3A_14 : memref<10240x128xf32, #tpu.memory_space<hbm>>) target(%dma_start3A_5 : memref<80x128xf32, #tpu.memory_space<vmem>>) offsets(%dma_start3A_7 : memref<80xi32, #tpu.memory_space<vmem>>) semaphore(%arg11 : memref<!tpu.dma_semaphore, #tpu.memory_space<semaphore_mem>>)
    %scan3A = arith.constant 0 : i32
    %scan3A_15 = arith.constant 0 : i32
    %scan3A_16 = arith.constant 128 : i32
    %scan3A_17 = arith.addi %scan3A_15, %scan3A_16 : i32
    %scan3A_18 = arith.constant 1 : i32
    scf.for %scan3A_78 = %scan3A_15 to %scan3A_17 step %scan3A_18  : i32 {
      %rem3A = arith.constant 2 : i32
      %rem3A_79 = arith.remsi %scan3A_78, %rem3A : i32
      %mul3A_80 = arith.constant 80 : i32
      %mul3A_81 = arith.muli %rem3A_79, %mul3A_80 : i32
      %dma_wait3A_82 = arith.constant 0 : i32
      %dma_wait3A_83 = arith.constant 0 : i32
      %dma_wait3A_84 = tpu.memref_slice %arg9[%dma_wait3A_82, %dma_wait3A_83] : memref<160x128xf32, #tpu.memory_space<vmem>> -> memref<80x128xf32, #tpu.memory_space<vmem>>
      %dma_wait3A_85 = arith.constant 0 : i32
      %dma_wait3A_86 = arith.constant 0 : i32
      %dma_wait3A_87 = tpu.memref_slice %arg5[%dma_wait3A_85, %dma_wait3A_86] : memref<640x128xf32, #tpu.memory_space<hbm>> -> memref<80x128xf32, #tpu.memory_space<hbm>>
      %dma_wait3A_88 = arith.constant 0 : i32
      %dma_wait3A_89 = arith.constant 0 : i32
      %dma_wait3A_90 = tpu.memref_slice %arg9[%dma_wait3A_88, %dma_wait3A_89] : memref<160x128xf32, #tpu.memory_space<vmem>> -> memref<80x128xf32, #tpu.memory_space<vmem>>
      %dma_wait3A_91 = arith.constant 0 : i32
      %dma_wait3A_92 = arith.constant 0 : i32
      %dma_wait3A_93 = tpu.memref_slice %arg5[%dma_wait3A_91, %dma_wait3A_92] : memref<640x128xf32, #tpu.memory_space<hbm>> -> memref<80x128xf32, #tpu.memory_space<hbm>>
      tpu.wait_dma2 semaphore(%arg11 : memref<!tpu.dma_semaphore, #tpu.memory_space<semaphore_mem>>) src(%dma_wait3A_93 : memref<80x128xf32, #tpu.memory_space<hbm>>) dst(%dma_wait3A_90 : memref<80x128xf32, #tpu.memory_space<vmem>>)
      %mul3A_94 = arith.constant 80 : i32
      %mul3A_95 = arith.muli %scan3A_78, %mul3A_94 : i32
      %dma_start3A_96 = arith.constant 0 : i32
      %dma_start3A_97 = tpu.memref_slice %arg9[%mul3A_81, %dma_start3A_96] : memref<160x128xf32, #tpu.memory_space<vmem>> -> memref<80x128xf32, #tpu.memory_space<vmem>>
      %dma_start3A_98 = tpu.memref_slice %arg8[%mul3A_95] : memref<10240xi32, #tpu.memory_space<vmem>> -> memref<80xi32, #tpu.memory_space<vmem>>
      %dma_start3A_99 = arith.constant 0 : i32
      %dma_start3A_100 = arith.constant 0 : i32
      %dma_start3A_101 = tpu.memref_slice %arg10[%dma_start3A_99, %dma_start3A_100] : memref<10240x128xf32, #tpu.memory_space<vmem_shared>> -> memref<10240x128xf32, #tpu.memory_space<vmem_shared>>
      tpu.enqueue_indirect_dma source(%dma_start3A_97 : memref<80x128xf32, #tpu.memory_space<vmem>>) target(%dma_start3A_101 : memref<10240x128xf32, #tpu.memory_space<vmem_shared>>) offsets(%dma_start3A_98 : memref<80xi32, #tpu.memory_space<vmem>>) semaphore(%arg12 : memref<!tpu.dma_semaphore, #tpu.memory_space<semaphore_mem>>) {add = true}
      %gt3A = arith.constant 0 : i32
      %gt3A_102 = arith.cmpi sgt, %scan3A_78, %gt3A : i32
      %convert_element_type3A = arith.extui %gt3A_102 : i1 to i32
      %cond3A = arith.constant 0 : i32
      %cond3A_103 = arith.cmpi ne, %convert_element_type3A, %cond3A : i32
      scf.if %cond3A_103 {
        %dma_wait3A_110 = arith.constant 80 : i32
        %dma_wait3A_111 = arith.constant 0 : i32
        %dma_wait3A_112 = tpu.memref_slice %arg9[%dma_wait3A_110, %dma_wait3A_111] : memref<160x128xf32, #tpu.memory_space<vmem>> -> memref<80x128xf32, #tpu.memory_space<vmem>>
        %dma_wait3A_113 = arith.constant 0 : i32
        %dma_wait3A_114 = arith.constant 0 : i32
        %dma_wait3A_115 = tpu.memref_slice %arg5[%dma_wait3A_113, %dma_wait3A_114] : memref<640x128xf32, #tpu.memory_space<hbm>> -> memref<80x128xf32, #tpu.memory_space<hbm>>
        %dma_wait3A_116 = arith.constant 80 : i32
        %dma_wait3A_117 = arith.constant 0 : i32
        %dma_wait3A_118 = tpu.memref_slice %arg9[%dma_wait3A_116, %dma_wait3A_117] : memref<160x128xf32, #tpu.memory_space<vmem>> -> memref<80x128xf32, #tpu.memory_space<vmem>>
        %dma_wait3A_119 = arith.constant 0 : i32
        %dma_wait3A_120 = arith.constant 0 : i32
        %dma_wait3A_121 = tpu.memref_slice %arg5[%dma_wait3A_119, %dma_wait3A_120] : memref<640x128xf32, #tpu.memory_space<hbm>> -> memref<80x128xf32, #tpu.memory_space<hbm>>
        tpu.wait_dma2 semaphore(%arg12 : memref<!tpu.dma_semaphore, #tpu.memory_space<semaphore_mem>>) src(%dma_wait3A_121 : memref<80x128xf32, #tpu.memory_space<hbm>>) dst(%dma_wait3A_118 : memref<80x128xf32, #tpu.memory_space<vmem>>)
      } else {
      }
      %add3A_104 = arith.constant 1 : i32
      %add3A_105 = arith.addi %scan3A_78, %add3A_104 : i32
      %lt3A = arith.constant 128 : i32
      %lt3A_106 = arith.cmpi slt, %add3A_105, %lt3A : i32
      %convert_element_type3A_107 = arith.extui %lt3A_106 : i1 to i32
      %cond3A_108 = arith.constant 0 : i32
      %cond3A_109 = arith.cmpi ne, %convert_element_type3A_107, %cond3A_108 : i32
      scf.if %cond3A_109 {
        %mul3A_110 = arith.constant 80 : i32
        %mul3A_111 = arith.muli %add3A_105, %mul3A_110 : i32
        %rem3A_112 = arith.constant 2 : i32
        %rem3A_113 = arith.remsi %add3A_105, %rem3A_112 : i32
        %mul3A_114 = arith.constant 80 : i32
        %mul3A_115 = arith.muli %rem3A_113, %mul3A_114 : i32
        %dma_start3A_116 = arith.constant 0 : i32
        %dma_start3A_117 = tpu.memref_slice %arg9[%mul3A_115, %dma_start3A_116] : memref<160x128xf32, #tpu.memory_space<vmem>> -> memref<80x128xf32, #tpu.memory_space<vmem>>
        %dma_start3A_118 = tpu.memref_slice %arg7[%mul3A_111] : memref<10240xi32, #tpu.memory_space<vmem>> -> memref<80xi32, #tpu.memory_space<vmem>>
        %dma_start3A_119 = arith.constant 0 : i32
        %dma_start3A_120 = arith.constant 0 : i32
        %dma_start3A_121 = tpu.memref_slice %arg2[%add3A_1, %dma_start3A_119, %dma_start3A_120] : memref<4x10240x128xf32, #tpu.memory_space<hbm>> -> memref<1x10240x128xf32, #tpu.memory_space<hbm>>
        %dma_start3A_122 = tpu.memref_squeeze %dma_start3A_121 : memref<1x10240x128xf32, #tpu.memory_space<hbm>> -> memref<10240x128xf32, #tpu.memory_space<hbm>>
        %dma_start3A_123 = arith.constant 0 : i32
        %dma_start3A_124 = arith.constant 0 : i32
        %dma_start3A_125 = tpu.memref_slice %dma_start3A_122[%dma_start3A_123, %dma_start3A_124] : memref<10240x128xf32, #tpu.memory_space<hbm>> -> memref<10240x128xf32, #tpu.memory_space<hbm>>
        tpu.enqueue_indirect_dma source(%dma_start3A_125 : memref<10240x128xf32, #tpu.memory_space<hbm>>) target(%dma_start3A_117 : memref<80x128xf32, #tpu.memory_space<vmem>>) offsets(%dma_start3A_118 : memref<80xi32, #tpu.memory_space<vmem>>) semaphore(%arg11 : memref<!tpu.dma_semaphore, #tpu.memory_space<semaphore_mem>>)
      } else {
      }
    }
    %scan3A_19 = arith.constant 128 : i32
    %dma_wait3A = arith.constant 0 : i32
    %dma_wait3A_20 = arith.constant 0 : i32
    %dma_wait3A_21 = tpu.memref_slice %arg9[%dma_wait3A, %dma_wait3A_20] : memref<160x128xf32, #tpu.memory_space<vmem>> -> memref<80x128xf32, #tpu.memory_space<vmem>>
    %dma_wait3A_22 = arith.constant 0 : i32
    %dma_wait3A_23 = arith.constant 0 : i32
    %dma_wait3A_24 = tpu.memref_slice %arg5[%dma_wait3A_22, %dma_wait3A_23] : memref<640x128xf32, #tpu.memory_space<hbm>> -> memref<80x128xf32, #tpu.memory_space<hbm>>
    %dma_wait3A_25 = arith.constant 0 : i32
    %dma_wait3A_26 = arith.constant 0 : i32
    %dma_wait3A_27 = tpu.memref_slice %arg9[%dma_wait3A_25, %dma_wait3A_26] : memref<160x128xf32, #tpu.memory_space<vmem>> -> memref<80x128xf32, #tpu.memory_space<vmem>>
    %dma_wait3A_28 = arith.constant 0 : i32
    %dma_wait3A_29 = arith.constant 0 : i32
    %dma_wait3A_30 = tpu.memref_slice %arg5[%dma_wait3A_28, %dma_wait3A_29] : memref<640x128xf32, #tpu.memory_space<hbm>> -> memref<80x128xf32, #tpu.memory_space<hbm>>
    tpu.wait_dma2 semaphore(%arg12 : memref<!tpu.dma_semaphore, #tpu.memory_space<semaphore_mem>>) src(%dma_wait3A_30 : memref<80x128xf32, #tpu.memory_space<hbm>>) dst(%dma_wait3A_27 : memref<80x128xf32, #tpu.memory_space<vmem>>)
    %barrier3A_31 = arith.constant 0 : index
    tpu.barrier barrier_id(%barrier3A_31)
    %mul3A_32 = arith.constant 640 : i32
    %mul3A_33 = arith.muli %arg1, %mul3A_32 : i32
    %mul3A_34 = arith.constant 640 : i32
    %mul3A_35 = arith.muli %arg1, %mul3A_34 : i32
    "tpu.region"() ({
      %run_scoped3A = tpu.sem_alloc : memref<!tpu.dma_semaphore, #tpu.memory_space<semaphore_mem>>
      %dma_start3A_78 = arith.constant 0 : i32
      %dma_start3A_79 = tpu.memref_slice %arg6[%add3A_1, %mul3A_35, %dma_start3A_78] : memref<4x10240x128xf32, #tpu.memory_space<hbm>> -> memref<1x640x128xf32, #tpu.memory_space<hbm>>
      %dma_start3A_80 = tpu.memref_squeeze %dma_start3A_79 : memref<1x640x128xf32, #tpu.memory_space<hbm>> -> memref<640x128xf32, #tpu.memory_space<hbm>>
      %dma_start3A_81 = arith.constant 0 : i32
      %dma_start3A_82 = tpu.memref_slice %arg10[%mul3A_33, %dma_start3A_81] : memref<10240x128xf32, #tpu.memory_space<vmem_shared>> -> memref<640x128xf32, #tpu.memory_space<vmem_shared>>
      tpu.enqueue_dma source(%dma_start3A_82 : memref<640x128xf32, #tpu.memory_space<vmem_shared>>) target(%dma_start3A_80 : memref<640x128xf32, #tpu.memory_space<hbm>>) target_semaphore(%run_scoped3A : memref<!tpu.dma_semaphore, #tpu.memory_space<semaphore_mem>>)
      %dma_wait3A_83 = arith.constant 0 : i32
      %dma_wait3A_84 = tpu.memref_slice %arg6[%add3A_1, %mul3A_35, %dma_wait3A_83] : memref<4x10240x128xf32, #tpu.memory_space<hbm>> -> memref<1x640x128xf32, #tpu.memory_space<hbm>>
      %dma_wait3A_85 = tpu.memref_squeeze %dma_wait3A_84 : memref<1x640x128xf32, #tpu.memory_space<hbm>> -> memref<640x128xf32, #tpu.memory_space<hbm>>
      %dma_wait3A_86 = arith.constant 0 : i32
      %dma_wait3A_87 = tpu.memref_slice %arg10[%mul3A_33, %dma_wait3A_86] : memref<10240x128xf32, #tpu.memory_space<vmem_shared>> -> memref<640x128xf32, #tpu.memory_space<vmem_shared>>
      tpu.wait_dma2 semaphore(%run_scoped3A : memref<!tpu.dma_semaphore, #tpu.memory_space<semaphore_mem>>) src(%dma_wait3A_87 : memref<640x128xf32, #tpu.memory_space<vmem_shared>>) dst(%dma_wait3A_85 : memref<640x128xf32, #tpu.memory_space<hbm>>)
      tpu.yield
    }) : () -> ()
    %mul3A_36 = arith.constant 2 : i32
    %mul3A_37 = arith.muli %arg0, %mul3A_36 : i32
    %add3A_38 = arith.constant 1 : i32
    %add3A_39 = arith.addi %mul3A_37, %add3A_38 : i32
    %mul3A_40 = arith.constant 640 : i32
    %mul3A_41 = arith.muli %arg1, %mul3A_40 : i32
    "tpu.region"() ({
      %run_scoped3A = tpu.sem_alloc : memref<!tpu.dma_semaphore, #tpu.memory_space<semaphore_mem>>
      %dma_start3A_78 = arith.constant 0 : i32
      %dma_start3A_79 = tpu.memref_slice %arg10[%mul3A_41, %dma_start3A_78] : memref<10240x128xf32, #tpu.memory_space<vmem_shared>> -> memref<640x128xf32, #tpu.memory_space<vmem_shared>>
      tpu.enqueue_dma source(%arg5 : memref<640x128xf32, #tpu.memory_space<hbm>>) target(%dma_start3A_79 : memref<640x128xf32, #tpu.memory_space<vmem_shared>>) target_semaphore(%run_scoped3A : memref<!tpu.dma_semaphore, #tpu.memory_space<semaphore_mem>>)
      %dma_wait3A_80 = arith.constant 0 : i32
      %dma_wait3A_81 = tpu.memref_slice %arg10[%mul3A_41, %dma_wait3A_80] : memref<10240x128xf32, #tpu.memory_space<vmem_shared>> -> memref<640x128xf32, #tpu.memory_space<vmem_shared>>
      tpu.wait_dma2 semaphore(%run_scoped3A : memref<!tpu.dma_semaphore, #tpu.memory_space<semaphore_mem>>) src(%arg5 : memref<640x128xf32, #tpu.memory_space<hbm>>) dst(%dma_wait3A_81 : memref<640x128xf32, #tpu.memory_space<vmem_shared>>)
      tpu.yield
    }) : () -> ()
    %barrier3A_42 = arith.constant 0 : index
    tpu.barrier barrier_id(%barrier3A_42)
    %dma_start3A_43 = arith.constant 0 : i32
    %dma_start3A_44 = arith.constant 0 : i32
    %dma_start3A_45 = tpu.memref_slice %arg9[%dma_start3A_43, %dma_start3A_44] : memref<160x128xf32, #tpu.memory_space<vmem>> -> memref<80x128xf32, #tpu.memory_space<vmem>>
    %dma_start3A_46 = arith.constant 0 : i32
    %dma_start3A_47 = tpu.memref_slice %arg7[%dma_start3A_46] : memref<10240xi32, #tpu.memory_space<vmem>> -> memref<80xi32, #tpu.memory_space<vmem>>
    %dma_start3A_48 = arith.constant 0 : i32
    %dma_start3A_49 = arith.constant 0 : i32
    %dma_start3A_50 = tpu.memref_slice %arg2[%add3A_39, %dma_start3A_48, %dma_start3A_49] : memref<4x10240x128xf32, #tpu.memory_space<hbm>> -> memref<1x10240x128xf32, #tpu.memory_space<hbm>>
    %dma_start3A_51 = tpu.memref_squeeze %dma_start3A_50 : memref<1x10240x128xf32, #tpu.memory_space<hbm>> -> memref<10240x128xf32, #tpu.memory_space<hbm>>
    %dma_start3A_52 = arith.constant 0 : i32
    %dma_start3A_53 = arith.constant 0 : i32
    %dma_start3A_54 = tpu.memref_slice %dma_start3A_51[%dma_start3A_52, %dma_start3A_53] : memref<10240x128xf32, #tpu.memory_space<hbm>> -> memref<10240x128xf32, #tpu.memory_space<hbm>>
    tpu.enqueue_indirect_dma source(%dma_start3A_54 : memref<10240x128xf32, #tpu.memory_space<hbm>>) target(%dma_start3A_45 : memref<80x128xf32, #tpu.memory_space<vmem>>) offsets(%dma_start3A_47 : memref<80xi32, #tpu.memory_space<vmem>>) semaphore(%arg11 : memref<!tpu.dma_semaphore, #tpu.memory_space<semaphore_mem>>)
    %scan3A_55 = arith.constant 0 : i32
    %scan3A_56 = arith.constant 0 : i32
    %scan3A_57 = arith.constant 128 : i32
    %scan3A_58 = arith.addi %scan3A_56, %scan3A_57 : i32
    %scan3A_59 = arith.constant 1 : i32
    scf.for %scan3A_78 = %scan3A_56 to %scan3A_58 step %scan3A_59  : i32 {
      %rem3A = arith.constant 2 : i32
      %rem3A_79 = arith.remsi %scan3A_78, %rem3A : i32
      %mul3A_80 = arith.constant 80 : i32
      %mul3A_81 = arith.muli %rem3A_79, %mul3A_80 : i32
      %dma_wait3A_82 = arith.constant 0 : i32
      %dma_wait3A_83 = arith.constant 0 : i32
      %dma_wait3A_84 = tpu.memref_slice %arg9[%dma_wait3A_82, %dma_wait3A_83] : memref<160x128xf32, #tpu.memory_space<vmem>> -> memref<80x128xf32, #tpu.memory_space<vmem>>
      %dma_wait3A_85 = arith.constant 0 : i32
      %dma_wait3A_86 = arith.constant 0 : i32
      %dma_wait3A_87 = tpu.memref_slice %arg5[%dma_wait3A_85, %dma_wait3A_86] : memref<640x128xf32, #tpu.memory_space<hbm>> -> memref<80x128xf32, #tpu.memory_space<hbm>>
      %dma_wait3A_88 = arith.constant 0 : i32
      %dma_wait3A_89 = arith.constant 0 : i32
      %dma_wait3A_90 = tpu.memref_slice %arg9[%dma_wait3A_88, %dma_wait3A_89] : memref<160x128xf32, #tpu.memory_space<vmem>> -> memref<80x128xf32, #tpu.memory_space<vmem>>
      %dma_wait3A_91 = arith.constant 0 : i32
      %dma_wait3A_92 = arith.constant 0 : i32
      %dma_wait3A_93 = tpu.memref_slice %arg5[%dma_wait3A_91, %dma_wait3A_92] : memref<640x128xf32, #tpu.memory_space<hbm>> -> memref<80x128xf32, #tpu.memory_space<hbm>>
      tpu.wait_dma2 semaphore(%arg11 : memref<!tpu.dma_semaphore, #tpu.memory_space<semaphore_mem>>) src(%dma_wait3A_93 : memref<80x128xf32, #tpu.memory_space<hbm>>) dst(%dma_wait3A_90 : memref<80x128xf32, #tpu.memory_space<vmem>>)
      %mul3A_94 = arith.constant 80 : i32
      %mul3A_95 = arith.muli %scan3A_78, %mul3A_94 : i32
      %dma_start3A_96 = arith.constant 0 : i32
      %dma_start3A_97 = tpu.memref_slice %arg9[%mul3A_81, %dma_start3A_96] : memref<160x128xf32, #tpu.memory_space<vmem>> -> memref<80x128xf32, #tpu.memory_space<vmem>>
      %dma_start3A_98 = tpu.memref_slice %arg8[%mul3A_95] : memref<10240xi32, #tpu.memory_space<vmem>> -> memref<80xi32, #tpu.memory_space<vmem>>
      %dma_start3A_99 = arith.constant 0 : i32
      %dma_start3A_100 = arith.constant 0 : i32
      %dma_start3A_101 = tpu.memref_slice %arg10[%dma_start3A_99, %dma_start3A_100] : memref<10240x128xf32, #tpu.memory_space<vmem_shared>> -> memref<10240x128xf32, #tpu.memory_space<vmem_shared>>
      tpu.enqueue_indirect_dma source(%dma_start3A_97 : memref<80x128xf32, #tpu.memory_space<vmem>>) target(%dma_start3A_101 : memref<10240x128xf32, #tpu.memory_space<vmem_shared>>) offsets(%dma_start3A_98 : memref<80xi32, #tpu.memory_space<vmem>>) semaphore(%arg12 : memref<!tpu.dma_semaphore, #tpu.memory_space<semaphore_mem>>) {add = true}
      %gt3A = arith.constant 0 : i32
      %gt3A_102 = arith.cmpi sgt, %scan3A_78, %gt3A : i32
      %convert_element_type3A = arith.extui %gt3A_102 : i1 to i32
      %cond3A = arith.constant 0 : i32
      %cond3A_103 = arith.cmpi ne, %convert_element_type3A, %cond3A : i32
      scf.if %cond3A_103 {
        %dma_wait3A_110 = arith.constant 80 : i32
        %dma_wait3A_111 = arith.constant 0 : i32
        %dma_wait3A_112 = tpu.memref_slice %arg9[%dma_wait3A_110, %dma_wait3A_111] : memref<160x128xf32, #tpu.memory_space<vmem>> -> memref<80x128xf32, #tpu.memory_space<vmem>>
        %dma_wait3A_113 = arith.constant 0 : i32
        %dma_wait3A_114 = arith.constant 0 : i32
        %dma_wait3A_115 = tpu.memref_slice %arg5[%dma_wait3A_113, %dma_wait3A_114] : memref<640x128xf32, #tpu.memory_space<hbm>> -> memref<80x128xf32, #tpu.memory_space<hbm>>
        %dma_wait3A_116 = arith.constant 80 : i32
        %dma_wait3A_117 = arith.constant 0 : i32
        %dma_wait3A_118 = tpu.memref_slice %arg9[%dma_wait3A_116, %dma_wait3A_117] : memref<160x128xf32, #tpu.memory_space<vmem>> -> memref<80x128xf32, #tpu.memory_space<vmem>>
        %dma_wait3A_119 = arith.constant 0 : i32
        %dma_wait3A_120 = arith.constant 0 : i32
        %dma_wait3A_121 = tpu.memref_slice %arg5[%dma_wait3A_119, %dma_wait3A_120] : memref<640x128xf32, #tpu.memory_space<hbm>> -> memref<80x128xf32, #tpu.memory_space<hbm>>
        tpu.wait_dma2 semaphore(%arg12 : memref<!tpu.dma_semaphore, #tpu.memory_space<semaphore_mem>>) src(%dma_wait3A_121 : memref<80x128xf32, #tpu.memory_space<hbm>>) dst(%dma_wait3A_118 : memref<80x128xf32, #tpu.memory_space<vmem>>)
      } else {
      }
      %add3A_104 = arith.constant 1 : i32
      %add3A_105 = arith.addi %scan3A_78, %add3A_104 : i32
      %lt3A = arith.constant 128 : i32
      %lt3A_106 = arith.cmpi slt, %add3A_105, %lt3A : i32
      %convert_element_type3A_107 = arith.extui %lt3A_106 : i1 to i32
      %cond3A_108 = arith.constant 0 : i32
      %cond3A_109 = arith.cmpi ne, %convert_element_type3A_107, %cond3A_108 : i32
      scf.if %cond3A_109 {
        %mul3A_110 = arith.constant 80 : i32
        %mul3A_111 = arith.muli %add3A_105, %mul3A_110 : i32
        %rem3A_112 = arith.constant 2 : i32
        %rem3A_113 = arith.remsi %add3A_105, %rem3A_112 : i32
        %mul3A_114 = arith.constant 80 : i32
        %mul3A_115 = arith.muli %rem3A_113, %mul3A_114 : i32
        %dma_start3A_116 = arith.constant 0 : i32
        %dma_start3A_117 = tpu.memref_slice %arg9[%mul3A_115, %dma_start3A_116] : memref<160x128xf32, #tpu.memory_space<vmem>> -> memref<80x128xf32, #tpu.memory_space<vmem>>
        %dma_start3A_118 = tpu.memref_slice %arg7[%mul3A_111] : memref<10240xi32, #tpu.memory_space<vmem>> -> memref<80xi32, #tpu.memory_space<vmem>>
        %dma_start3A_119 = arith.constant 0 : i32
        %dma_start3A_120 = arith.constant 0 : i32
        %dma_start3A_121 = tpu.memref_slice %arg2[%add3A_39, %dma_start3A_119, %dma_start3A_120] : memref<4x10240x128xf32, #tpu.memory_space<hbm>> -> memref<1x10240x128xf32, #tpu.memory_space<hbm>>
        %dma_start3A_122 = tpu.memref_squeeze %dma_start3A_121 : memref<1x10240x128xf32, #tpu.memory_space<hbm>> -> memref<10240x128xf32, #tpu.memory_space<hbm>>
        %dma_start3A_123 = arith.constant 0 : i32
        %dma_start3A_124 = arith.constant 0 : i32
        %dma_start3A_125 = tpu.memref_slice %dma_start3A_122[%dma_start3A_123, %dma_start3A_124] : memref<10240x128xf32, #tpu.memory_space<hbm>> -> memref<10240x128xf32, #tpu.memory_space<hbm>>
        tpu.enqueue_indirect_dma source(%dma_start3A_125 : memref<10240x128xf32, #tpu.memory_space<hbm>>) target(%dma_start3A_117 : memref<80x128xf32, #tpu.memory_space<vmem>>) offsets(%dma_start3A_118 : memref<80xi32, #tpu.memory_space<vmem>>) semaphore(%arg11 : memref<!tpu.dma_semaphore, #tpu.memory_space<semaphore_mem>>)
      } else {
      }
    }
    %scan3A_60 = arith.constant 128 : i32
    %dma_wait3A_61 = arith.constant 0 : i32
    %dma_wait3A_62 = arith.constant 0 : i32
    %dma_wait3A_63 = tpu.memref_slice %arg9[%dma_wait3A_61, %dma_wait3A_62] : memref<160x128xf32, #tpu.memory_space<vmem>> -> memref<80x128xf32, #tpu.memory_space<vmem>>
    %dma_wait3A_64 = arith.constant 0 : i32
    %dma_wait3A_65 = arith.constant 0 : i32
    %dma_wait3A_66 = tpu.memref_slice %arg5[%dma_wait3A_64, %dma_wait3A_65] : memref<640x128xf32, #tpu.memory_space<hbm>> -> memref<80x128xf32, #tpu.memory_space<hbm>>
    %dma_wait3A_67 = arith.constant 0 : i32
    %dma_wait3A_68 = arith.constant 0 : i32
    %dma_wait3A_69 = tpu.memref_slice %arg9[%dma_wait3A_67, %dma_wait3A_68] : memref<160x128xf32, #tpu.memory_space<vmem>> -> memref<80x128xf32, #tpu.memory_space<vmem>>
    %dma_wait3A_70 = arith.constant 0 : i32
    %dma_wait3A_71 = arith.constant 0 : i32
    %dma_wait3A_72 = tpu.memref_slice %arg5[%dma_wait3A_70, %dma_wait3A_71] : memref<640x128xf32, #tpu.memory_space<hbm>> -> memref<80x128xf32, #tpu.memory_space<hbm>>
    tpu.wait_dma2 semaphore(%arg12 : memref<!tpu.dma_semaphore, #tpu.memory_space<semaphore_mem>>) src(%dma_wait3A_72 : memref<80x128xf32, #tpu.memory_space<hbm>>) dst(%dma_wait3A_69 : memref<80x128xf32, #tpu.memory_space<vmem>>)
    %barrier3A_73 = arith.constant 0 : index
    tpu.barrier barrier_id(%barrier3A_73)
    %mul3A_74 = arith.constant 640 : i32
    %mul3A_75 = arith.muli %arg1, %mul3A_74 : i32
    %mul3A_76 = arith.constant 640 : i32
    %mul3A_77 = arith.muli %arg1, %mul3A_76 : i32
    "tpu.region"() ({
      %run_scoped3A = tpu.sem_alloc : memref<!tpu.dma_semaphore, #tpu.memory_space<semaphore_mem>>
      %dma_start3A_78 = arith.constant 0 : i32
      %dma_start3A_79 = tpu.memref_slice %arg6[%add3A_39, %mul3A_77, %dma_start3A_78] : memref<4x10240x128xf32, #tpu.memory_space<hbm>> -> memref<1x640x128xf32, #tpu.memory_space<hbm>>
      %dma_start3A_80 = tpu.memref_squeeze %dma_start3A_79 : memref<1x640x128xf32, #tpu.memory_space<hbm>> -> memref<640x128xf32, #tpu.memory_space<hbm>>
      %dma_start3A_81 = arith.constant 0 : i32
      %dma_start3A_82 = tpu.memref_slice %arg10[%mul3A_75, %dma_start3A_81] : memref<10240x128xf32, #tpu.memory_space<vmem_shared>> -> memref<640x128xf32, #tpu.memory_space<vmem_shared>>
      tpu.enqueue_dma source(%dma_start3A_82 : memref<640x128xf32, #tpu.memory_space<vmem_shared>>) target(%dma_start3A_80 : memref<640x128xf32, #tpu.memory_space<hbm>>) target_semaphore(%run_scoped3A : memref<!tpu.dma_semaphore, #tpu.memory_space<semaphore_mem>>)
      %dma_wait3A_83 = arith.constant 0 : i32
      %dma_wait3A_84 = tpu.memref_slice %arg6[%add3A_39, %mul3A_77, %dma_wait3A_83] : memref<4x10240x128xf32, #tpu.memory_space<hbm>> -> memref<1x640x128xf32, #tpu.memory_space<hbm>>
      %dma_wait3A_85 = tpu.memref_squeeze %dma_wait3A_84 : memref<1x640x128xf32, #tpu.memory_space<hbm>> -> memref<640x128xf32, #tpu.memory_space<hbm>>
      %dma_wait3A_86 = arith.constant 0 : i32
      %dma_wait3A_87 = tpu.memref_slice %arg10[%mul3A_75, %dma_wait3A_86] : memref<10240x128xf32, #tpu.memory_space<vmem_shared>> -> memref<640x128xf32, #tpu.memory_space<vmem_shared>>
      tpu.wait_dma2 semaphore(%run_scoped3A : memref<!tpu.dma_semaphore, #tpu.memory_space<semaphore_mem>>) src(%dma_wait3A_87 : memref<640x128xf32, #tpu.memory_space<vmem_shared>>) dst(%dma_wait3A_85 : memref<640x128xf32, #tpu.memory_space<hbm>>)
      tpu.yield
    }) : () -> ()
    return
  }
}

module attributes {stable_mosaic.version = 14 : i64} {
  func.func @_mlp_p1_body(%arg0: i32, %arg1: memref<4x1024x128xf32, #tpu.memory_space<vmem>>, %arg2: memref<512x512xf32, #tpu.memory_space<vmem>>, %arg3: memref<1x512xf32, #tpu.memory_space<vmem>>, %arg4: memref<1024x512xf32, #tpu.memory_space<vmem>>) attributes {dimension_semantics = [#tpu.dimension_semantics<arbitrary>], iteration_bounds = array<i64: 10>, scalar_prefetch = 0 : i64, scratch_operands = 0 : i64, tpu.core_type = #tpu.core_type<tc>, window_params = [{transform_indices = @transform_0, window_bounds = array<i64: 4, 1024, 128>}, {pipeline_mode = #tpu.pipeline_mode<synchronous>, transform_indices = @transform_1, window_bounds = array<i64: 512, 512>}, {pipeline_mode = #tpu.pipeline_mode<synchronous>, transform_indices = @transform_2, window_bounds = array<i64: 1, 512>}, {transform_indices = @transform_3, window_bounds = array<i64: 1024, 512>}]} {
    %get3A = arith.constant 0 : index
    %get3A_0 = arith.constant 0 : index
    %get3A_1 = arith.constant 0 : index
    %get3A_2 = vector.load %arg1[%get3A, %get3A_0, %get3A_1] : memref<4x1024x128xf32, #tpu.memory_space<vmem>>, vector<4x1024x128xf32>
    %convert_element_type3A = arith.truncf %get3A_2 : vector<4x1024x128xf32> to vector<4x1024x128xbf16>
    %get3A_3 = arith.constant 0 : index
    %get3A_4 = arith.constant 0 : index
    %get3A_5 = vector.load %arg2[%get3A_3, %get3A_4] : memref<512x512xf32, #tpu.memory_space<vmem>>, vector<512x512xf32>
    %convert_element_type3A_6 = arith.truncf %get3A_5 : vector<512x512xf32> to vector<512x512xbf16>
    %slice3A = vector.extract_strided_slice %convert_element_type3A {offsets = [0, 0, 0], sizes = [1, 1024, 128], strides = [1, 1, 1]} : vector<4x1024x128xbf16> to vector<1x1024x128xbf16>
    %squeeze3A = vector.shape_cast %slice3A : vector<1x1024x128xbf16> to vector<1024x128xbf16>
    %slice3A_7 = vector.extract_strided_slice %convert_element_type3A_6 {offsets = [0, 0], sizes = [128, 512], strides = [1, 1]} : vector<512x512xbf16> to vector<128x512xbf16>
    %dot_general3A = arith.constant dense<0.000000e+00> : vector<1024x512xf32>
    %dot_general3A_8 = tpu.matmul %squeeze3A, %slice3A_7, %dot_general3A {dimension_numbers = #tpu.dot_dimension_numbers<[1], [0], [0], [1], [0, 0, 1, 1], [], []>, transpose_lhs_hint = false} : vector<1024x128xbf16>, vector<128x512xbf16>, vector<1024x512xf32> -> vector<1024x512xf32>
    %slice3A_9 = vector.extract_strided_slice %convert_element_type3A {offsets = [1, 0, 0], sizes = [1, 1024, 128], strides = [1, 1, 1]} : vector<4x1024x128xbf16> to vector<1x1024x128xbf16>
    %squeeze3A_10 = vector.shape_cast %slice3A_9 : vector<1x1024x128xbf16> to vector<1024x128xbf16>
    %slice3A_11 = vector.extract_strided_slice %convert_element_type3A_6 {offsets = [128, 0], sizes = [128, 512], strides = [1, 1]} : vector<512x512xbf16> to vector<128x512xbf16>
    %dot_general3A_12 = arith.constant dense<0.000000e+00> : vector<1024x512xf32>
    %dot_general3A_13 = tpu.matmul %squeeze3A_10, %slice3A_11, %dot_general3A_12 {dimension_numbers = #tpu.dot_dimension_numbers<[1], [0], [0], [1], [0, 0, 1, 1], [], []>, transpose_lhs_hint = false} : vector<1024x128xbf16>, vector<128x512xbf16>, vector<1024x512xf32> -> vector<1024x512xf32>
    %add3A = arith.addf %dot_general3A_8, %dot_general3A_13 : vector<1024x512xf32>
    %slice3A_14 = vector.extract_strided_slice %convert_element_type3A {offsets = [2, 0, 0], sizes = [1, 1024, 128], strides = [1, 1, 1]} : vector<4x1024x128xbf16> to vector<1x1024x128xbf16>
    %squeeze3A_15 = vector.shape_cast %slice3A_14 : vector<1x1024x128xbf16> to vector<1024x128xbf16>
    %slice3A_16 = vector.extract_strided_slice %convert_element_type3A_6 {offsets = [256, 0], sizes = [128, 512], strides = [1, 1]} : vector<512x512xbf16> to vector<128x512xbf16>
    %dot_general3A_17 = arith.constant dense<0.000000e+00> : vector<1024x512xf32>
    %dot_general3A_18 = tpu.matmul %squeeze3A_15, %slice3A_16, %dot_general3A_17 {dimension_numbers = #tpu.dot_dimension_numbers<[1], [0], [0], [1], [0, 0, 1, 1], [], []>, transpose_lhs_hint = false} : vector<1024x128xbf16>, vector<128x512xbf16>, vector<1024x512xf32> -> vector<1024x512xf32>
    %add3A_19 = arith.addf %add3A, %dot_general3A_18 : vector<1024x512xf32>
    %slice3A_20 = vector.extract_strided_slice %convert_element_type3A {offsets = [3, 0, 0], sizes = [1, 1024, 128], strides = [1, 1, 1]} : vector<4x1024x128xbf16> to vector<1x1024x128xbf16>
    %squeeze3A_21 = vector.shape_cast %slice3A_20 : vector<1x1024x128xbf16> to vector<1024x128xbf16>
    %slice3A_22 = vector.extract_strided_slice %convert_element_type3A_6 {offsets = [384, 0], sizes = [128, 512], strides = [1, 1]} : vector<512x512xbf16> to vector<128x512xbf16>
    %dot_general3A_23 = arith.constant dense<0.000000e+00> : vector<1024x512xf32>
    %dot_general3A_24 = tpu.matmul %squeeze3A_21, %slice3A_22, %dot_general3A_23 {dimension_numbers = #tpu.dot_dimension_numbers<[1], [0], [0], [1], [0, 0, 1, 1], [], []>, transpose_lhs_hint = false} : vector<1024x128xbf16>, vector<128x512xbf16>, vector<1024x512xf32> -> vector<1024x512xf32>
    %add3A_25 = arith.addf %add3A_19, %dot_general3A_24 : vector<1024x512xf32>
    %get3A_26 = arith.constant 0 : index
    %get3A_27 = arith.constant 0 : index
    %get3A_28 = vector.load %arg3[%get3A_26, %get3A_27] : memref<1x512xf32, #tpu.memory_space<vmem>>, vector<1x512xf32>
    %add3A_29 = vector.broadcast %get3A_28 : vector<1x512xf32> to vector<1024x512xf32>
    %add3A_30 = arith.addf %add3A_25, %add3A_29 : vector<1024x512xf32>
    %swap3A = arith.constant 0 : index
    %swap3A_31 = arith.constant 0 : index
    %swap3A_32 = vector.load %arg4[%swap3A, %swap3A_31] : memref<1024x512xf32, #tpu.memory_space<vmem>>, vector<1024x512xf32>
    tpu.vector_store %arg4[%swap3A, %swap3A_31], %add3A_30 {strides = array<i32>} : memref<1024x512xf32, #tpu.memory_space<vmem>>, vector<1024x512xf32>,
    return
  }
  func.func @transform_0(%arg0: i32) -> (i32, i32, i32) {
    %c0_i32 = arith.constant 0 : i32
    %c0_i32_0 = arith.constant 0 : i32
    %c0_i32_1 = arith.constant 0 : i32
    return %c0_i32, %arg0, %c0_i32_0 : i32, i32, i32
  }
  func.func @transform_1(%arg0: i32) -> (i32, i32) {
    %c0_i32 = arith.constant 0 : i32
    %c0_i32_0 = arith.constant 0 : i32
    %c0_i32_1 = arith.constant 0 : i32
    return %c0_i32, %c0_i32_0 : i32, i32
  }
  func.func @transform_2(%arg0: i32) -> (i32, i32) {
    %c0_i32 = arith.constant 0 : i32
    %c0_i32_0 = arith.constant 0 : i32
    %c0_i32_1 = arith.constant 0 : i32
    return %c0_i32, %c0_i32_0 : i32, i32
  }
  func.func @transform_3(%arg0: i32) -> (i32, i32) {
    %c0_i32 = arith.constant 0 : i32
    %c0_i32_0 = arith.constant 0 : i32
    return %arg0, %c0_i32 : i32, i32
  }
}

module attributes {stable_mosaic.version = 14 : i64} {
  func.func @_enc_body(%arg0: i32, %arg1: memref<1024x256xf32, #tpu.memory_space<vmem>>, %arg2: memref<256x512xf32, #tpu.memory_space<vmem>>, %arg3: memref<1x512xf32, #tpu.memory_space<vmem>>, %arg4: memref<4x1024x128xf32, #tpu.memory_space<vmem>>) attributes {dimension_semantics = [#tpu.dimension_semantics<arbitrary>], iteration_bounds = array<i64: 10>, scalar_prefetch = 0 : i64, scratch_operands = 0 : i64, tpu.core_type = #tpu.core_type<tc>, window_params = [{transform_indices = @transform_0, window_bounds = array<i64: 1024, 256>}, {pipeline_mode = #tpu.pipeline_mode<synchronous>, transform_indices = @transform_1, window_bounds = array<i64: 256, 512>}, {pipeline_mode = #tpu.pipeline_mode<synchronous>, transform_indices = @transform_2, window_bounds = array<i64: 1, 512>}, {transform_indices = @transform_3, window_bounds = array<i64: 4, 1024, 128>}]} {
    %get3A = arith.constant 0 : index
    %get3A_0 = arith.constant 0 : index
    %get3A_1 = vector.load %arg1[%get3A, %get3A_0] : memref<1024x256xf32, #tpu.memory_space<vmem>>, vector<1024x256xf32>
    %get3A_2 = arith.constant 0 : index
    %get3A_3 = arith.constant 0 : index
    %get3A_4 = vector.load %arg2[%get3A_2, %get3A_3] : memref<256x512xf32, #tpu.memory_space<vmem>>, vector<256x512xf32>
    %dot_general3A = arith.constant dense<0.000000e+00> : vector<1024x512xf32>
    %dot_general3A_5 = tpu.matmul %get3A_1, %get3A_4, %dot_general3A {dimension_numbers = #tpu.dot_dimension_numbers<[1], [0], [0], [1], [0, 0, 1, 1], [], []>, transpose_lhs_hint = false} : vector<1024x256xf32>, vector<256x512xf32>, vector<1024x512xf32> -> vector<1024x512xf32>
    %get3A_6 = arith.constant 0 : index
    %get3A_7 = arith.constant 0 : index
    %get3A_8 = vector.load %arg3[%get3A_6, %get3A_7] : memref<1x512xf32, #tpu.memory_space<vmem>>, vector<1x512xf32>
    %add3A = vector.broadcast %get3A_8 : vector<1x512xf32> to vector<1024x512xf32>
    %add3A_9 = arith.addf %dot_general3A_5, %add3A : vector<1024x512xf32>
    %slice3A = vector.extract_strided_slice %add3A_9 {offsets = [0, 0], sizes = [1024, 128], strides = [1, 1]} : vector<1024x512xf32> to vector<1024x128xf32>
    %swap3A = arith.constant 0 : index
    %swap3A_10 = arith.constant 0 : index
    %swap3A_11 = arith.constant 0 : index
    %swap3A_12 = vector.load %arg4[%swap3A, %swap3A_10, %swap3A_11] : memref<4x1024x128xf32, #tpu.memory_space<vmem>>, vector<1x1024x128xf32>
    %swap3A_13 = vector.shape_cast %swap3A_12 : vector<1x1024x128xf32> to vector<1024x128xf32>
    %swap3A_14 = vector.shape_cast %slice3A : vector<1024x128xf32> to vector<1x1024x128xf32>
    tpu.vector_store %arg4[%swap3A, %swap3A_10, %swap3A_11], %swap3A_14 {strides = array<i32>} : memref<4x1024x128xf32, #tpu.memory_space<vmem>>, vector<1x1024x128xf32>,
    %slice3A_15 = vector.extract_strided_slice %add3A_9 {offsets = [0, 128], sizes = [1024, 128], strides = [1, 1]} : vector<1024x512xf32> to vector<1024x128xf32>
    %swap3A_16 = arith.constant 1 : index
    %swap3A_17 = arith.constant 0 : index
    %swap3A_18 = arith.constant 0 : index
    %swap3A_19 = vector.load %arg4[%swap3A_16, %swap3A_17, %swap3A_18] : memref<4x1024x128xf32, #tpu.memory_space<vmem>>, vector<1x1024x128xf32>
    %swap3A_20 = vector.shape_cast %swap3A_19 : vector<1x1024x128xf32> to vector<1024x128xf32>
    %swap3A_21 = vector.shape_cast %slice3A_15 : vector<1024x128xf32> to vector<1x1024x128xf32>
    tpu.vector_store %arg4[%swap3A_16, %swap3A_17, %swap3A_18], %swap3A_21 {strides = array<i32>} : memref<4x1024x128xf32, #tpu.memory_space<vmem>>, vector<1x1024x128xf32>,
    %slice3A_22 = vector.extract_strided_slice %add3A_9 {offsets = [0, 256], sizes = [1024, 128], strides = [1, 1]} : vector<1024x512xf32> to vector<1024x128xf32>
    %swap3A_23 = arith.constant 2 : index
    %swap3A_24 = arith.constant 0 : index
    %swap3A_25 = arith.constant 0 : index
    %swap3A_26 = vector.load %arg4[%swap3A_23, %swap3A_24, %swap3A_25] : memref<4x1024x128xf32, #tpu.memory_space<vmem>>, vector<1x1024x128xf32>
    %swap3A_27 = vector.shape_cast %swap3A_26 : vector<1x1024x128xf32> to vector<1024x128xf32>
    %swap3A_28 = vector.shape_cast %slice3A_22 : vector<1024x128xf32> to vector<1x1024x128xf32>
    tpu.vector_store %arg4[%swap3A_23, %swap3A_24, %swap3A_25], %swap3A_28 {strides = array<i32>} : memref<4x1024x128xf32, #tpu.memory_space<vmem>>, vector<1x1024x128xf32>,
    %slice3A_29 = vector.extract_strided_slice %add3A_9 {offsets = [0, 384], sizes = [1024, 128], strides = [1, 1]} : vector<1024x512xf32> to vector<1024x128xf32>
    %swap3A_30 = arith.constant 3 : index
    %swap3A_31 = arith.constant 0 : index
    %swap3A_32 = arith.constant 0 : index
    %swap3A_33 = vector.load %arg4[%swap3A_30, %swap3A_31, %swap3A_32] : memref<4x1024x128xf32, #tpu.memory_space<vmem>>, vector<1x1024x128xf32>
    %swap3A_34 = vector.shape_cast %swap3A_33 : vector<1x1024x128xf32> to vector<1024x128xf32>
    %swap3A_35 = vector.shape_cast %slice3A_29 : vector<1024x128xf32> to vector<1x1024x128xf32>
    tpu.vector_store %arg4[%swap3A_30, %swap3A_31, %swap3A_32], %swap3A_35 {strides = array<i32>} : memref<4x1024x128xf32, #tpu.memory_space<vmem>>, vector<1x1024x128xf32>,
    return
  }
  func.func @transform_0(%arg0: i32) -> (i32, i32) {
    %c0_i32 = arith.constant 0 : i32
    %c0_i32_0 = arith.constant 0 : i32
    return %arg0, %c0_i32 : i32, i32
  }
  func.func @transform_1(%arg0: i32) -> (i32, i32) {
    %c0_i32 = arith.constant 0 : i32
    %c0_i32_0 = arith.constant 0 : i32
    %c0_i32_1 = arith.constant 0 : i32
    return %c0_i32, %c0_i32_0 : i32, i32
  }
  func.func @transform_2(%arg0: i32) -> (i32, i32) {
    %c0_i32 = arith.constant 0 : i32
    %c0_i32_0 = arith.constant 0 : i32
    %c0_i32_1 = arith.constant 0 : i32
    return %c0_i32, %c0_i32_0 : i32, i32
  }
  func.func @transform_3(%arg0: i32) -> (i32, i32, i32) {
    %c0_i32 = arith.constant 0 : i32
    %c0_i32_0 = arith.constant 0 : i32
    %c0_i32_1 = arith.constant 0 : i32
    return %c0_i32, %arg0, %c0_i32_0 : i32, i32, i32
  }
}

module attributes {stable_mosaic.version = 14 : i64} {
  func.func @_mlp_p2_body(%arg0: i32, %arg1: memref<1024x512xf32, #tpu.memory_space<vmem>>, %arg2: memref<4x1024x128xf32, #tpu.memory_space<vmem>>, %arg3: memref<512x512xf32, #tpu.memory_space<vmem>>, %arg4: memref<512x512xf32, #tpu.memory_space<vmem>>, %arg5: memref<1x512xf32, #tpu.memory_space<vmem>>, %arg6: memref<4x1024x128xf32, #tpu.memory_space<vmem>>) attributes {dimension_semantics = [#tpu.dimension_semantics<arbitrary>], iteration_bounds = array<i64: 10>, scalar_prefetch = 0 : i64, scratch_operands = 0 : i64, tpu.core_type = #tpu.core_type<tc>, window_params = [{transform_indices = @transform_0, window_bounds = array<i64: 1024, 512>}, {transform_indices = @transform_1, window_bounds = array<i64: 4, 1024, 128>}, {pipeline_mode = #tpu.pipeline_mode<synchronous>, transform_indices = @transform_2, window_bounds = array<i64: 512, 512>}, {pipeline_mode = #tpu.pipeline_mode<synchronous>, transform_indices = @transform_3, window_bounds = array<i64: 512, 512>}, {pipeline_mode = #tpu.pipeline_mode<synchronous>, transform_indices = @transform_4, window_bounds = array<i64: 1, 512>}, {transform_indices = @transform_5, window_bounds = array<i64: 4, 1024, 128>}]} {
    %get3A = arith.constant 0 : index
    %get3A_0 = arith.constant 0 : index
    %get3A_1 = arith.constant 0 : index
    %get3A_2 = vector.load %arg2[%get3A, %get3A_0, %get3A_1] : memref<4x1024x128xf32, #tpu.memory_space<vmem>>, vector<4x1024x128xf32>
    %convert_element_type3A = arith.truncf %get3A_2 : vector<4x1024x128xf32> to vector<4x1024x128xbf16>
    %get3A_3 = arith.constant 0 : index
    %get3A_4 = arith.constant 0 : index
    %get3A_5 = vector.load %arg3[%get3A_3, %get3A_4] : memref<512x512xf32, #tpu.memory_space<vmem>>, vector<512x512xf32>
    %convert_element_type3A_6 = arith.truncf %get3A_5 : vector<512x512xf32> to vector<512x512xbf16>
    %slice3A = vector.extract_strided_slice %convert_element_type3A {offsets = [0, 0, 0], sizes = [1, 1024, 128], strides = [1, 1, 1]} : vector<4x1024x128xbf16> to vector<1x1024x128xbf16>
    %squeeze3A = vector.shape_cast %slice3A : vector<1x1024x128xbf16> to vector<1024x128xbf16>
    %slice3A_7 = vector.extract_strided_slice %convert_element_type3A_6 {offsets = [0, 0], sizes = [128, 512], strides = [1, 1]} : vector<512x512xbf16> to vector<128x512xbf16>
    %dot_general3A = arith.constant dense<0.000000e+00> : vector<1024x512xf32>
    %dot_general3A_8 = tpu.matmul %squeeze3A, %slice3A_7, %dot_general3A {dimension_numbers = #tpu.dot_dimension_numbers<[1], [0], [0], [1], [0, 0, 1, 1], [], []>, transpose_lhs_hint = false} : vector<1024x128xbf16>, vector<128x512xbf16>, vector<1024x512xf32> -> vector<1024x512xf32>
    %slice3A_9 = vector.extract_strided_slice %convert_element_type3A {offsets = [1, 0, 0], sizes = [1, 1024, 128], strides = [1, 1, 1]} : vector<4x1024x128xbf16> to vector<1x1024x128xbf16>
    %squeeze3A_10 = vector.shape_cast %slice3A_9 : vector<1x1024x128xbf16> to vector<1024x128xbf16>
    %slice3A_11 = vector.extract_strided_slice %convert_element_type3A_6 {offsets = [128, 0], sizes = [128, 512], strides = [1, 1]} : vector<512x512xbf16> to vector<128x512xbf16>
    %dot_general3A_12 = arith.constant dense<0.000000e+00> : vector<1024x512xf32>
    %dot_general3A_13 = tpu.matmul %squeeze3A_10, %slice3A_11, %dot_general3A_12 {dimension_numbers = #tpu.dot_dimension_numbers<[1], [0], [0], [1], [0, 0, 1, 1], [], []>, transpose_lhs_hint = false} : vector<1024x128xbf16>, vector<128x512xbf16>, vector<1024x512xf32> -> vector<1024x512xf32>
    %add3A = arith.addf %dot_general3A_8, %dot_general3A_13 : vector<1024x512xf32>
    %slice3A_14 = vector.extract_strided_slice %convert_element_type3A {offsets = [2, 0, 0], sizes = [1, 1024, 128], strides = [1, 1, 1]} : vector<4x1024x128xbf16> to vector<1x1024x128xbf16>
    %squeeze3A_15 = vector.shape_cast %slice3A_14 : vector<1x1024x128xbf16> to vector<1024x128xbf16>
    %slice3A_16 = vector.extract_strided_slice %convert_element_type3A_6 {offsets = [256, 0], sizes = [128, 512], strides = [1, 1]} : vector<512x512xbf16> to vector<128x512xbf16>
    %dot_general3A_17 = arith.constant dense<0.000000e+00> : vector<1024x512xf32>
    %dot_general3A_18 = tpu.matmul %squeeze3A_15, %slice3A_16, %dot_general3A_17 {dimension_numbers = #tpu.dot_dimension_numbers<[1], [0], [0], [1], [0, 0, 1, 1], [], []>, transpose_lhs_hint = false} : vector<1024x128xbf16>, vector<128x512xbf16>, vector<1024x512xf32> -> vector<1024x512xf32>
    %add3A_19 = arith.addf %add3A, %dot_general3A_18 : vector<1024x512xf32>
    %slice3A_20 = vector.extract_strided_slice %convert_element_type3A {offsets = [3, 0, 0], sizes = [1, 1024, 128], strides = [1, 1, 1]} : vector<4x1024x128xbf16> to vector<1x1024x128xbf16>
    %squeeze3A_21 = vector.shape_cast %slice3A_20 : vector<1x1024x128xbf16> to vector<1024x128xbf16>
    %slice3A_22 = vector.extract_strided_slice %convert_element_type3A_6 {offsets = [384, 0], sizes = [128, 512], strides = [1, 1]} : vector<512x512xbf16> to vector<128x512xbf16>
    %dot_general3A_23 = arith.constant dense<0.000000e+00> : vector<1024x512xf32>
    %dot_general3A_24 = tpu.matmul %squeeze3A_21, %slice3A_22, %dot_general3A_23 {dimension_numbers = #tpu.dot_dimension_numbers<[1], [0], [0], [1], [0, 0, 1, 1], [], []>, transpose_lhs_hint = false} : vector<1024x128xbf16>, vector<128x512xbf16>, vector<1024x512xf32> -> vector<1024x512xf32>
    %add3A_25 = arith.addf %add3A_19, %dot_general3A_24 : vector<1024x512xf32>
    %get3A_26 = arith.constant 0 : index
    %get3A_27 = arith.constant 0 : index
    %get3A_28 = vector.load %arg1[%get3A_26, %get3A_27] : memref<1024x512xf32, #tpu.memory_space<vmem>>, vector<1024x512xf32>
    %add3A_29 = arith.addf %add3A_25, %get3A_28 : vector<1024x512xf32>
    %max3A = arith.constant 0.000000e+00 : f32
    %max3A_30 = vector.broadcast %max3A : f32 to vector<1024x512xf32>
    %max3A_31 = arith.maximumf %add3A_29, %max3A_30 : vector<1024x512xf32>
    %convert_element_type3A_32 = arith.truncf %max3A_31 : vector<1024x512xf32> to vector<1024x512xbf16>
    %get3A_33 = arith.constant 0 : index
    %get3A_34 = arith.constant 0 : index
    %get3A_35 = vector.load %arg4[%get3A_33, %get3A_34] : memref<512x512xf32, #tpu.memory_space<vmem>>, vector<512x512xf32>
    %convert_element_type3A_36 = arith.truncf %get3A_35 : vector<512x512xf32> to vector<512x512xbf16>
    %slice3A_37 = vector.extract_strided_slice %convert_element_type3A_36 {offsets = [0, 0], sizes = [512, 128], strides = [1, 1]} : vector<512x512xbf16> to vector<512x128xbf16>
    %dot_general3A_38 = arith.constant dense<0.000000e+00> : vector<1024x128xf32>
    %dot_general3A_39 = tpu.matmul %convert_element_type3A_32, %slice3A_37, %dot_general3A_38 {dimension_numbers = #tpu.dot_dimension_numbers<[1], [0], [0], [1], [0, 0, 1, 1], [], []>, transpose_lhs_hint = false} : vector<1024x512xbf16>, vector<512x128xbf16>, vector<1024x128xf32> -> vector<1024x128xf32>
    %get3A_40 = arith.constant 0 : index
    %get3A_41 = arith.constant 0 : index
    %get3A_42 = vector.load %arg5[%get3A_40, %get3A_41] : memref<1x512xf32, #tpu.memory_space<vmem>>, vector<1x128xf32>
    %add3A_43 = vector.broadcast %get3A_42 : vector<1x128xf32> to vector<1024x128xf32>
    %add3A_44 = arith.addf %dot_general3A_39, %add3A_43 : vector<1024x128xf32>
    %max3A_45 = arith.constant 0.000000e+00 : f32
    %max3A_46 = vector.broadcast %max3A_45 : f32 to vector<1024x128xf32>
    %max3A_47 = arith.maximumf %add3A_44, %max3A_46 : vector<1024x128xf32>
    %swap3A = arith.constant 0 : index
    %swap3A_48 = arith.constant 0 : index
    %swap3A_49 = arith.constant 0 : index
    %swap3A_50 = vector.load %arg6[%swap3A, %swap3A_48, %swap3A_49] : memref<4x1024x128xf32, #tpu.memory_space<vmem>>, vector<1x1024x128xf32>
    %swap3A_51 = vector.shape_cast %swap3A_50 : vector<1x1024x128xf32> to vector<1024x128xf32>
    %swap3A_52 = vector.shape_cast %max3A_47 : vector<1024x128xf32> to vector<1x1024x128xf32>
    tpu.vector_store %arg6[%swap3A, %swap3A_48, %swap3A_49], %swap3A_52 {strides = array<i32>} : memref<4x1024x128xf32, #tpu.memory_space<vmem>>, vector<1x1024x128xf32>,
    %slice3A_53 = vector.extract_strided_slice %convert_element_type3A_36 {offsets = [0, 128], sizes = [512, 128], strides = [1, 1]} : vector<512x512xbf16> to vector<512x128xbf16>
    %dot_general3A_54 = arith.constant dense<0.000000e+00> : vector<1024x128xf32>
    %dot_general3A_55 = tpu.matmul %convert_element_type3A_32, %slice3A_53, %dot_general3A_54 {dimension_numbers = #tpu.dot_dimension_numbers<[1], [0], [0], [1], [0, 0, 1, 1], [], []>, transpose_lhs_hint = false} : vector<1024x512xbf16>, vector<512x128xbf16>, vector<1024x128xf32> -> vector<1024x128xf32>
    %get3A_56 = arith.constant 0 : index
    %get3A_57 = arith.constant 128 : index
    %get3A_58 = vector.load %arg5[%get3A_56, %get3A_57] : memref<1x512xf32, #tpu.memory_space<vmem>>, vector<1x128xf32>
    %add3A_59 = vector.broadcast %get3A_58 : vector<1x128xf32> to vector<1024x128xf32>
    %add3A_60 = arith.addf %dot_general3A_55, %add3A_59 : vector<1024x128xf32>
    %max3A_61 = arith.constant 0.000000e+00 : f32
    %max3A_62 = vector.broadcast %max3A_61 : f32 to vector<1024x128xf32>
    %max3A_63 = arith.maximumf %add3A_60, %max3A_62 : vector<1024x128xf32>
    %swap3A_64 = arith.constant 1 : index
    %swap3A_65 = arith.constant 0 : index
    %swap3A_66 = arith.constant 0 : index
    %swap3A_67 = vector.load %arg6[%swap3A_64, %swap3A_65, %swap3A_66] : memref<4x1024x128xf32, #tpu.memory_space<vmem>>, vector<1x1024x128xf32>
    %swap3A_68 = vector.shape_cast %swap3A_67 : vector<1x1024x128xf32> to vector<1024x128xf32>
    %swap3A_69 = vector.shape_cast %max3A_63 : vector<1024x128xf32> to vector<1x1024x128xf32>
    tpu.vector_store %arg6[%swap3A_64, %swap3A_65, %swap3A_66], %swap3A_69 {strides = array<i32>} : memref<4x1024x128xf32, #tpu.memory_space<vmem>>, vector<1x1024x128xf32>,
    %slice3A_70 = vector.extract_strided_slice %convert_element_type3A_36 {offsets = [0, 256], sizes = [512, 128], strides = [1, 1]} : vector<512x512xbf16> to vector<512x128xbf16>
    %dot_general3A_71 = arith.constant dense<0.000000e+00> : vector<1024x128xf32>
    %dot_general3A_72 = tpu.matmul %convert_element_type3A_32, %slice3A_70, %dot_general3A_71 {dimension_numbers = #tpu.dot_dimension_numbers<[1], [0], [0], [1], [0, 0, 1, 1], [], []>, transpose_lhs_hint = false} : vector<1024x512xbf16>, vector<512x128xbf16>, vector<1024x128xf32> -> vector<1024x128xf32>
    %get3A_73 = arith.constant 0 : index
    %get3A_74 = arith.constant 256 : index
    %get3A_75 = vector.load %arg5[%get3A_73, %get3A_74] : memref<1x512xf32, #tpu.memory_space<vmem>>, vector<1x128xf32>
    %add3A_76 = vector.broadcast %get3A_75 : vector<1x128xf32> to vector<1024x128xf32>
    %add3A_77 = arith.addf %dot_general3A_72, %add3A_76 : vector<1024x128xf32>
    %max3A_78 = arith.constant 0.000000e+00 : f32
    %max3A_79 = vector.broadcast %max3A_78 : f32 to vector<1024x128xf32>
    %max3A_80 = arith.maximumf %add3A_77, %max3A_79 : vector<1024x128xf32>
    %swap3A_81 = arith.constant 2 : index
    %swap3A_82 = arith.constant 0 : index
    %swap3A_83 = arith.constant 0 : index
    %swap3A_84 = vector.load %arg6[%swap3A_81, %swap3A_82, %swap3A_83] : memref<4x1024x128xf32, #tpu.memory_space<vmem>>, vector<1x1024x128xf32>
    %swap3A_85 = vector.shape_cast %swap3A_84 : vector<1x1024x128xf32> to vector<1024x128xf32>
    %swap3A_86 = vector.shape_cast %max3A_80 : vector<1024x128xf32> to vector<1x1024x128xf32>
    tpu.vector_store %arg6[%swap3A_81, %swap3A_82, %swap3A_83], %swap3A_86 {strides = array<i32>} : memref<4x1024x128xf32, #tpu.memory_space<vmem>>, vector<1x1024x128xf32>,
    %slice3A_87 = vector.extract_strided_slice %convert_element_type3A_36 {offsets = [0, 384], sizes = [512, 128], strides = [1, 1]} : vector<512x512xbf16> to vector<512x128xbf16>
    %dot_general3A_88 = arith.constant dense<0.000000e+00> : vector<1024x128xf32>
    %dot_general3A_89 = tpu.matmul %convert_element_type3A_32, %slice3A_87, %dot_general3A_88 {dimension_numbers = #tpu.dot_dimension_numbers<[1], [0], [0], [1], [0, 0, 1, 1], [], []>, transpose_lhs_hint = false} : vector<1024x512xbf16>, vector<512x128xbf16>, vector<1024x128xf32> -> vector<1024x128xf32>
    %get3A_90 = arith.constant 0 : index
    %get3A_91 = arith.constant 384 : index
    %get3A_92 = vector.load %arg5[%get3A_90, %get3A_91] : memref<1x512xf32, #tpu.memory_space<vmem>>, vector<1x128xf32>
    %add3A_93 = vector.broadcast %get3A_92 : vector<1x128xf32> to vector<1024x128xf32>
    %add3A_94 = arith.addf %dot_general3A_89, %add3A_93 : vector<1024x128xf32>
    %max3A_95 = arith.constant 0.000000e+00 : f32
    %max3A_96 = vector.broadcast %max3A_95 : f32 to vector<1024x128xf32>
    %max3A_97 = arith.maximumf %add3A_94, %max3A_96 : vector<1024x128xf32>
    %swap3A_98 = arith.constant 3 : index
    %swap3A_99 = arith.constant 0 : index
    %swap3A_100 = arith.constant 0 : index
    %swap3A_101 = vector.load %arg6[%swap3A_98, %swap3A_99, %swap3A_100] : memref<4x1024x128xf32, #tpu.memory_space<vmem>>, vector<1x1024x128xf32>
    %swap3A_102 = vector.shape_cast %swap3A_101 : vector<1x1024x128xf32> to vector<1024x128xf32>
    %swap3A_103 = vector.shape_cast %max3A_97 : vector<1024x128xf32> to vector<1x1024x128xf32>
    tpu.vector_store %arg6[%swap3A_98, %swap3A_99, %swap3A_100], %swap3A_103 {strides = array<i32>} : memref<4x1024x128xf32, #tpu.memory_space<vmem>>, vector<1x1024x128xf32>,
    return
  }
  func.func @transform_0(%arg0: i32) -> (i32, i32) {
    %c0_i32 = arith.constant 0 : i32
    %c0_i32_0 = arith.constant 0 : i32
    return %arg0, %c0_i32 : i32, i32
  }
  func.func @transform_1(%arg0: i32) -> (i32, i32, i32) {
    %c0_i32 = arith.constant 0 : i32
    %c0_i32_0 = arith.constant 0 : i32
    %c0_i32_1 = arith.constant 0 : i32
    return %c0_i32, %arg0, %c0_i32_0 : i32, i32, i32
  }
  func.func @transform_2(%arg0: i32) -> (i32, i32) {
    %c0_i32 = arith.constant 0 : i32
    %c0_i32_0 = arith.constant 0 : i32
    %c0_i32_1 = arith.constant 0 : i32
    return %c0_i32, %c0_i32_0 : i32, i32
  }
  func.func @transform_3(%arg0: i32) -> (i32, i32) {
    %c0_i32 = arith.constant 0 : i32
    %c0_i32_0 = arith.constant 0 : i32
    %c0_i32_1 = arith.constant 0 : i32
    return %c0_i32, %c0_i32_0 : i32, i32
  }
  func.func @transform_4(%arg0: i32) -> (i32, i32) {
    %c0_i32 = arith.constant 0 : i32
    %c0_i32_0 = arith.constant 0 : i32
    %c0_i32_1 = arith.constant 0 : i32
    return %c0_i32, %c0_i32_0 : i32, i32
  }
  func.func @transform_5(%arg0: i32) -> (i32, i32, i32) {
    %c0_i32 = arith.constant 0 : i32
    %c0_i32_0 = arith.constant 0 : i32
    %c0_i32_1 = arith.constant 0 : i32
    return %c0_i32, %arg0, %c0_i32_0 : i32, i32, i32
  }
}

module attributes {stable_mosaic.version = 14 : i64} {
  func.func @_mlp_p2_body(%arg0: i32, %arg1: memref<1024x512xf32, #tpu.memory_space<vmem>>, %arg2: memref<4x1024x128xf32, #tpu.memory_space<vmem>>, %arg3: memref<512x512xf32, #tpu.memory_space<vmem>>, %arg4: memref<512x512xf32, #tpu.memory_space<vmem>>, %arg5: memref<1x512xf32, #tpu.memory_space<vmem>>, %arg6: memref<4x1024x128xf32, #tpu.memory_space<vmem>>) attributes {dimension_semantics = [#tpu.dimension_semantics<arbitrary>], iteration_bounds = array<i64: 10>, scalar_prefetch = 0 : i64, scratch_operands = 0 : i64, tpu.core_type = #tpu.core_type<tc>, window_params = [{transform_indices = @transform_0, window_bounds = array<i64: 1024, 512>}, {transform_indices = @transform_1, window_bounds = array<i64: 4, 1024, 128>}, {pipeline_mode = #tpu.pipeline_mode<synchronous>, transform_indices = @transform_2, window_bounds = array<i64: 512, 512>}, {pipeline_mode = #tpu.pipeline_mode<synchronous>, transform_indices = @transform_3, window_bounds = array<i64: 512, 512>}, {pipeline_mode = #tpu.pipeline_mode<synchronous>, transform_indices = @transform_4, window_bounds = array<i64: 1, 512>}, {transform_indices = @transform_5, window_bounds = array<i64: 4, 1024, 128>}]} {
    %get3A = arith.constant 0 : index
    %get3A_0 = arith.constant 0 : index
    %get3A_1 = arith.constant 0 : index
    %get3A_2 = vector.load %arg2[%get3A, %get3A_0, %get3A_1] : memref<4x1024x128xf32, #tpu.memory_space<vmem>>, vector<4x1024x128xf32>
    %convert_element_type3A = arith.truncf %get3A_2 : vector<4x1024x128xf32> to vector<4x1024x128xbf16>
    %get3A_3 = arith.constant 0 : index
    %get3A_4 = arith.constant 0 : index
    %get3A_5 = vector.load %arg3[%get3A_3, %get3A_4] : memref<512x512xf32, #tpu.memory_space<vmem>>, vector<512x512xf32>
    %convert_element_type3A_6 = arith.truncf %get3A_5 : vector<512x512xf32> to vector<512x512xbf16>
    %slice3A = vector.extract_strided_slice %convert_element_type3A {offsets = [0, 0, 0], sizes = [1, 1024, 128], strides = [1, 1, 1]} : vector<4x1024x128xbf16> to vector<1x1024x128xbf16>
    %squeeze3A = vector.shape_cast %slice3A : vector<1x1024x128xbf16> to vector<1024x128xbf16>
    %slice3A_7 = vector.extract_strided_slice %convert_element_type3A_6 {offsets = [0, 0], sizes = [128, 512], strides = [1, 1]} : vector<512x512xbf16> to vector<128x512xbf16>
    %dot_general3A = arith.constant dense<0.000000e+00> : vector<1024x512xf32>
    %dot_general3A_8 = tpu.matmul %squeeze3A, %slice3A_7, %dot_general3A {dimension_numbers = #tpu.dot_dimension_numbers<[1], [0], [0], [1], [0, 0, 1, 1], [], []>, transpose_lhs_hint = false} : vector<1024x128xbf16>, vector<128x512xbf16>, vector<1024x512xf32> -> vector<1024x512xf32>
    %slice3A_9 = vector.extract_strided_slice %convert_element_type3A {offsets = [1, 0, 0], sizes = [1, 1024, 128], strides = [1, 1, 1]} : vector<4x1024x128xbf16> to vector<1x1024x128xbf16>
    %squeeze3A_10 = vector.shape_cast %slice3A_9 : vector<1x1024x128xbf16> to vector<1024x128xbf16>
    %slice3A_11 = vector.extract_strided_slice %convert_element_type3A_6 {offsets = [128, 0], sizes = [128, 512], strides = [1, 1]} : vector<512x512xbf16> to vector<128x512xbf16>
    %dot_general3A_12 = arith.constant dense<0.000000e+00> : vector<1024x512xf32>
    %dot_general3A_13 = tpu.matmul %squeeze3A_10, %slice3A_11, %dot_general3A_12 {dimension_numbers = #tpu.dot_dimension_numbers<[1], [0], [0], [1], [0, 0, 1, 1], [], []>, transpose_lhs_hint = false} : vector<1024x128xbf16>, vector<128x512xbf16>, vector<1024x512xf32> -> vector<1024x512xf32>
    %add3A = arith.addf %dot_general3A_8, %dot_general3A_13 : vector<1024x512xf32>
    %slice3A_14 = vector.extract_strided_slice %convert_element_type3A {offsets = [2, 0, 0], sizes = [1, 1024, 128], strides = [1, 1, 1]} : vector<4x1024x128xbf16> to vector<1x1024x128xbf16>
    %squeeze3A_15 = vector.shape_cast %slice3A_14 : vector<1x1024x128xbf16> to vector<1024x128xbf16>
    %slice3A_16 = vector.extract_strided_slice %convert_element_type3A_6 {offsets = [256, 0], sizes = [128, 512], strides = [1, 1]} : vector<512x512xbf16> to vector<128x512xbf16>
    %dot_general3A_17 = arith.constant dense<0.000000e+00> : vector<1024x512xf32>
    %dot_general3A_18 = tpu.matmul %squeeze3A_15, %slice3A_16, %dot_general3A_17 {dimension_numbers = #tpu.dot_dimension_numbers<[1], [0], [0], [1], [0, 0, 1, 1], [], []>, transpose_lhs_hint = false} : vector<1024x128xbf16>, vector<128x512xbf16>, vector<1024x512xf32> -> vector<1024x512xf32>
    %add3A_19 = arith.addf %add3A, %dot_general3A_18 : vector<1024x512xf32>
    %slice3A_20 = vector.extract_strided_slice %convert_element_type3A {offsets = [3, 0, 0], sizes = [1, 1024, 128], strides = [1, 1, 1]} : vector<4x1024x128xbf16> to vector<1x1024x128xbf16>
    %squeeze3A_21 = vector.shape_cast %slice3A_20 : vector<1x1024x128xbf16> to vector<1024x128xbf16>
    %slice3A_22 = vector.extract_strided_slice %convert_element_type3A_6 {offsets = [384, 0], sizes = [128, 512], strides = [1, 1]} : vector<512x512xbf16> to vector<128x512xbf16>
    %dot_general3A_23 = arith.constant dense<0.000000e+00> : vector<1024x512xf32>
    %dot_general3A_24 = tpu.matmul %squeeze3A_21, %slice3A_22, %dot_general3A_23 {dimension_numbers = #tpu.dot_dimension_numbers<[1], [0], [0], [1], [0, 0, 1, 1], [], []>, transpose_lhs_hint = false} : vector<1024x128xbf16>, vector<128x512xbf16>, vector<1024x512xf32> -> vector<1024x512xf32>
    %add3A_25 = arith.addf %add3A_19, %dot_general3A_24 : vector<1024x512xf32>
    %get3A_26 = arith.constant 0 : index
    %get3A_27 = arith.constant 0 : index
    %get3A_28 = vector.load %arg1[%get3A_26, %get3A_27] : memref<1024x512xf32, #tpu.memory_space<vmem>>, vector<1024x512xf32>
    %add3A_29 = arith.addf %add3A_25, %get3A_28 : vector<1024x512xf32>
    %max3A = arith.constant 0.000000e+00 : f32
    %max3A_30 = vector.broadcast %max3A : f32 to vector<1024x512xf32>
    %max3A_31 = arith.maximumf %add3A_29, %max3A_30 : vector<1024x512xf32>
    %convert_element_type3A_32 = arith.truncf %max3A_31 : vector<1024x512xf32> to vector<1024x512xbf16>
    %get3A_33 = arith.constant 0 : index
    %get3A_34 = arith.constant 0 : index
    %get3A_35 = vector.load %arg4[%get3A_33, %get3A_34] : memref<512x512xf32, #tpu.memory_space<vmem>>, vector<512x512xf32>
    %convert_element_type3A_36 = arith.truncf %get3A_35 : vector<512x512xf32> to vector<512x512xbf16>
    %slice3A_37 = vector.extract_strided_slice %convert_element_type3A_36 {offsets = [0, 0], sizes = [512, 128], strides = [1, 1]} : vector<512x512xbf16> to vector<512x128xbf16>
    %dot_general3A_38 = arith.constant dense<0.000000e+00> : vector<1024x128xf32>
    %dot_general3A_39 = tpu.matmul %convert_element_type3A_32, %slice3A_37, %dot_general3A_38 {dimension_numbers = #tpu.dot_dimension_numbers<[1], [0], [0], [1], [0, 0, 1, 1], [], []>, transpose_lhs_hint = false} : vector<1024x512xbf16>, vector<512x128xbf16>, vector<1024x128xf32> -> vector<1024x128xf32>
    %get3A_40 = arith.constant 0 : index
    %get3A_41 = arith.constant 0 : index
    %get3A_42 = vector.load %arg5[%get3A_40, %get3A_41] : memref<1x512xf32, #tpu.memory_space<vmem>>, vector<1x128xf32>
    %add3A_43 = vector.broadcast %get3A_42 : vector<1x128xf32> to vector<1024x128xf32>
    %add3A_44 = arith.addf %dot_general3A_39, %add3A_43 : vector<1024x128xf32>
    %swap3A = arith.constant 0 : index
    %swap3A_45 = arith.constant 0 : index
    %swap3A_46 = arith.constant 0 : index
    %swap3A_47 = vector.load %arg6[%swap3A, %swap3A_45, %swap3A_46] : memref<4x1024x128xf32, #tpu.memory_space<vmem>>, vector<1x1024x128xf32>
    %swap3A_48 = vector.shape_cast %swap3A_47 : vector<1x1024x128xf32> to vector<1024x128xf32>
    %swap3A_49 = vector.shape_cast %add3A_44 : vector<1024x128xf32> to vector<1x1024x128xf32>
    tpu.vector_store %arg6[%swap3A, %swap3A_45, %swap3A_46], %swap3A_49 {strides = array<i32>} : memref<4x1024x128xf32, #tpu.memory_space<vmem>>, vector<1x1024x128xf32>,
    %slice3A_50 = vector.extract_strided_slice %convert_element_type3A_36 {offsets = [0, 128], sizes = [512, 128], strides = [1, 1]} : vector<512x512xbf16> to vector<512x128xbf16>
    %dot_general3A_51 = arith.constant dense<0.000000e+00> : vector<1024x128xf32>
    %dot_general3A_52 = tpu.matmul %convert_element_type3A_32, %slice3A_50, %dot_general3A_51 {dimension_numbers = #tpu.dot_dimension_numbers<[1], [0], [0], [1], [0, 0, 1, 1], [], []>, transpose_lhs_hint = false} : vector<1024x512xbf16>, vector<512x128xbf16>, vector<1024x128xf32> -> vector<1024x128xf32>
    %get3A_53 = arith.constant 0 : index
    %get3A_54 = arith.constant 128 : index
    %get3A_55 = vector.load %arg5[%get3A_53, %get3A_54] : memref<1x512xf32, #tpu.memory_space<vmem>>, vector<1x128xf32>
    %add3A_56 = vector.broadcast %get3A_55 : vector<1x128xf32> to vector<1024x128xf32>
    %add3A_57 = arith.addf %dot_general3A_52, %add3A_56 : vector<1024x128xf32>
    %swap3A_58 = arith.constant 1 : index
    %swap3A_59 = arith.constant 0 : index
    %swap3A_60 = arith.constant 0 : index
    %swap3A_61 = vector.load %arg6[%swap3A_58, %swap3A_59, %swap3A_60] : memref<4x1024x128xf32, #tpu.memory_space<vmem>>, vector<1x1024x128xf32>
    %swap3A_62 = vector.shape_cast %swap3A_61 : vector<1x1024x128xf32> to vector<1024x128xf32>
    %swap3A_63 = vector.shape_cast %add3A_57 : vector<1024x128xf32> to vector<1x1024x128xf32>
    tpu.vector_store %arg6[%swap3A_58, %swap3A_59, %swap3A_60], %swap3A_63 {strides = array<i32>} : memref<4x1024x128xf32, #tpu.memory_space<vmem>>, vector<1x1024x128xf32>,
    %slice3A_64 = vector.extract_strided_slice %convert_element_type3A_36 {offsets = [0, 256], sizes = [512, 128], strides = [1, 1]} : vector<512x512xbf16> to vector<512x128xbf16>
    %dot_general3A_65 = arith.constant dense<0.000000e+00> : vector<1024x128xf32>
    %dot_general3A_66 = tpu.matmul %convert_element_type3A_32, %slice3A_64, %dot_general3A_65 {dimension_numbers = #tpu.dot_dimension_numbers<[1], [0], [0], [1], [0, 0, 1, 1], [], []>, transpose_lhs_hint = false} : vector<1024x512xbf16>, vector<512x128xbf16>, vector<1024x128xf32> -> vector<1024x128xf32>
    %get3A_67 = arith.constant 0 : index
    %get3A_68 = arith.constant 256 : index
    %get3A_69 = vector.load %arg5[%get3A_67, %get3A_68] : memref<1x512xf32, #tpu.memory_space<vmem>>, vector<1x128xf32>
    %add3A_70 = vector.broadcast %get3A_69 : vector<1x128xf32> to vector<1024x128xf32>
    %add3A_71 = arith.addf %dot_general3A_66, %add3A_70 : vector<1024x128xf32>
    %swap3A_72 = arith.constant 2 : index
    %swap3A_73 = arith.constant 0 : index
    %swap3A_74 = arith.constant 0 : index
    %swap3A_75 = vector.load %arg6[%swap3A_72, %swap3A_73, %swap3A_74] : memref<4x1024x128xf32, #tpu.memory_space<vmem>>, vector<1x1024x128xf32>
    %swap3A_76 = vector.shape_cast %swap3A_75 : vector<1x1024x128xf32> to vector<1024x128xf32>
    %swap3A_77 = vector.shape_cast %add3A_71 : vector<1024x128xf32> to vector<1x1024x128xf32>
    tpu.vector_store %arg6[%swap3A_72, %swap3A_73, %swap3A_74], %swap3A_77 {strides = array<i32>} : memref<4x1024x128xf32, #tpu.memory_space<vmem>>, vector<1x1024x128xf32>,
    %slice3A_78 = vector.extract_strided_slice %convert_element_type3A_36 {offsets = [0, 384], sizes = [512, 128], strides = [1, 1]} : vector<512x512xbf16> to vector<512x128xbf16>
    %dot_general3A_79 = arith.constant dense<0.000000e+00> : vector<1024x128xf32>
    %dot_general3A_80 = tpu.matmul %convert_element_type3A_32, %slice3A_78, %dot_general3A_79 {dimension_numbers = #tpu.dot_dimension_numbers<[1], [0], [0], [1], [0, 0, 1, 1], [], []>, transpose_lhs_hint = false} : vector<1024x512xbf16>, vector<512x128xbf16>, vector<1024x128xf32> -> vector<1024x128xf32>
    %get3A_81 = arith.constant 0 : index
    %get3A_82 = arith.constant 384 : index
    %get3A_83 = vector.load %arg5[%get3A_81, %get3A_82] : memref<1x512xf32, #tpu.memory_space<vmem>>, vector<1x128xf32>
    %add3A_84 = vector.broadcast %get3A_83 : vector<1x128xf32> to vector<1024x128xf32>
    %add3A_85 = arith.addf %dot_general3A_80, %add3A_84 : vector<1024x128xf32>
    %swap3A_86 = arith.constant 3 : index
    %swap3A_87 = arith.constant 0 : index
    %swap3A_88 = arith.constant 0 : index
    %swap3A_89 = vector.load %arg6[%swap3A_86, %swap3A_87, %swap3A_88] : memref<4x1024x128xf32, #tpu.memory_space<vmem>>, vector<1x1024x128xf32>
    %swap3A_90 = vector.shape_cast %swap3A_89 : vector<1x1024x128xf32> to vector<1024x128xf32>
    %swap3A_91 = vector.shape_cast %add3A_85 : vector<1024x128xf32> to vector<1x1024x128xf32>
    tpu.vector_store %arg6[%swap3A_86, %swap3A_87, %swap3A_88], %swap3A_91 {strides = array<i32>} : memref<4x1024x128xf32, #tpu.memory_space<vmem>>, vector<1x1024x128xf32>,
    return
  }
  func.func @transform_0(%arg0: i32) -> (i32, i32) {
    %c0_i32 = arith.constant 0 : i32
    %c0_i32_0 = arith.constant 0 : i32
    return %arg0, %c0_i32 : i32, i32
  }
  func.func @transform_1(%arg0: i32) -> (i32, i32, i32) {
    %c0_i32 = arith.constant 0 : i32
    %c0_i32_0 = arith.constant 0 : i32
    %c0_i32_1 = arith.constant 0 : i32
    return %c0_i32, %arg0, %c0_i32_0 : i32, i32, i32
  }
  func.func @transform_2(%arg0: i32) -> (i32, i32) {
    %c0_i32 = arith.constant 0 : i32
    %c0_i32_0 = arith.constant 0 : i32
    %c0_i32_1 = arith.constant 0 : i32
    return %c0_i32, %c0_i32_0 : i32, i32
  }
  func.func @transform_3(%arg0: i32) -> (i32, i32) {
    %c0_i32 = arith.constant 0 : i32
    %c0_i32_0 = arith.constant 0 : i32
    %c0_i32_1 = arith.constant 0 : i32
    return %c0_i32, %c0_i32_0 : i32, i32
  }
  func.func @transform_4(%arg0: i32) -> (i32, i32) {
    %c0_i32 = arith.constant 0 : i32
    %c0_i32_0 = arith.constant 0 : i32
    %c0_i32_1 = arith.constant 0 : i32
    return %c0_i32, %c0_i32_0 : i32, i32
  }
  func.func @transform_5(%arg0: i32) -> (i32, i32, i32) {
    %c0_i32 = arith.constant 0 : i32
    %c0_i32_0 = arith.constant 0 : i32
    %c0_i32_1 = arith.constant 0 : i32
    return %c0_i32, %arg0, %c0_i32_0 : i32, i32, i32
  }
}

module attributes {stable_mosaic.version = 14 : i64} {
  func.func @_head_body(%arg0: i32, %arg1: memref<4x1024x128xf32, #tpu.memory_space<vmem>>, %arg2: memref<4x1024x128xf32, #tpu.memory_space<vmem>>, %arg3: memref<1x1x1024xi32, #tpu.memory_space<vmem>>, %arg4: memref<1024x512xf32, #tpu.memory_space<vmem>>, %arg5: memref<1x512xf32, #tpu.memory_space<vmem>>, %arg6: memref<512x128xf32, #tpu.memory_space<vmem>>, %arg7: memref<1x128xf32, #tpu.memory_space<vmem>>, %arg8: memref<64x128xf32, #tpu.memory_space<vmem>>, %arg9: memref<64x512xf32, #tpu.memory_space<vmem>>, %arg10: memref<64x512xf32, #tpu.memory_space<vmem>>) attributes {dimension_semantics = [#tpu.dimension_semantics<arbitrary>], iteration_bounds = array<i64: 10>, scalar_prefetch = 0 : i64, scratch_operands = 2 : i64, tpu.core_type = #tpu.core_type<tc>, window_params = [{transform_indices = @transform_0, window_bounds = array<i64: 4, 1024, 128>}, {transform_indices = @transform_1, window_bounds = array<i64: 4, 1024, 128>}, {transform_indices = @transform_2, window_bounds = array<i64: 1, 1, 1024>}, {pipeline_mode = #tpu.pipeline_mode<synchronous>, transform_indices = @transform_3, window_bounds = array<i64: 1024, 512>}, {pipeline_mode = #tpu.pipeline_mode<synchronous>, transform_indices = @transform_4, window_bounds = array<i64: 1, 512>}, {pipeline_mode = #tpu.pipeline_mode<synchronous>, transform_indices = @transform_5, window_bounds = array<i64: 512, 128>}, {pipeline_mode = #tpu.pipeline_mode<synchronous>, transform_indices = @transform_6, window_bounds = array<i64: 1, 128>}, {pipeline_mode = #tpu.pipeline_mode<synchronous>, transform_indices = @transform_7, window_bounds = array<i64: 64, 128>}]} {
    %eq3A = arith.constant 0 : i32
    %eq3A_0 = arith.cmpi eq, %arg0, %eq3A : i32
    %convert_element_type3A = arith.extui %eq3A_0 : i1 to i32
    %cond3A = arith.constant 0 : i32
    %cond3A_1 = arith.cmpi ne, %convert_element_type3A, %cond3A : i32
    scf.if %cond3A_1 {
      %broadcast_in_dim3A_124 = arith.constant 0.000000e+00 : f32
      %broadcast_in_dim3A_125 = vector.broadcast %broadcast_in_dim3A_124 : f32 to vector<64x512xf32>
      %swap3A_126 = arith.constant 0 : index
      %swap3A_127 = arith.constant 0 : index
      %swap3A_128 = vector.load %arg9[%swap3A_126, %swap3A_127] : memref<64x512xf32, #tpu.memory_space<vmem>>, vector<64x512xf32>
      tpu.vector_store %arg9[%swap3A_126, %swap3A_127], %broadcast_in_dim3A_125 {strides = array<i32>} : memref<64x512xf32, #tpu.memory_space<vmem>>, vector<64x512xf32>,
      %broadcast_in_dim3A_129 = arith.constant 0.000000e+00 : f32
      %broadcast_in_dim3A_130 = vector.broadcast %broadcast_in_dim3A_129 : f32 to vector<64x512xf32>
      %swap3A_131 = arith.constant 0 : index
      %swap3A_132 = arith.constant 0 : index
      %swap3A_133 = vector.load %arg10[%swap3A_131, %swap3A_132] : memref<64x512xf32, #tpu.memory_space<vmem>>, vector<64x512xf32>
      tpu.vector_store %arg10[%swap3A_131, %swap3A_132], %broadcast_in_dim3A_130 {strides = array<i32>} : memref<64x512xf32, #tpu.memory_space<vmem>>, vector<64x512xf32>,
    } else {
    }
    %get3A = arith.constant 0 : index
    %get3A_2 = arith.constant 0 : index
    %get3A_3 = arith.constant 0 : index
    %get3A_4 = vector.load %arg3[%get3A, %get3A_2, %get3A_3] : memref<1x1x1024xi32, #tpu.memory_space<vmem>>, vector<1x1x1024xi32>
    %get3A_5 = vector.shape_cast %get3A_4 : vector<1x1x1024xi32> to vector<1x1024xi32>
    %iota3A = tpu.iota {dimensions = array<i32: 0>} : vector<64x1024xi32>
    %eq3A_6 = vector.broadcast %get3A_5 : vector<1x1024xi32> to vector<64x1024xi32>
    %eq3A_7 = arith.cmpi eq, %eq3A_6, %iota3A : vector<64x1024xi32>
    %jit3A = arith.constant 1.000000e+00 : f32
    %jit3A_8 = arith.constant 0.000000e+00 : f32
    %broadcast_in_dim3A = vector.broadcast %jit3A : f32 to vector<64x1024xf32>
    %broadcast_in_dim3A_9 = vector.broadcast %jit3A_8 : f32 to vector<64x1024xf32>
    %select_n3A = arith.select %eq3A_7, %broadcast_in_dim3A, %broadcast_in_dim3A_9 : vector<64x1024xi1>, vector<64x1024xf32>
    %get3A_10 = arith.constant 0 : index
    %get3A_11 = arith.constant 0 : index
    %get3A_12 = vector.load %arg9[%get3A_10, %get3A_11] : memref<64x512xf32, #tpu.memory_space<vmem>>, vector<64x128xf32>
    %get3A_13 = arith.constant 0 : index
    %get3A_14 = arith.constant 0 : index
    %get3A_15 = arith.constant 0 : index
    %get3A_16 = vector.load %arg1[%get3A_13, %get3A_14, %get3A_15] : memref<4x1024x128xf32, #tpu.memory_space<vmem>>, vector<1x1024x128xf32>
    %get3A_17 = vector.shape_cast %get3A_16 : vector<1x1024x128xf32> to vector<1024x128xf32>
    %dot_general3A = arith.constant dense<0.000000e+00> : vector<64x128xf32>
    %dot_general3A_18 = tpu.matmul %select_n3A, %get3A_17, %dot_general3A {dimension_numbers = #tpu.dot_dimension_numbers<[1], [0], [0], [1], [0, 0, 1, 1], [], []>, transpose_lhs_hint = false} : vector<64x1024xf32>, vector<1024x128xf32>, vector<64x128xf32> -> vector<64x128xf32>
    %add3A = arith.addf %get3A_12, %dot_general3A_18 : vector<64x128xf32>
    %swap3A = arith.constant 0 : index
    %swap3A_19 = arith.constant 0 : index
    %swap3A_20 = vector.load %arg9[%swap3A, %swap3A_19] : memref<64x512xf32, #tpu.memory_space<vmem>>, vector<64x128xf32>
    tpu.vector_store %arg9[%swap3A, %swap3A_19], %add3A {strides = array<i32>} : memref<64x512xf32, #tpu.memory_space<vmem>>, vector<64x128xf32>,
    %get3A_21 = arith.constant 0 : index
    %get3A_22 = arith.constant 0 : index
    %get3A_23 = vector.load %arg10[%get3A_21, %get3A_22] : memref<64x512xf32, #tpu.memory_space<vmem>>, vector<64x128xf32>
    %get3A_24 = arith.constant 0 : index
    %get3A_25 = arith.constant 0 : index
    %get3A_26 = arith.constant 0 : index
    %get3A_27 = vector.load %arg2[%get3A_24, %get3A_25, %get3A_26] : memref<4x1024x128xf32, #tpu.memory_space<vmem>>, vector<1x1024x128xf32>
    %get3A_28 = vector.shape_cast %get3A_27 : vector<1x1024x128xf32> to vector<1024x128xf32>
    %dot_general3A_29 = arith.constant dense<0.000000e+00> : vector<64x128xf32>
    %dot_general3A_30 = tpu.matmul %select_n3A, %get3A_28, %dot_general3A_29 {dimension_numbers = #tpu.dot_dimension_numbers<[1], [0], [0], [1], [0, 0, 1, 1], [], []>, transpose_lhs_hint = false} : vector<64x1024xf32>, vector<1024x128xf32>, vector<64x128xf32> -> vector<64x128xf32>
    %add3A_31 = arith.addf %get3A_23, %dot_general3A_30 : vector<64x128xf32>
    %swap3A_32 = arith.constant 0 : index
    %swap3A_33 = arith.constant 0 : index
    %swap3A_34 = vector.load %arg10[%swap3A_32, %swap3A_33] : memref<64x512xf32, #tpu.memory_space<vmem>>, vector<64x128xf32>
    tpu.vector_store %arg10[%swap3A_32, %swap3A_33], %add3A_31 {strides = array<i32>} : memref<64x512xf32, #tpu.memory_space<vmem>>, vector<64x128xf32>,
    %get3A_35 = arith.constant 0 : index
    %get3A_36 = arith.constant 128 : index
    %get3A_37 = vector.load %arg9[%get3A_35, %get3A_36] : memref<64x512xf32, #tpu.memory_space<vmem>>, vector<64x128xf32>
    %get3A_38 = arith.constant 1 : index
    %get3A_39 = arith.constant 0 : index
    %get3A_40 = arith.constant 0 : index
    %get3A_41 = vector.load %arg1[%get3A_38, %get3A_39, %get3A_40] : memref<4x1024x128xf32, #tpu.memory_space<vmem>>, vector<1x1024x128xf32>
    %get3A_42 = vector.shape_cast %get3A_41 : vector<1x1024x128xf32> to vector<1024x128xf32>
    %dot_general3A_43 = arith.constant dense<0.000000e+00> : vector<64x128xf32>
    %dot_general3A_44 = tpu.matmul %select_n3A, %get3A_42, %dot_general3A_43 {dimension_numbers = #tpu.dot_dimension_numbers<[1], [0], [0], [1], [0, 0, 1, 1], [], []>, transpose_lhs_hint = false} : vector<64x1024xf32>, vector<1024x128xf32>, vector<64x128xf32> -> vector<64x128xf32>
    %add3A_45 = arith.addf %get3A_37, %dot_general3A_44 : vector<64x128xf32>
    %swap3A_46 = arith.constant 0 : index
    %swap3A_47 = arith.constant 128 : index
    %swap3A_48 = vector.load %arg9[%swap3A_46, %swap3A_47] : memref<64x512xf32, #tpu.memory_space<vmem>>, vector<64x128xf32>
    tpu.vector_store %arg9[%swap3A_46, %swap3A_47], %add3A_45 {strides = array<i32>} : memref<64x512xf32, #tpu.memory_space<vmem>>, vector<64x128xf32>,
    %get3A_49 = arith.constant 0 : index
    %get3A_50 = arith.constant 128 : index
    %get3A_51 = vector.load %arg10[%get3A_49, %get3A_50] : memref<64x512xf32, #tpu.memory_space<vmem>>, vector<64x128xf32>
    %get3A_52 = arith.constant 1 : index
    %get3A_53 = arith.constant 0 : index
    %get3A_54 = arith.constant 0 : index
    %get3A_55 = vector.load %arg2[%get3A_52, %get3A_53, %get3A_54] : memref<4x1024x128xf32, #tpu.memory_space<vmem>>, vector<1x1024x128xf32>
    %get3A_56 = vector.shape_cast %get3A_55 : vector<1x1024x128xf32> to vector<1024x128xf32>
    %dot_general3A_57 = arith.constant dense<0.000000e+00> : vector<64x128xf32>
    %dot_general3A_58 = tpu.matmul %select_n3A, %get3A_56, %dot_general3A_57 {dimension_numbers = #tpu.dot_dimension_numbers<[1], [0], [0], [1], [0, 0, 1, 1], [], []>, transpose_lhs_hint = false} : vector<64x1024xf32>, vector<1024x128xf32>, vector<64x128xf32> -> vector<64x128xf32>
    %add3A_59 = arith.addf %get3A_51, %dot_general3A_58 : vector<64x128xf32>
    %swap3A_60 = arith.constant 0 : index
    %swap3A_61 = arith.constant 128 : index
    %swap3A_62 = vector.load %arg10[%swap3A_60, %swap3A_61] : memref<64x512xf32, #tpu.memory_space<vmem>>, vector<64x128xf32>
    tpu.vector_store %arg10[%swap3A_60, %swap3A_61], %add3A_59 {strides = array<i32>} : memref<64x512xf32, #tpu.memory_space<vmem>>, vector<64x128xf32>,
    %get3A_63 = arith.constant 0 : index
    %get3A_64 = arith.constant 256 : index
    %get3A_65 = vector.load %arg9[%get3A_63, %get3A_64] : memref<64x512xf32, #tpu.memory_space<vmem>>, vector<64x128xf32>
    %get3A_66 = arith.constant 2 : index
    %get3A_67 = arith.constant 0 : index
    %get3A_68 = arith.constant 0 : index
    %get3A_69 = vector.load %arg1[%get3A_66, %get3A_67, %get3A_68] : memref<4x1024x128xf32, #tpu.memory_space<vmem>>, vector<1x1024x128xf32>
    %get3A_70 = vector.shape_cast %get3A_69 : vector<1x1024x128xf32> to vector<1024x128xf32>
    %dot_general3A_71 = arith.constant dense<0.000000e+00> : vector<64x128xf32>
    %dot_general3A_72 = tpu.matmul %select_n3A, %get3A_70, %dot_general3A_71 {dimension_numbers = #tpu.dot_dimension_numbers<[1], [0], [0], [1], [0, 0, 1, 1], [], []>, transpose_lhs_hint = false} : vector<64x1024xf32>, vector<1024x128xf32>, vector<64x128xf32> -> vector<64x128xf32>
    %add3A_73 = arith.addf %get3A_65, %dot_general3A_72 : vector<64x128xf32>
    %swap3A_74 = arith.constant 0 : index
    %swap3A_75 = arith.constant 256 : index
    %swap3A_76 = vector.load %arg9[%swap3A_74, %swap3A_75] : memref<64x512xf32, #tpu.memory_space<vmem>>, vector<64x128xf32>
    tpu.vector_store %arg9[%swap3A_74, %swap3A_75], %add3A_73 {strides = array<i32>} : memref<64x512xf32, #tpu.memory_space<vmem>>, vector<64x128xf32>,
    %get3A_77 = arith.constant 0 : index
    %get3A_78 = arith.constant 256 : index
    %get3A_79 = vector.load %arg10[%get3A_77, %get3A_78] : memref<64x512xf32, #tpu.memory_space<vmem>>, vector<64x128xf32>
    %get3A_80 = arith.constant 2 : index
    %get3A_81 = arith.constant 0 : index
    %get3A_82 = arith.constant 0 : index
    %get3A_83 = vector.load %arg2[%get3A_80, %get3A_81, %get3A_82] : memref<4x1024x128xf32, #tpu.memory_space<vmem>>, vector<1x1024x128xf32>
    %get3A_84 = vector.shape_cast %get3A_83 : vector<1x1024x128xf32> to vector<1024x128xf32>
    %dot_general3A_85 = arith.constant dense<0.000000e+00> : vector<64x128xf32>
    %dot_general3A_86 = tpu.matmul %select_n3A, %get3A_84, %dot_general3A_85 {dimension_numbers = #tpu.dot_dimension_numbers<[1], [0], [0], [1], [0, 0, 1, 1], [], []>, transpose_lhs_hint = false} : vector<64x1024xf32>, vector<1024x128xf32>, vector<64x128xf32> -> vector<64x128xf32>
    %add3A_87 = arith.addf %get3A_79, %dot_general3A_86 : vector<64x128xf32>
    %swap3A_88 = arith.constant 0 : index
    %swap3A_89 = arith.constant 256 : index
    %swap3A_90 = vector.load %arg10[%swap3A_88, %swap3A_89] : memref<64x512xf32, #tpu.memory_space<vmem>>, vector<64x128xf32>
    tpu.vector_store %arg10[%swap3A_88, %swap3A_89], %add3A_87 {strides = array<i32>} : memref<64x512xf32, #tpu.memory_space<vmem>>, vector<64x128xf32>,
    %get3A_91 = arith.constant 0 : index
    %get3A_92 = arith.constant 384 : index
    %get3A_93 = vector.load %arg9[%get3A_91, %get3A_92] : memref<64x512xf32, #tpu.memory_space<vmem>>, vector<64x128xf32>
    %get3A_94 = arith.constant 3 : index
    %get3A_95 = arith.constant 0 : index
    %get3A_96 = arith.constant 0 : index
    %get3A_97 = vector.load %arg1[%get3A_94, %get3A_95, %get3A_96] : memref<4x1024x128xf32, #tpu.memory_space<vmem>>, vector<1x1024x128xf32>
    %get3A_98 = vector.shape_cast %get3A_97 : vector<1x1024x128xf32> to vector<1024x128xf32>
    %dot_general3A_99 = arith.constant dense<0.000000e+00> : vector<64x128xf32>
    %dot_general3A_100 = tpu.matmul %select_n3A, %get3A_98, %dot_general3A_99 {dimension_numbers = #tpu.dot_dimension_numbers<[1], [0], [0], [1], [0, 0, 1, 1], [], []>, transpose_lhs_hint = false} : vector<64x1024xf32>, vector<1024x128xf32>, vector<64x128xf32> -> vector<64x128xf32>
    %add3A_101 = arith.addf %get3A_93, %dot_general3A_100 : vector<64x128xf32>
    %swap3A_102 = arith.constant 0 : index
    %swap3A_103 = arith.constant 384 : index
    %swap3A_104 = vector.load %arg9[%swap3A_102, %swap3A_103] : memref<64x512xf32, #tpu.memory_space<vmem>>, vector<64x128xf32>
    tpu.vector_store %arg9[%swap3A_102, %swap3A_103], %add3A_101 {strides = array<i32>} : memref<64x512xf32, #tpu.memory_space<vmem>>, vector<64x128xf32>,
    %get3A_105 = arith.constant 0 : index
    %get3A_106 = arith.constant 384 : index
    %get3A_107 = vector.load %arg10[%get3A_105, %get3A_106] : memref<64x512xf32, #tpu.memory_space<vmem>>, vector<64x128xf32>
    %get3A_108 = arith.constant 3 : index
    %get3A_109 = arith.constant 0 : index
    %get3A_110 = arith.constant 0 : index
    %get3A_111 = vector.load %arg2[%get3A_108, %get3A_109, %get3A_110] : memref<4x1024x128xf32, #tpu.memory_space<vmem>>, vector<1x1024x128xf32>
    %get3A_112 = vector.shape_cast %get3A_111 : vector<1x1024x128xf32> to vector<1024x128xf32>
    %dot_general3A_113 = arith.constant dense<0.000000e+00> : vector<64x128xf32>
    %dot_general3A_114 = tpu.matmul %select_n3A, %get3A_112, %dot_general3A_113 {dimension_numbers = #tpu.dot_dimension_numbers<[1], [0], [0], [1], [0, 0, 1, 1], [], []>, transpose_lhs_hint = false} : vector<64x1024xf32>, vector<1024x128xf32>, vector<64x128xf32> -> vector<64x128xf32>
    %add3A_115 = arith.addf %get3A_107, %dot_general3A_114 : vector<64x128xf32>
    %swap3A_116 = arith.constant 0 : index
    %swap3A_117 = arith.constant 384 : index
    %swap3A_118 = vector.load %arg10[%swap3A_116, %swap3A_117] : memref<64x512xf32, #tpu.memory_space<vmem>>, vector<64x128xf32>
    tpu.vector_store %arg10[%swap3A_116, %swap3A_117], %add3A_115 {strides = array<i32>} : memref<64x512xf32, #tpu.memory_space<vmem>>, vector<64x128xf32>,
    %eq3A_119 = arith.constant 9 : i32
    %eq3A_120 = arith.cmpi eq, %arg0, %eq3A_119 : i32
    %convert_element_type3A_121 = arith.extui %eq3A_120 : i1 to i32
    %cond3A_122 = arith.constant 0 : i32
    %cond3A_123 = arith.cmpi ne, %convert_element_type3A_121, %cond3A_122 : i32
    scf.if %cond3A_123 {
      %get3A_124 = arith.constant 0 : index
      %get3A_125 = arith.constant 0 : index
      %get3A_126 = vector.load %arg9[%get3A_124, %get3A_125] : memref<64x512xf32, #tpu.memory_space<vmem>>, vector<64x512xf32>
      %get3A_127 = arith.constant 0 : index
      %get3A_128 = arith.constant 0 : index
      %get3A_129 = vector.load %arg4[%get3A_127, %get3A_128] : memref<1024x512xf32, #tpu.memory_space<vmem>>, vector<512x512xf32>
      %dot_general3A_130 = arith.constant dense<0.000000e+00> : vector<64x512xf32>
      %dot_general3A_131 = tpu.matmul %get3A_126, %get3A_129, %dot_general3A_130 {dimension_numbers = #tpu.dot_dimension_numbers<[1], [0], [0], [1], [0, 0, 1, 1], [], []>, transpose_lhs_hint = false} : vector<64x512xf32>, vector<512x512xf32>, vector<64x512xf32> -> vector<64x512xf32>
      %get3A_132 = arith.constant 0 : index
      %get3A_133 = arith.constant 0 : index
      %get3A_134 = vector.load %arg10[%get3A_132, %get3A_133] : memref<64x512xf32, #tpu.memory_space<vmem>>, vector<64x512xf32>
      %get3A_135 = arith.constant 512 : index
      %get3A_136 = arith.constant 0 : index
      %get3A_137 = vector.load %arg4[%get3A_135, %get3A_136] : memref<1024x512xf32, #tpu.memory_space<vmem>>, vector<512x512xf32>
      %dot_general3A_138 = arith.constant dense<0.000000e+00> : vector<64x512xf32>
      %dot_general3A_139 = tpu.matmul %get3A_134, %get3A_137, %dot_general3A_138 {dimension_numbers = #tpu.dot_dimension_numbers<[1], [0], [0], [1], [0, 0, 1, 1], [], []>, transpose_lhs_hint = false} : vector<64x512xf32>, vector<512x512xf32>, vector<64x512xf32> -> vector<64x512xf32>
      %add3A_140 = arith.addf %dot_general3A_131, %dot_general3A_139 : vector<64x512xf32>
      %get3A_141 = arith.constant 0 : index
      %get3A_142 = arith.constant 0 : index
      %get3A_143 = vector.load %arg5[%get3A_141, %get3A_142] : memref<1x512xf32, #tpu.memory_space<vmem>>, vector<1x512xf32>
      %add3A_144 = vector.broadcast %get3A_143 : vector<1x512xf32> to vector<64x512xf32>
      %add3A_145 = arith.addf %add3A_140, %add3A_144 : vector<64x512xf32>
      %max3A = arith.constant 0.000000e+00 : f32
      %max3A_146 = vector.broadcast %max3A : f32 to vector<64x512xf32>
      %max3A_147 = arith.maximumf %add3A_145, %max3A_146 : vector<64x512xf32>
      %get3A_148 = arith.constant 0 : index
      %get3A_149 = arith.constant 0 : index
      %get3A_150 = vector.load %arg6[%get3A_148, %get3A_149] : memref<512x128xf32, #tpu.memory_space<vmem>>, vector<512x128xf32>
      %dot_general3A_151 = arith.constant dense<0.000000e+00> : vector<64x128xf32>
      %dot_general3A_152 = tpu.matmul %max3A_147, %get3A_150, %dot_general3A_151 {dimension_numbers = #tpu.dot_dimension_numbers<[1], [0], [0], [1], [0, 0, 1, 1], [], []>, transpose_lhs_hint = false} : vector<64x512xf32>, vector<512x128xf32>, vector<64x128xf32> -> vector<64x128xf32>
      %get3A_153 = arith.constant 0 : index
      %get3A_154 = arith.constant 0 : index
      %get3A_155 = vector.load %arg7[%get3A_153, %get3A_154] : memref<1x128xf32, #tpu.memory_space<vmem>>, vector<1x128xf32>
      %add3A_156 = vector.broadcast %get3A_155 : vector<1x128xf32> to vector<64x128xf32>
      %add3A_157 = arith.addf %dot_general3A_152, %add3A_156 : vector<64x128xf32>
      %swap3A_158 = arith.constant 0 : index
      %swap3A_159 = arith.constant 0 : index
      %swap3A_160 = vector.load %arg8[%swap3A_158, %swap3A_159] : memref<64x128xf32, #tpu.memory_space<vmem>>, vector<64x128xf32>
      tpu.vector_store %arg8[%swap3A_158, %swap3A_159], %add3A_157 {strides = array<i32>} : memref<64x128xf32, #tpu.memory_space<vmem>>, vector<64x128xf32>,
    } else {
    }
    return
  }
  func.func @transform_0(%arg0: i32) -> (i32, i32, i32) {
    %c0_i32 = arith.constant 0 : i32
    %c0_i32_0 = arith.constant 0 : i32
    %c0_i32_1 = arith.constant 0 : i32
    return %c0_i32, %arg0, %c0_i32_0 : i32, i32, i32
  }
  func.func @transform_1(%arg0: i32) -> (i32, i32, i32) {
    %c0_i32 = arith.constant 0 : i32
    %c0_i32_0 = arith.constant 0 : i32
    %c0_i32_1 = arith.constant 0 : i32
    return %c0_i32, %arg0, %c0_i32_0 : i32, i32, i32
  }
  func.func @transform_2(%arg0: i32) -> (i32, i32, i32) {
    %c0_i32 = arith.constant 0 : i32
    %c0_i32_0 = arith.constant 0 : i32
    %c0_i32_1 = arith.constant 0 : i32
    return %arg0, %c0_i32, %c0_i32_0 : i32, i32, i32
  }
  func.func @transform_3(%arg0: i32) -> (i32, i32) {
    %c0_i32 = arith.constant 0 : i32
    %c0_i32_0 = arith.constant 0 : i32
    %c0_i32_1 = arith.constant 0 : i32
    return %c0_i32, %c0_i32_0 : i32, i32
  }
  func.func @transform_4(%arg0: i32) -> (i32, i32) {
    %c0_i32 = arith.constant 0 : i32
    %c0_i32_0 = arith.constant 0 : i32
    %c0_i32_1 = arith.constant 0 : i32
    return %c0_i32, %c0_i32_0 : i32, i32
  }
  func.func @transform_5(%arg0: i32) -> (i32, i32) {
    %c0_i32 = arith.constant 0 : i32
    %c0_i32_0 = arith.constant 0 : i32
    %c0_i32_1 = arith.constant 0 : i32
    return %c0_i32, %c0_i32_0 : i32, i32
  }
  func.func @transform_6(%arg0: i32) -> (i32, i32) {
    %c0_i32 = arith.constant 0 : i32
    %c0_i32_0 = arith.constant 0 : i32
    %c0_i32_1 = arith.constant 0 : i32
    return %c0_i32, %c0_i32_0 : i32, i32
  }
  func.func @transform_7(%arg0: i32) -> (i32, i32) {
    %c0_i32 = arith.constant 0 : i32
    %c0_i32_0 = arith.constant 0 : i32
    %c0_i32_1 = arith.constant 0 : i32
    return %c0_i32, %c0_i32_0 : i32, i32
  }
}

</mosaic_0001>

<sc_bundles>
// kernel: kernel.16.cloned.1.call-start
scs
__scs_entry_jumppad:
0x0: {  	(pc) =	sbr.rel $0x88, $3  }
0x1: {  	(tag) =	ssettag $0x0;
	lr =	simm.s32 $0x1  }
0x2: {  	[smem:$0x3F88] =	sst lr;
	_ =	strace $0xD0000000  }
0x3: {  	_ = 	snop  }
0x4: {  	_ = 	snop  }
0x5: {  	_ = 	snop  }
0x6: {  	_ = 	snop  }
0x7: {  	_ = 	snop  }
__scs_overlays_trampoline_lowered:
0x8: {  	[smem:$0x3F97] =	sst s0  }
0x9: {  	[smem:$0x3F98] =	sst s1  }
0xa: {  	[smem:$0x3F99] =	sst s2  }
0xb: {  	[smem:$0x3F9A] =	sst s3  }
0xc: {  	[smem:$0x3F9B] =	sst s4  }
0xd: {  	[smem:$0x3F9C] =	sst s5  }
0xe: {  	[smem:$0x3F9D] =	sst s6  }
0xf: {  	[smem:$0x3F9E] =	sst s7  }
0x10: {  	[smem:$0x3F9F] =	sst s8  }
0x11: {  	[smem:$0x3FA0] =	sst s9;
	s0 =	simm.s32 @!p0 $0x0  }
0x12: {  	s1 =	sld [smem:$0x3F86];
	s0 =	simm.s32 @p0 $0x1  }
0x13: {  	[smem:$0x3FA1] =	sst s0;
	s0 =	simm.s32 @!p1 $0x0  }
0x14: {  	s2 =	sld [smem:$0x3F85];
	s0 =	simm.s32 @p1 $0x1  }
0x15: {  	[smem:$0x3FA2] =	sst s0;
	s0 =	simm.s32 @!p2 $0x0  }
0x16: {  	s3 =	sld [smem:$0x3FDB];
	s0 =	simm.s32 @p2 $0x1  }
0x17: {  	s4 =	simm.s32 $0x1BF5;
	[smem:$0x3FA4] =	sst s0  }
0x18: {  	s0 =	sld [smem:$0x3F87];
	_ =	swait.ge [sflag:s4], $0x0  }
0x19: {  	s7 =	sld [smem:$0x3F88]  }
0x1a: {  	s8 =	sadd.s32 $0xFFFFE003, lr  }
0x1b: {  	s9 =	sadd.s32 $0xFFFFFEF7, lr;
	s5 =	simm.s32 $0xFFFFFFFF;
	p2 =	slt.u32 s8, $0xFFFFF086  }
0x1c: {  	p1 =	slt.u32 s9, $0xF7A;
	s5 =	simm.s32 @!p2 $0x0  }
0x1d: {  	s5 =	simm.s32 @p1 $0x1;
	p0 =	seq.s32 s7, s2  }
0x1e: {  	s7 =	smul.u32 @!p0 $0xF7A, s2;
	p2 =	seq.s32 @!p0 s5, $0x0  }
0x1f: {  	s9 =	smul.u32 $0xF7A, s1;
	s8 =	simm.s32 @!p0 $0x1BF5;
	p2 =	por !p2, p0  }
0x20: {  	[sflag:s8] =	ssyncset.s32 @!p0 $0xFFFFF086;
	s6 =	sadd.s32 @!p0 s3, s7;
	s7 =	simm.s32 @!p0 $0x108  }
0x21: {  	s3 =	sadd.s32 s3, s9;
	s6 =	sadd.s32 @!p0 $0x88, s6;
	s7 =	simm.s32 @p2 $0x1082  }
0x22: {  	[simem:s7], [sflag:s8] =	dma.local @!p0 [hbm:s6], $0xF7A  }
0x23: {  	s9 =	sor.u32 $0xD0000000, s2;
	s6 =	simm.s32 $0x108;
	_ =	swait.ge @!p0 [sflag:s8], $0x0  }
0x24: {  	s3 =	sadd.s32 $0x88, s3;
	s6 =	simm.s32 @!p1 $0x1082;
	[sflag:s4] =	ssyncset.s32 $0xFFFFF086  }
0x25: {  	[simem:s6], [sflag:s4] =	dma.local [hbm:s3], $0xF7A  }
0x26: {  	[smem:$0x3F88] =	sst s1;
	(tag) =	ssettag s2;
	_ =	strace s9  }
0x27: {  	s1 =	sld [smem:$0x3F98]  }
0x28: {  	s2 =	sld [smem:$0x3F99]  }
0x29: {  	s4 =	sld [smem:$0x3F9B]  }
0x2a: {  	p0 =	seq.s32 s5, $0x0;
	s5 =	sld [smem:$0x3F9C]  }
0x2b: {  	s6 =	sld [smem:$0x3F9D]  }
0x2c: {  	s7 =	sld [smem:$0x3F9E]  }
0x2d: {  	s3 =	simm.s32 $0x108;
	s8 =	sld [smem:$0x3F9F]  }
0x2e: {  	s3 =	simm.s32 @!p0 $0x1082;
	s9 =	sld [smem:$0x3FA0]  }
0x2f: {  	lr =	sadd.s32 s0, s3;
	s0 =	sld [smem:$0x3F97]  }
0x30: {  	s3 =	sld [smem:$0x3F9A]  }
0x31: {  	[smem:$0x3FA3] =	sst s10  }
0x32: {  	s10 =	sld [smem:$0x3FA1];
	_ =	sdelay $0x3  }
0x33: {  	p0 =	seq.s32 s10, $0x1;
	s10 =	sld [smem:$0x3FA3];
	_ =	sdelay $0x3  }
0x34: {  	[smem:$0x3FA3] =	sst s10  }
0x35: {  	s10 =	sld [smem:$0x3FA2];
	_ =	sdelay $0x3  }
0x36: {  	p1 =	seq.s32 s10, $0x1;
	s10 =	sld [smem:$0x3FA3];
	_ =	sdelay $0x3  }
0x37: {  	[smem:$0x3FA3] =	sst s10  }
0x38: {  	s10 =	sld [smem:$0x3FA4]  }
0x39: {  	_ = 	snop;
	(pc) =	sbr.ind lr, $3  }
0x3a: {  	_ = 	snop  }
0x3b: {  	_ = 	snop  }
0x3c: {  	p2 =	seq.s32 s10, $0x1;
	s10 =	sld [smem:$0x3FA3]  }
0x3d: {  	_ =	shalt  }
0x3e: {  	_ =	shalt  }
0x3f: {  	_ =	shalt  }
0x40: {  	_ =	shalt  }
0x41: {  	_ =	shalt  }
0x42: {  	_ =	shalt  }
0x43: {  	_ =	shalt  }
0x44: {  	_ =	shalt  }
0x45: {  	_ =	shalt  }
0x46: {  	_ =	shalt  }
0x47: {  	_ =	shalt  }
0x48: {  	_ =	shalt  }
0x49: {  	_ =	shalt  }
0x4a: {  	_ =	shalt  }
0x4b: {  	_ =	shalt  }
0x4c: {  	_ =	shalt  }
0x4d: {  	_ =	shalt  }
0x4e: {  	_ =	shalt  }
0x4f: {  	_ =	shalt  }
0x50: {  	_ =	shalt  }
0x51: {  	_ =	shalt  }
0x52: {  	_ =	shalt  }
0x53: {  	_ =	shalt  }
0x54: {  	_ =	shalt  }
0x55: {  	_ =	shalt  }
0x56: {  	_ =	shalt  }
0x57: {  	_ =	shalt  }
0x58: {  	_ =	shalt  }
0x59: {  	_ =	shalt  }
0x5a: {  	_ =	shalt  }
0x5b: {  	_ =	shalt  }
0x5c: {  	_ =	shalt  }
0x5d: {  	_ =	shalt  }
0x5e: {  	_ =	shalt  }
0x5f: {  	_ =	shalt  }
0x60: {  	_ =	shalt  }
0x61: {  	_ =	shalt  }
0x62: {  	_ =	shalt  }
0x63: {  	_ =	shalt  }
0x64: {  	_ =	shalt  }
0x65: {  	_ =	shalt  }
0x66: {  	_ =	shalt  }
0x67: {  	_ =	shalt  }
0x68: {  	_ =	shalt  }
0x69: {  	_ =	shalt  }
0x6a: {  	_ =	shalt  }
0x6b: {  	_ =	shalt  }
0x6c: {  	_ =	shalt  }
0x6d: {  	_ =	shalt  }
0x6e: {  	_ =	shalt  }
0x6f: {  	_ =	shalt  }
0x70: {  	_ =	shalt  }
0x71: {  	_ =	shalt  }
0x72: {  	_ =	shalt  }
0x73: {  	_ =	shalt  }
0x74: {  	_ =	shalt  }
0x75: {  	_ =	shalt  }
0x76: {  	_ =	shalt  }
0x77: {  	_ =	shalt  }
0x78: {  	_ =	shalt  }
0x79: {  	_ =	shalt  }
0x7a: {  	_ =	shalt  }
0x7b: {  	_ =	shalt  }
0x7c: {  	_ =	shalt  }
0x7d: {  	_ =	shalt  }
0x7e: {  	_ =	shalt  }
0x7f: {  	_ =	shalt  }
0x80: {  	_ =	shalt  }
0x81: {  	_ =	shalt  }
0x82: {  	_ =	shalt  }
0x83: {  	_ =	shalt  }
0x84: {  	_ =	shalt  }
0x85: {  	_ =	shalt  }
0x86: {  	_ =	shalt  }
0x87: {  	_ =	shalt  }
.Lfunc_end0:
.L_simem_size_0:
called_computation_lowered:
.L_overlay_start_0:
0x88: {  	s2 =	sld [smem:$0x3FD9]  }
0x89: {  	s3 =	sld [smem:$0x3FFE];
	_ =	sdelay $0x1  }
0x8a: {  	s1 =	srdreg.scid  }
0x8b: {  	s0 =	sand.u32 $0x1, s1  }
0x8c: {  	s16 =	sshll.u32 s0, $0xA;
	s2 =	sadd.s32 s3, s2  }
0x8d: {  	s2 =	sadd.s32 s2, s16  }
0x8e: {  	[smem:$0x3FAF] =	sst s2  }
0x8f: {  	_ = 	snop  }
0x90: {  	(tm) =	ssettm $0x1  }
0x91: {  	s17 =	sld [smem:$0x3FFB];
	_ =	sdelay $0x3  }
0x92: {  	_ =	strace s17  }
0x93: {  	s2 =	sld [smem:$0x3FFC];
	_ =	sdelay $0x3  }
0x94: {  	_ =	strace s2  }
0x95: {  	s2 =	sld [smem:$0x3FFD];
	_ =	sdelay $0x3  }
0x96: {  	_ =	strace s2  }
0x97: {  	_ =	strace $0x8FFFFFFF  }
0x98: {  	s18 =	sld [smem:$0x3FDB];
	_ =	sdelay $0x1  }
0x99: {  	s19 =	simm.s32 $_scs_section_size  }
0x9a: {  	s4 =	simm.s32 $_size__tile_overlayer_lowered;
	s5 =	simm.s32 $_tile_overlayer_lowered  }
0x9b: {  	s22 =	simm.s32 $0x1BFF;
	s21 =	sshll.u32 s5, $0x1;
	s2 =	sadd.s32 s19, s18  }
0x9c: {  	s6 =	simm.s32 $0x0;
	s20 =	sshll.u32 s4, $0x1;
	s4 =	sadd.s32 s21, s2  }
0x9d: {  	[timem:s6], [sflag:s22] =	dma.local [hbm:s4], s20  }
0x9e: {  	_ =	swait.ge [sflag:s22], s20  }
0x9f: {  	s3 =	ssub.s32 $0x0, s20;
	[sflag:s22] =	ssyncset.done $0x0  }
0xa0: {  	[sflag:s22] =	ssyncadd.s32 s3;
	_ =	sdelay $0x1  }
0xa1: {  	s23 =	simm.s32 $0x1B8B  }
0xa2: {  	_ =	swait.ge [sflag:s23], $0x1  }
0xa3: {  	[sflag:s23] =	ssyncset.done $0x0  }
0xa4: {  	s25 =	simm.s32 $0x1B8E;
	s24 =	sld [smem:$0x3FFE];
	[sflag:s23] =	ssyncadd.s32 $0xFFFFFFFF  }
0xa5: {  	s26 =	simm.s32 $execute0_lowered;
	[smem:$0x3FD2] =	sst s25  }
0xa6: {  	s4 =	sshll.u32 s26, $0x1;
	_ =	strace $0x80000046;
	[dreg:$0x1] =	wrdreg $0xFFFFFFFF  }
0xa7: {  	s28 =	simm.s32 $_size_execute0_lowered;
	s2 =	sadd.s32 s2, s4;
	[dreg:$0x0] =	wrdreg $0x0  }
0xa8: {  	s4 =	sshll.u32 s28, $0x1;
	[dreg:$0x2] =	wrdreg s2  }
0xa9: {  	[dreg:$0x3] =	wrdreg s4  }
0xaa: {  	[dreg:$0x4] =	wrdreg $0xC0  }
0xab: {  	_ =	task [dreg:s6], $0x5FFFF  }
0xac: {  	[dreg:$0x1] =	wrdreg $0xFFFFFFFF  }
0xad: {  	[dreg:$0x0] =	wrdreg $0x60  }
0xae: {  	[dreg:$0x2] =	wrdreg s24  }
0xaf: {  	[dreg:$0x3] =	wrdreg $0xA0000  }
0xb0: {  	[dreg:$0x4] =	wrdreg $0x9  }
0xb1: {  	_ =	task.clear_ibuf [dreg:s6], $0x5FFFF;
	_ =	strace $0x90000046  }
0xb2: {  	s29 =	simm.s32 $0x9;
	_ =	strace $0x80000048  }
0xb3: {  	_ =	swait.ge [sflag:s29], $0x1  }
0xb4: {  	[sflag:s29] =	ssyncadd.s32 $0xFFFFFFFF  }
0xb5: {  	_ =	strace $0x90000048  }
0xb6: {  	_ =	sfence  }
0xb7: {  	s30 =	sld [smem:$0x0];
	_ =	sdelay $0x2  }
0xb8: {  	s31 =	sshll.u32 s1, $0xD;
	s1 =	sshrl.u32 s1, $0x2  }
0xb9: {  	s3 =	sand.u32 $0x4000, s31;
	s1 =	sadd.s32 s1, s30  }
0xba: {  	s0 =	sor.u32 s3, s0;
	s1 =	sshll.u32 s1, $0x11  }
0xbb: {  	s0 =	sor.u32 s1, s0  }
0xbc: {  	s0 =	sadd.s32 $0x8F2B, s0  }
0xbd: {  	[sflag:s0] =	ssyncadd.remote.s32 $0x1  }
0xbe: {  	_ =	sfence.sel $0xFFFF  }
0xbf: {  	[dreg:$0x0] =	wrdreg $0xFFFFFFFF;
	(pc) =	sbr.abs _section_cstart, $3  }
0xc0: {  	[dreg:$0x1] =	wrdreg $0xFFFFFFFF  }
0xc1: {  	_ =	task.clear_ibuf [dreg:s6], $0x2FFFF;
	_ =	strace $0x9FFFFFFF  }
0xc2: {  	(tm) =	ssettm $0x7FFFFFFF  }
0xc3: {  	_ =	shalt  }
tec
execute0_lowered:
.L_overlay_start_1:
0x0: {  	(tag) =	ssettag $0x1  }
0x1: {  	s5 =	rddreg [dreg:$0x0]  }
0x2: {  	s2 =	rddreg [dreg:$0x1]  }
0x3: {  	s1 =	stileid.u32;
	s0 =	rddreg [dreg:$0x2];
	s3 =	simm.s32 $0x0  }
0x4: {  	s25 =	srdreg.scid;
	s14 =	simm.s32 $0x3;
	s17 =	simm.s32 $0x5000  }
0x5: {  	s18 =	simm.s32 $0x1;
	s19 =	simm.s32 $0x50;
	s20 =	simm.s32 $0x2  }
0x6: {  	s21 =	simm.s32 $0x0;
	s4 =	sshrl.u32 s1, $0x3;
	s11 =	smul.u32 $0x50000, s1  }
0x7: {  	s6 =	sshll.u32 s1, $0x7;
	[smem:$0x7FF] =	sst s3;
	s30 =	smul.u32 $0x14000, s1  }
0x8: {  	s9 =	sadd.s32 $0xDE00, s5;
	s10 =	sadd.s32 $0xB0600, s5;
	s4 =	smul.u32 $0x14000, s4  }
0x9: {  	s15 =	sshll.u32 s1, $0x6;
	s6 =	sand.u32 $0x380, s6;
	_ =	strace $0x80000047  }
0xa: {  	s15 =	sor.u32 $0x1C03, s15;
	s29 =	sshrl.u32 s11, $0x2;
	s4 =	sor.u32 s6, s4  }
0xb: {  	s6 =	sand.u32 $0x1, s25;
	s16 =	sadd.s32 s29, s2;
	s4 =	sshrl.u32 s4, $0x3  }
0xc: {  	s8 =	ssub.s32 $0x2, s6;
	s28 =	smul.u32 $0x280000, s6;
	s16 =	sshrl.u32 s16, $0x3  }
0xd: {  	s7 =	sadd.s32 s4, s5;
	s4 =	sadd.s32 $0xADE00, s5;
	s26 =	sshrl.u32 s8, $0x1  }
0xe: {  	s12 =	ssub.s32 s8, s26;
	s5 =	sadd.s32 $0x3E00, s7;
	s6 =	sadd.s32 $0x8E00, s7  }
.Ltmp0:
0xf: {  	s31 =	sshrl.u32 s28, $0x3;
	s13 =	sadd.s32 $0x140000, s28;
	(pc) =	sbr.rel .LBB2_1-.Ltmp0, $4  }
0x10: {  	s8 =	sadd.s32 s30, s28;
	s7 =	sadd.s32 s9, s31;
	s11 =	sadd.s32 s30, s13  }
0x11: {  	s8 =	sshrl.u32 s8, $0x3;
	s13 =	sshrl.u32 s13, $0x3;
	s11 =	sshrl.u32 s11, $0x3  }
0x12: {  	s8 =	sadd.s32 s10, s8;
	s9 =	sadd.s32 s9, s13;
	s13 =	simm.s32 $0x400  }
0x13: {  	s10 =	sadd.s32 s10, s11;
	s11 =	smax.u32 s12, $0x1;
	s12 =	simm.s32 $0x80  }
.LBB2_7:
0x14: {  	_ =	swait.ge [sflag:s20], $0x2800  }
0x15: {  	s21 =	sadd.s32 $0x1, s21;
	[sflag:s20] =	ssyncset.done $0x0  }
0x16: {  	p0 =	sne.s32 s21, s11;
	[sflag:s20] =	ssyncadd.s32 $0xFFFFD800  }
.Ltmp1:
0x17: {  	[bflag:$0x0] =	sbarrier.arrive $0xFFFF;
	(pc) =	sbr.rel @!p0 .LBB2_8-.Ltmp1, $4  }
0x18: {  	[hbm:s10], [sflag:s15] =	dma.local [spmem:s16], $0x2800  }
0x19: {  	_ =	swait.ge [sflag:s14], $0x2800  }
0x1a: {  	[sflag:s14] =	ssyncset.done $0x0  }
0x1b: {  	[sflag:s14] =	ssyncadd.s32 $0xFFFFD800  }
.LBB2_1:
0x1c: {  	[tilespmem:s3], [sflag:$0x3] =	stream.strided.gather [hbm4b:s5+s12], $0x2800, s13, s12, $0x38;
	[tilespmem:$0x1E000] =	vst v63  }
0x1d: {  	_ =	swait.ge [sflag:s14], $0x2800  }
0x1e: {  	[sflag:s14] =	ssyncset.done $0x0  }
0x1f: {  	s22 =	simm.s32 $0x2800;
	[sflag:s14] =	ssyncadd.s32 $0xFFFFD800  }
0x20: {  	[tilespmem:s22], [sflag:$0x3] =	stream.strided.gather [hbm4b:s6+s12], $0x2800, s13, s12, $0x38;
	[tilespmem:$0x1E000] =	vst v63  }
0x21: {  	_ =	swait.ge [sflag:s14], $0x2800  }
0x22: {  	[sflag:s14] =	ssyncset.done $0x0  }
0x23: {  	[sflag:s14] =	ssyncadd.s32 $0xFFFFD800  }
0x24: {  	[spmem:s16], [sflag:s15] =	dma.local [hbm:s4], $0x2800  }
0x25: {  	_ =	swait.ge [sflag:s14], $0x2800  }
0x26: {  	[sflag:s14] =	ssyncset.done $0x0  }
0x27: {  	[sflag:s14] =	ssyncadd.s32 $0xFFFFD800  }
0x28: {  	s23 =	simm.s32 $0x50;
	s24 =	simm.s32 $0x0;
	[bflag:$0x0] =	sbarrier.arrive $0xFFFF  }
0x29: {  	[tilespmem:s17], [sflag:$0x1] =	stream.indirect.gather [hbm4b:s7+s19], $0x80, s3, s19, $0xb8;
	[tilespmem:$0x1E000] =	vst v63  }
.LBB2_2:
0x2a: {  	_ =	swait.ge [sflag:s18], $0x2800;
	s25 =	sand.u32 $0x1, s24  }
0x2b: {  	[sflag:s18] =	ssyncset.done $0x0;
	p0 =	seq.s32 s25, $0x1;
	s25 =	simm.s32 $0x7800  }
0x2c: {  	[sflag:s18] =	ssyncadd.s32 $0xFFFFD800;
	s25 =	simm.s32 @!p0 $0x5000;
	p0 =	seq.s32 s24, $0x0  }
0x2d: {  	[spmem:s2] =	stream.indirect.scatter.add.f32 [tilespmem:s25], [sflag:$0x2], $0x80, s22, s19, $0xb8;
	[tilespmem:$0x1E000] =	vst v63  }
0x2e: {  	p1 =	seq.s32 @!p0 s24, $0x7F  }
0x2f: {  	p1 =	por p0, !p1  }
.Ltmp2:
0x30: {  	_ = 	snop;
	(pc) =	sbr.rel @!p1 .LBB2_4-.Ltmp2, $4  }
0x31: {  	s25 =	simm.s32 @!p0 $0x2  }
0x32: {  	_ =	swait.ge @!p0 [sflag:s25], $0x2800  }
0x33: {  	[sflag:s25] =	ssyncset.done @!p0 $0x0  }
0x34: {  	[sflag:s25] =	ssyncadd.s32 @!p0 $0xFFFFD800  }
0x35: {  	s24 =	sadd.s32 $0x1, s24  }
.Ltmp3:
0x36: {  	s25 =	sand.u32 $0x1, s24;
	(pc) =	sbr.rel .LBB2_2-.Ltmp3, $4  }
0x37: {  	p0 =	seq.s32 s25, $0x1;
	s25 =	simm.s32 $0x7800  }
0x38: {  	s25 =	simm.s32 @!p0 $0x5000  }
0x39: {  	[tilespmem:s25], [sflag:$0x1] =	stream.indirect.gather [hbm4b:s7+s19], $0x80, s23, s19, $0xb8;
	[tilespmem:$0x1E000] =	vst v63  }
0x3a: {  	s22 =	sadd.s32 $0x50, s22;
	s23 =	sadd.s32 $0x50, s23  }
.LBB2_4:
0x3b: {  	_ =	swait.ge [sflag:s20], $0x2800  }
0x3c: {  	[sflag:s20] =	ssyncset.done $0x0  }
0x3d: {  	[sflag:s20] =	ssyncadd.s32 $0xFFFFD800  }
0x3e: {  	[bflag:$0x0] =	sbarrier.arrive $0xFFFF  }
0x3f: {  	[hbm:s8], [sflag:s15] =	dma.local [spmem:s16], $0x2800  }
0x40: {  	_ =	swait.ge [sflag:s14], $0x2800  }
0x41: {  	[sflag:s14] =	ssyncset.done $0x0  }
0x42: {  	[sflag:s14] =	ssyncadd.s32 $0xFFFFD800  }
0x43: {  	[spmem:s16], [sflag:s15] =	dma.local [hbm:s4], $0x2800  }
0x44: {  	_ =	swait.ge [sflag:s14], $0x2800  }
0x45: {  	[sflag:s14] =	ssyncset.done $0x0  }
0x46: {  	s22 =	simm.s32 $0x50;
	[sflag:s14] =	ssyncadd.s32 $0xFFFFD800  }
0x47: {  	s23 =	simm.s32 $0x0;
	s24 =	simm.s32 $0x2800;
	[bflag:$0x0] =	sbarrier.arrive $0xFFFF  }
0x48: {  	[tilespmem:s17], [sflag:$0x1] =	stream.indirect.gather [hbm4b:s9+s22], $0x80, s23, s22, $0xb8;
	[tilespmem:$0x1E000] =	vst v63  }
.LBB2_5:
0x49: {  	_ =	swait.ge [sflag:s18], $0x2800;
	s25 =	sand.u32 $0x1, s23  }
0x4a: {  	[sflag:s18] =	ssyncset.done $0x0;
	p0 =	seq.s32 s25, $0x1;
	s25 =	simm.s32 $0x7800  }
0x4b: {  	[sflag:s18] =	ssyncadd.s32 $0xFFFFD800;
	s25 =	simm.s32 @!p0 $0x5000;
	p0 =	seq.s32 s23, $0x0  }
0x4c: {  	[spmem:s2] =	stream.indirect.scatter.add.f32 [tilespmem:s25], [sflag:$0x2], $0x80, s24, s19, $0xb8;
	[tilespmem:$0x1E000] =	vst v63  }
0x4d: {  	p1 =	seq.s32 @!p0 s23, $0x7F  }
0x4e: {  	p1 =	por p0, !p1  }
.Ltmp4:
0x4f: {  	_ = 	snop;
	(pc) =	sbr.rel @!p1 .LBB2_7-.Ltmp4, $4  }
0x50: {  	s25 =	simm.s32 @!p0 $0x2  }
0x51: {  	_ =	swait.ge @!p0 [sflag:s25], $0x2800  }
0x52: {  	[sflag:s25] =	ssyncset.done @!p0 $0x0  }
0x53: {  	[sflag:s25] =	ssyncadd.s32 @!p0 $0xFFFFD800  }
0x54: {  	s23 =	sadd.s32 $0x1, s23  }
.Ltmp5:
0x55: {  	s25 =	sand.u32 $0x1, s23;
	(pc) =	sbr.rel .LBB2_5-.Ltmp5, $4  }
0x56: {  	p0 =	seq.s32 s25, $0x1;
	s25 =	simm.s32 $0x7800  }
0x57: {  	s25 =	simm.s32 @!p0 $0x5000  }
0x58: {  	[tilespmem:s25], [sflag:$0x1] =	stream.indirect.gather [hbm4b:s9+s19], $0x80, s22, s19, $0xb8;
	[tilespmem:$0x1E000] =	vst v63  }
0x59: {  	s24 =	sadd.s32 $0x50, s24;
	s22 =	sadd.s32 $0x50, s22  }
.LBB2_8:
0x5a: {  	_ =	sfence.sel $0x180000  }
0x5b: {  	[bflag:$0x0] =	sbarrier.arrive $0xFFFF  }
0x5c: {  	p0 =	sne.s32 s1, $0x0;
	_ =	strace $0x90000047  }
0x5d: {  	s0 =	sadd.s32 @!p0 $0x100000, s0;
	[bflag:$0x2] =	sbarrier.arrive $0xFFFF  }
0x5e: {  	[sflag:s0] =	ssyncadd.tile.s32 @!p0 $0x1;
	_ =	shalt  }
.Lfunc_end2:
_tile_overlayer_lowered:
.L_overlay_start_2:
0x5f: {  	(tag) =	ssettag $0x2  }
0x60: {  	s0 =	rddreg [dreg:$0x0];
	s2 =	stileid.u32  }
0x61: {  	s1 =	rddreg [dreg:$0x1];
	p0 =	sne.s32 s2, $0x0  }
0x62: {  	s3 =	rddreg [dreg:$0x2];
	[bflag:$0x3] =	sbarrier.arrive $0xFFFF;
	s2 =	simm.s32 @!p0 $0x1C03  }
0x63: {  	[timem:s3], [sflag:s2] =	dma.local @!p0 [hbm:s0], s1  }
0x64: {  	s0 =	simm.s32 @!p0 $0x3  }
0x65: {  	_ =	swait.ge @!p0 [sflag:s0], s1  }
0x66: {  	s1 =	ssub.s32 @!p0 $0x0, s1;
	[sflag:s0] =	ssyncset.done @!p0 $0x0  }
0x67: {  	[sflag:s0] =	ssyncadd.s32 @!p0 s1  }
0x68: {  	[bflag:$0x3] =	sbarrier.arrive $0xFFFF  }
0x69: {  	_ =	shalt  }

// kernel: kernel.19.cloned.1.call-start
scs
__scs_entry_jumppad:
0x0: {  	(pc) =	sbr.rel $0x88, $3  }
0x1: {  	(tag) =	ssettag $0x0;
	lr =	simm.s32 $0x1  }
0x2: {  	[smem:$0x3F88] =	sst lr;
	_ =	strace $0xD0000000  }
0x3: {  	_ = 	snop  }
0x4: {  	_ = 	snop  }
0x5: {  	_ = 	snop  }
0x6: {  	_ = 	snop  }
0x7: {  	_ = 	snop  }
__scs_overlays_trampoline_lowered:
0x8: {  	[smem:$0x3F97] =	sst s0  }
0x9: {  	[smem:$0x3F98] =	sst s1  }
0xa: {  	[smem:$0x3F99] =	sst s2  }
0xb: {  	[smem:$0x3F9A] =	sst s3  }
0xc: {  	[smem:$0x3F9B] =	sst s4  }
0xd: {  	[smem:$0x3F9C] =	sst s5  }
0xe: {  	[smem:$0x3F9D] =	sst s6  }
0xf: {  	[smem:$0x3F9E] =	sst s7  }
0x10: {  	[smem:$0x3F9F] =	sst s8  }
0x11: {  	[smem:$0x3FA0] =	sst s9;
	s0 =	simm.s32 @!p0 $0x0  }
0x12: {  	s1 =	sld [smem:$0x3F86];
	s0 =	simm.s32 @p0 $0x1  }
0x13: {  	[smem:$0x3FA1] =	sst s0;
	s0 =	simm.s32 @!p1 $0x0  }
0x14: {  	s2 =	sld [smem:$0x3F85];
	s0 =	simm.s32 @p1 $0x1  }
0x15: {  	[smem:$0x3FA2] =	sst s0;
	s0 =	simm.s32 @!p2 $0x0  }
0x16: {  	s3 =	sld [smem:$0x3FDB];
	s0 =	simm.s32 @p2 $0x1  }
0x17: {  	s4 =	simm.s32 $0x1BF5;
	[smem:$0x3FA4] =	sst s0  }
0x18: {  	s0 =	sld [smem:$0x3F87];
	_ =	swait.ge [sflag:s4], $0x0  }
0x19: {  	s7 =	sld [smem:$0x3F88]  }
0x1a: {  	s8 =	sadd.s32 $0xFFFFE003, lr  }
0x1b: {  	s9 =	sadd.s32 $0xFFFFFEF7, lr;
	s5 =	simm.s32 $0xFFFFFFFF;
	p2 =	slt.u32 s8, $0xFFFFF086  }
0x1c: {  	p1 =	slt.u32 s9, $0xF7A;
	s5 =	simm.s32 @!p2 $0x0  }
0x1d: {  	s5 =	simm.s32 @p1 $0x1;
	p0 =	seq.s32 s7, s2  }
0x1e: {  	s7 =	smul.u32 @!p0 $0xF7A, s2;
	p2 =	seq.s32 @!p0 s5, $0x0  }
0x1f: {  	s9 =	smul.u32 $0xF7A, s1;
	s8 =	simm.s32 @!p0 $0x1BF5;
	p2 =	por !p2, p0  }
0x20: {  	[sflag:s8] =	ssyncset.s32 @!p0 $0xFFFFF086;
	s6 =	sadd.s32 @!p0 s3, s7;
	s7 =	simm.s32 @!p0 $0x108  }
0x21: {  	s3 =	sadd.s32 s3, s9;
	s6 =	sadd.s32 @!p0 $0x88, s6;
	s7 =	simm.s32 @p2 $0x1082  }
0x22: {  	[simem:s7], [sflag:s8] =	dma.local @!p0 [hbm:s6], $0xF7A  }
0x23: {  	s9 =	sor.u32 $0xD0000000, s2;
	s6 =	simm.s32 $0x108;
	_ =	swait.ge @!p0 [sflag:s8], $0x0  }
0x24: {  	s3 =	sadd.s32 $0x88, s3;
	s6 =	simm.s32 @!p1 $0x1082;
	[sflag:s4] =	ssyncset.s32 $0xFFFFF086  }
0x25: {  	[simem:s6], [sflag:s4] =	dma.local [hbm:s3], $0xF7A  }
0x26: {  	[smem:$0x3F88] =	sst s1;
	(tag) =	ssettag s2;
	_ =	strace s9  }
0x27: {  	s1 =	sld [smem:$0x3F98]  }
0x28: {  	s2 =	sld [smem:$0x3F99]  }
0x29: {  	s4 =	sld [smem:$0x3F9B]  }
0x2a: {  	p0 =	seq.s32 s5, $0x0;
	s5 =	sld [smem:$0x3F9C]  }
0x2b: {  	s6 =	sld [smem:$0x3F9D]  }
0x2c: {  	s7 =	sld [smem:$0x3F9E]  }
0x2d: {  	s3 =	simm.s32 $0x108;
	s8 =	sld [smem:$0x3F9F]  }
0x2e: {  	s3 =	simm.s32 @!p0 $0x1082;
	s9 =	sld [smem:$0x3FA0]  }
0x2f: {  	lr =	sadd.s32 s0, s3;
	s0 =	sld [smem:$0x3F97]  }
0x30: {  	s3 =	sld [smem:$0x3F9A]  }
0x31: {  	[smem:$0x3FA3] =	sst s10  }
0x32: {  	s10 =	sld [smem:$0x3FA1];
	_ =	sdelay $0x3  }
0x33: {  	p0 =	seq.s32 s10, $0x1;
	s10 =	sld [smem:$0x3FA3];
	_ =	sdelay $0x3  }
0x34: {  	[smem:$0x3FA3] =	sst s10  }
0x35: {  	s10 =	sld [smem:$0x3FA2];
	_ =	sdelay $0x3  }
0x36: {  	p1 =	seq.s32 s10, $0x1;
	s10 =	sld [smem:$0x3FA3];
	_ =	sdelay $0x3  }
0x37: {  	[smem:$0x3FA3] =	sst s10  }
0x38: {  	s10 =	sld [smem:$0x3FA4]  }
0x39: {  	_ = 	snop;
	(pc) =	sbr.ind lr, $3  }
0x3a: {  	_ = 	snop  }
0x3b: {  	_ = 	snop  }
0x3c: {  	p2 =	seq.s32 s10, $0x1;
	s10 =	sld [smem:$0x3FA3]  }
0x3d: {  	_ =	shalt  }
0x3e: {  	_ =	shalt  }
0x3f: {  	_ =	shalt  }
0x40: {  	_ =	shalt  }
0x41: {  	_ =	shalt  }
0x42: {  	_ =	shalt  }
0x43: {  	_ =	shalt  }
0x44: {  	_ =	shalt  }
0x45: {  	_ =	shalt  }
0x46: {  	_ =	shalt  }
0x47: {  	_ =	shalt  }
0x48: {  	_ =	shalt  }
0x49: {  	_ =	shalt  }
0x4a: {  	_ =	shalt  }
0x4b: {  	_ =	shalt  }
0x4c: {  	_ =	shalt  }
0x4d: {  	_ =	shalt  }
0x4e: {  	_ =	shalt  }
0x4f: {  	_ =	shalt  }
0x50: {  	_ =	shalt  }
0x51: {  	_ =	shalt  }
0x52: {  	_ =	shalt  }
0x53: {  	_ =	shalt  }
0x54: {  	_ =	shalt  }
0x55: {  	_ =	shalt  }
0x56: {  	_ =	shalt  }
0x57: {  	_ =	shalt  }
0x58: {  	_ =	shalt  }
0x59: {  	_ =	shalt  }
0x5a: {  	_ =	shalt  }
0x5b: {  	_ =	shalt  }
0x5c: {  	_ =	shalt  }
0x5d: {  	_ =	shalt  }
0x5e: {  	_ =	shalt  }
0x5f: {  	_ =	shalt  }
0x60: {  	_ =	shalt  }
0x61: {  	_ =	shalt  }
0x62: {  	_ =	shalt  }
0x63: {  	_ =	shalt  }
0x64: {  	_ =	shalt  }
0x65: {  	_ =	shalt  }
0x66: {  	_ =	shalt  }
0x67: {  	_ =	shalt  }
0x68: {  	_ =	shalt  }
0x69: {  	_ =	shalt  }
0x6a: {  	_ =	shalt  }
0x6b: {  	_ =	shalt  }
0x6c: {  	_ =	shalt  }
0x6d: {  	_ =	shalt  }
0x6e: {  	_ =	shalt  }
0x6f: {  	_ =	shalt  }
0x70: {  	_ =	shalt  }
0x71: {  	_ =	shalt  }
0x72: {  	_ =	shalt  }
0x73: {  	_ =	shalt  }
0x74: {  	_ =	shalt  }
0x75: {  	_ =	shalt  }
0x76: {  	_ =	shalt  }
0x77: {  	_ =	shalt  }
0x78: {  	_ =	shalt  }
0x79: {  	_ =	shalt  }
0x7a: {  	_ =	shalt  }
0x7b: {  	_ =	shalt  }
0x7c: {  	_ =	shalt  }
0x7d: {  	_ =	shalt  }
0x7e: {  	_ =	shalt  }
0x7f: {  	_ =	shalt  }
0x80: {  	_ =	shalt  }
0x81: {  	_ =	shalt  }
0x82: {  	_ =	shalt  }
0x83: {  	_ =	shalt  }
0x84: {  	_ =	shalt  }
0x85: {  	_ =	shalt  }
0x86: {  	_ =	shalt  }
0x87: {  	_ =	shalt  }
.Lfunc_end0:
.L_simem_size_0:
called_computation.1_lowered:
.L_overlay_start_0:
0x88: {  	s2 =	sld [smem:$0x3FD9]  }
0x89: {  	s3 =	sld [smem:$0x3FFE];
	_ =	sdelay $0x1  }
0x8a: {  	s1 =	srdreg.scid  }
0x8b: {  	s0 =	sand.u32 $0x1, s1  }
0x8c: {  	s16 =	sshll.u32 s0, $0xA;
	s2 =	sadd.s32 s3, s2  }
0x8d: {  	s2 =	sadd.s32 s2, s16  }
0x8e: {  	[smem:$0x3FAF] =	sst s2  }
0x8f: {  	_ = 	snop  }
0x90: {  	(tm) =	ssettm $0x1  }
0x91: {  	s17 =	sld [smem:$0x3FFB];
	_ =	sdelay $0x3  }
0x92: {  	_ =	strace s17  }
0x93: {  	s2 =	sld [smem:$0x3FFC];
	_ =	sdelay $0x3  }
0x94: {  	_ =	strace s2  }
0x95: {  	s2 =	sld [smem:$0x3FFD];
	_ =	sdelay $0x3  }
0x96: {  	_ =	strace s2  }
0x97: {  	_ =	strace $0x8FFFFFFF  }
0x98: {  	s18 =	sld [smem:$0x3FDB];
	_ =	sdelay $0x1  }
0x99: {  	s19 =	simm.s32 $_scs_section_size  }
0x9a: {  	s4 =	simm.s32 $_size__tile_overlayer_lowered;
	s5 =	simm.s32 $_tile_overlayer_lowered  }
0x9b: {  	s22 =	simm.s32 $0x1BFF;
	s21 =	sshll.u32 s5, $0x1;
	s2 =	sadd.s32 s19, s18  }
0x9c: {  	s6 =	simm.s32 $0x0;
	s20 =	sshll.u32 s4, $0x1;
	s4 =	sadd.s32 s21, s2  }
0x9d: {  	[timem:s6], [sflag:s22] =	dma.local [hbm:s4], s20  }
0x9e: {  	_ =	swait.ge [sflag:s22], s20  }
0x9f: {  	s3 =	ssub.s32 $0x0, s20;
	[sflag:s22] =	ssyncset.done $0x0  }
0xa0: {  	[sflag:s22] =	ssyncadd.s32 s3;
	_ =	sdelay $0x1  }
0xa1: {  	s23 =	simm.s32 $0x1B8B  }
0xa2: {  	_ =	swait.ge [sflag:s23], $0x1  }
0xa3: {  	[sflag:s23] =	ssyncset.done $0x0  }
0xa4: {  	s25 =	simm.s32 $0x1B8E;
	s24 =	sld [smem:$0x3FFE];
	[sflag:s23] =	ssyncadd.s32 $0xFFFFFFFF  }
0xa5: {  	s26 =	simm.s32 $execute0_lowered;
	[smem:$0x3FD2] =	sst s25  }
0xa6: {  	s4 =	sshll.u32 s26, $0x1;
	_ =	strace $0x80000049;
	[dreg:$0x1] =	wrdreg $0xFFFFFFFF  }
0xa7: {  	s28 =	simm.s32 $_size_execute0_lowered;
	s2 =	sadd.s32 s2, s4;
	[dreg:$0x0] =	wrdreg $0x0  }
0xa8: {  	s4 =	sshll.u32 s28, $0x1;
	[dreg:$0x2] =	wrdreg s2  }
0xa9: {  	[dreg:$0x3] =	wrdreg s4  }
0xaa: {  	[dreg:$0x4] =	wrdreg $0xC0  }
0xab: {  	_ =	task [dreg:s6], $0x5FFFF  }
0xac: {  	[dreg:$0x1] =	wrdreg $0xFFFFFFFF  }
0xad: {  	[dreg:$0x0] =	wrdreg $0x60  }
0xae: {  	[dreg:$0x2] =	wrdreg s24  }
0xaf: {  	[dreg:$0x3] =	wrdreg $0xA0000  }
0xb0: {  	[dreg:$0x4] =	wrdreg $0x9  }
0xb1: {  	_ =	task.clear_ibuf [dreg:s6], $0x5FFFF;
	_ =	strace $0x90000049  }
0xb2: {  	s29 =	simm.s32 $0x9;
	_ =	strace $0x8000004B  }
0xb3: {  	_ =	swait.ge [sflag:s29], $0x1  }
0xb4: {  	[sflag:s29] =	ssyncadd.s32 $0xFFFFFFFF  }
0xb5: {  	_ =	strace $0x9000004B  }
0xb6: {  	_ =	sfence  }
0xb7: {  	s30 =	sld [smem:$0x0];
	_ =	sdelay $0x2  }
0xb8: {  	s31 =	sshll.u32 s1, $0xD;
	s1 =	sshrl.u32 s1, $0x2  }
0xb9: {  	s3 =	sand.u32 $0x4000, s31;
	s1 =	sadd.s32 s1, s30  }
0xba: {  	s0 =	sor.u32 s3, s0;
	s1 =	sshll.u32 s1, $0x11  }
0xbb: {  	s0 =	sor.u32 s1, s0  }
0xbc: {  	s0 =	sadd.s32 $0x8F2B, s0  }
0xbd: {  	[sflag:s0] =	ssyncadd.remote.s32 $0x1  }
0xbe: {  	_ =	sfence.sel $0xFFFF  }
0xbf: {  	[dreg:$0x0] =	wrdreg $0xFFFFFFFF;
	(pc) =	sbr.abs _section_cstart, $3  }
0xc0: {  	[dreg:$0x1] =	wrdreg $0xFFFFFFFF  }
0xc1: {  	_ =	task.clear_ibuf [dreg:s6], $0x2FFFF;
	_ =	strace $0x9FFFFFFF  }
0xc2: {  	(tm) =	ssettm $0x7FFFFFFF  }
0xc3: {  	_ =	shalt  }
tec
execute0_lowered:
.L_overlay_start_1:
0x0: {  	(tag) =	ssettag $0x1  }
0x1: {  	s5 =	rddreg [dreg:$0x0]  }
0x2: {  	s2 =	rddreg [dreg:$0x1]  }
0x3: {  	s1 =	stileid.u32;
	s0 =	rddreg [dreg:$0x2];
	s3 =	simm.s32 $0x0  }
0x4: {  	s25 =	srdreg.scid;
	s14 =	simm.s32 $0x3;
	s17 =	simm.s32 $0x5000  }
0x5: {  	s18 =	simm.s32 $0x1;
	s19 =	simm.s32 $0x50;
	s20 =	simm.s32 $0x2  }
0x6: {  	s21 =	simm.s32 $0x0;
	s4 =	sshrl.u32 s1, $0x3;
	s11 =	smul.u32 $0x50000, s1  }
0x7: {  	s6 =	sshll.u32 s1, $0x7;
	[smem:$0x7FF] =	sst s3;
	s30 =	smul.u32 $0x14000, s1  }
0x8: {  	s9 =	sadd.s32 $0xDE00, s5;
	s10 =	sadd.s32 $0xB0600, s5;
	s4 =	smul.u32 $0x14000, s4  }
0x9: {  	s15 =	sshll.u32 s1, $0x6;
	s6 =	sand.u32 $0x380, s6;
	_ =	strace $0x8000004A  }
0xa: {  	s15 =	sor.u32 $0x1C03, s15;
	s29 =	sshrl.u32 s11, $0x2;
	s4 =	sor.u32 s6, s4  }
0xb: {  	s6 =	sand.u32 $0x1, s25;
	s16 =	sadd.s32 s29, s2;
	s4 =	sshrl.u32 s4, $0x3  }
0xc: {  	s8 =	ssub.s32 $0x2, s6;
	s28 =	smul.u32 $0x280000, s6;
	s16 =	sshrl.u32 s16, $0x3  }
0xd: {  	s7 =	sadd.s32 s4, s5;
	s4 =	sadd.s32 $0xADE00, s5;
	s26 =	sshrl.u32 s8, $0x1  }
0xe: {  	s12 =	ssub.s32 s8, s26;
	s5 =	sadd.s32 $0x3E00, s7;
	s6 =	sadd.s32 $0x8E00, s7  }
.Ltmp0:
0xf: {  	s31 =	sshrl.u32 s28, $0x3;
	s13 =	sadd.s32 $0x140000, s28;
	(pc) =	sbr.rel .LBB2_1-.Ltmp0, $4  }
0x10: {  	s8 =	sadd.s32 s30, s28;
	s7 =	sadd.s32 s9, s31;
	s11 =	sadd.s32 s30, s13  }
0x11: {  	s8 =	sshrl.u32 s8, $0x3;
	s13 =	sshrl.u32 s13, $0x3;
	s11 =	sshrl.u32 s11, $0x3  }
0x12: {  	s8 =	sadd.s32 s10, s8;
	s9 =	sadd.s32 s9, s13;
	s13 =	simm.s32 $0x400  }
0x13: {  	s10 =	sadd.s32 s10, s11;
	s11 =	smax.u32 s12, $0x1;
	s12 =	simm.s32 $0x80  }
.LBB2_7:
0x14: {  	_ =	swait.ge [sflag:s20], $0x2800  }
0x15: {  	s21 =	sadd.s32 $0x1, s21;
	[sflag:s20] =	ssyncset.done $0x0  }
0x16: {  	p0 =	sne.s32 s21, s11;
	[sflag:s20] =	ssyncadd.s32 $0xFFFFD800  }
.Ltmp1:
0x17: {  	[bflag:$0x0] =	sbarrier.arrive $0xFFFF;
	(pc) =	sbr.rel @!p0 .LBB2_8-.Ltmp1, $4  }
0x18: {  	[hbm:s10], [sflag:s15] =	dma.local [spmem:s16], $0x2800  }
0x19: {  	_ =	swait.ge [sflag:s14], $0x2800  }
0x1a: {  	[sflag:s14] =	ssyncset.done $0x0  }
0x1b: {  	[sflag:s14] =	ssyncadd.s32 $0xFFFFD800  }
.LBB2_1:
0x1c: {  	[tilespmem:s3], [sflag:$0x3] =	stream.strided.gather [hbm4b:s5+s12], $0x2800, s13, s12, $0x38;
	[tilespmem:$0x1E000] =	vst v63  }
0x1d: {  	_ =	swait.ge [sflag:s14], $0x2800  }
0x1e: {  	[sflag:s14] =	ssyncset.done $0x0  }
0x1f: {  	s22 =	simm.s32 $0x2800;
	[sflag:s14] =	ssyncadd.s32 $0xFFFFD800  }
0x20: {  	[tilespmem:s22], [sflag:$0x3] =	stream.strided.gather [hbm4b:s6+s12], $0x2800, s13, s12, $0x38;
	[tilespmem:$0x1E000] =	vst v63  }
0x21: {  	_ =	swait.ge [sflag:s14], $0x2800  }
0x22: {  	[sflag:s14] =	ssyncset.done $0x0  }
0x23: {  	[sflag:s14] =	ssyncadd.s32 $0xFFFFD800  }
0x24: {  	[spmem:s16], [sflag:s15] =	dma.local [hbm:s4], $0x2800  }
0x25: {  	_ =	swait.ge [sflag:s14], $0x2800  }
0x26: {  	[sflag:s14] =	ssyncset.done $0x0  }
0x27: {  	[sflag:s14] =	ssyncadd.s32 $0xFFFFD800  }
0x28: {  	s23 =	simm.s32 $0x50;
	s24 =	simm.s32 $0x0;
	[bflag:$0x0] =	sbarrier.arrive $0xFFFF  }
0x29: {  	[tilespmem:s17], [sflag:$0x1] =	stream.indirect.gather [hbm4b:s7+s19], $0x80, s3, s19, $0xb8;
	[tilespmem:$0x1E000] =	vst v63  }
.LBB2_2:
0x2a: {  	_ =	swait.ge [sflag:s18], $0x2800;
	s25 =	sand.u32 $0x1, s24  }
0x2b: {  	[sflag:s18] =	ssyncset.done $0x0;
	p0 =	seq.s32 s25, $0x1;
	s25 =	simm.s32 $0x7800  }
0x2c: {  	[sflag:s18] =	ssyncadd.s32 $0xFFFFD800;
	s25 =	simm.s32 @!p0 $0x5000;
	p0 =	seq.s32 s24, $0x0  }
0x2d: {  	[spmem:s2] =	stream.indirect.scatter.add.f32 [tilespmem:s25], [sflag:$0x2], $0x80, s22, s19, $0xb8;
	[tilespmem:$0x1E000] =	vst v63  }
0x2e: {  	p1 =	seq.s32 @!p0 s24, $0x7F  }
0x2f: {  	p1 =	por p0, !p1  }
.Ltmp2:
0x30: {  	_ = 	snop;
	(pc) =	sbr.rel @!p1 .LBB2_4-.Ltmp2, $4  }
0x31: {  	s25 =	simm.s32 @!p0 $0x2  }
0x32: {  	_ =	swait.ge @!p0 [sflag:s25], $0x2800  }
0x33: {  	[sflag:s25] =	ssyncset.done @!p0 $0x0  }
0x34: {  	[sflag:s25] =	ssyncadd.s32 @!p0 $0xFFFFD800  }
0x35: {  	s24 =	sadd.s32 $0x1, s24  }
.Ltmp3:
0x36: {  	s25 =	sand.u32 $0x1, s24;
	(pc) =	sbr.rel .LBB2_2-.Ltmp3, $4  }
0x37: {  	p0 =	seq.s32 s25, $0x1;
	s25 =	simm.s32 $0x7800  }
0x38: {  	s25 =	simm.s32 @!p0 $0x5000  }
0x39: {  	[tilespmem:s25], [sflag:$0x1] =	stream.indirect.gather [hbm4b:s7+s19], $0x80, s23, s19, $0xb8;
	[tilespmem:$0x1E000] =	vst v63  }
0x3a: {  	s22 =	sadd.s32 $0x50, s22;
	s23 =	sadd.s32 $0x50, s23  }
.LBB2_4:
0x3b: {  	_ =	swait.ge [sflag:s20], $0x2800  }
0x3c: {  	[sflag:s20] =	ssyncset.done $0x0  }
0x3d: {  	[sflag:s20] =	ssyncadd.s32 $0xFFFFD800  }
0x3e: {  	[bflag:$0x0] =	sbarrier.arrive $0xFFFF  }
0x3f: {  	[hbm:s8], [sflag:s15] =	dma.local [spmem:s16], $0x2800  }
0x40: {  	_ =	swait.ge [sflag:s14], $0x2800  }
0x41: {  	[sflag:s14] =	ssyncset.done $0x0  }
0x42: {  	[sflag:s14] =	ssyncadd.s32 $0xFFFFD800  }
0x43: {  	[spmem:s16], [sflag:s15] =	dma.local [hbm:s4], $0x2800  }
0x44: {  	_ =	swait.ge [sflag:s14], $0x2800  }
0x45: {  	[sflag:s14] =	ssyncset.done $0x0  }
0x46: {  	s22 =	simm.s32 $0x50;
	[sflag:s14] =	ssyncadd.s32 $0xFFFFD800  }
0x47: {  	s23 =	simm.s32 $0x0;
	s24 =	simm.s32 $0x2800;
	[bflag:$0x0] =	sbarrier.arrive $0xFFFF  }
0x48: {  	[tilespmem:s17], [sflag:$0x1] =	stream.indirect.gather [hbm4b:s9+s22], $0x80, s23, s22, $0xb8;
	[tilespmem:$0x1E000] =	vst v63  }
.LBB2_5:
0x49: {  	_ =	swait.ge [sflag:s18], $0x2800;
	s25 =	sand.u32 $0x1, s23  }
0x4a: {  	[sflag:s18] =	ssyncset.done $0x0;
	p0 =	seq.s32 s25, $0x1;
	s25 =	simm.s32 $0x7800  }
0x4b: {  	[sflag:s18] =	ssyncadd.s32 $0xFFFFD800;
	s25 =	simm.s32 @!p0 $0x5000;
	p0 =	seq.s32 s23, $0x0  }
0x4c: {  	[spmem:s2] =	stream.indirect.scatter.add.f32 [tilespmem:s25], [sflag:$0x2], $0x80, s24, s19, $0xb8;
	[tilespmem:$0x1E000] =	vst v63  }
0x4d: {  	p1 =	seq.s32 @!p0 s23, $0x7F  }
0x4e: {  	p1 =	por p0, !p1  }
.Ltmp4:
0x4f: {  	_ = 	snop;
	(pc) =	sbr.rel @!p1 .LBB2_7-.Ltmp4, $4  }
0x50: {  	s25 =	simm.s32 @!p0 $0x2  }
0x51: {  	_ =	swait.ge @!p0 [sflag:s25], $0x2800  }
0x52: {  	[sflag:s25] =	ssyncset.done @!p0 $0x0  }
0x53: {  	[sflag:s25] =	ssyncadd.s32 @!p0 $0xFFFFD800  }
0x54: {  	s23 =	sadd.s32 $0x1, s23  }
.Ltmp5:
0x55: {  	s25 =	sand.u32 $0x1, s23;
	(pc) =	sbr.rel .LBB2_5-.Ltmp5, $4  }
0x56: {  	p0 =	seq.s32 s25, $0x1;
	s25 =	simm.s32 $0x7800  }
0x57: {  	s25 =	simm.s32 @!p0 $0x5000  }
0x58: {  	[tilespmem:s25], [sflag:$0x1] =	stream.indirect.gather [hbm4b:s9+s19], $0x80, s22, s19, $0xb8;
	[tilespmem:$0x1E000] =	vst v63  }
0x59: {  	s24 =	sadd.s32 $0x50, s24;
	s22 =	sadd.s32 $0x50, s22  }
.LBB2_8:
0x5a: {  	_ =	sfence.sel $0x180000  }
0x5b: {  	[bflag:$0x0] =	sbarrier.arrive $0xFFFF  }
0x5c: {  	p0 =	sne.s32 s1, $0x0;
	_ =	strace $0x9000004A  }
0x5d: {  	s0 =	sadd.s32 @!p0 $0x100000, s0;
	[bflag:$0x2] =	sbarrier.arrive $0xFFFF  }
0x5e: {  	[sflag:s0] =	ssyncadd.tile.s32 @!p0 $0x1;
	_ =	shalt  }
.Lfunc_end2:
_tile_overlayer_lowered:
.L_overlay_start_2:
0x5f: {  	(tag) =	ssettag $0x2  }
0x60: {  	s0 =	rddreg [dreg:$0x0];
	s2 =	stileid.u32  }
0x61: {  	s1 =	rddreg [dreg:$0x1];
	p0 =	sne.s32 s2, $0x0  }
0x62: {  	s3 =	rddreg [dreg:$0x2];
	[bflag:$0x3] =	sbarrier.arrive $0xFFFF;
	s2 =	simm.s32 @!p0 $0x1C03  }
0x63: {  	[timem:s3], [sflag:s2] =	dma.local @!p0 [hbm:s0], s1  }
0x64: {  	s0 =	simm.s32 @!p0 $0x3  }
0x65: {  	_ =	swait.ge @!p0 [sflag:s0], s1  }
0x66: {  	s1 =	ssub.s32 @!p0 $0x0, s1;
	[sflag:s0] =	ssyncset.done @!p0 $0x0  }
0x67: {  	[sflag:s0] =	ssyncadd.s32 @!p0 s1  }
0x68: {  	[bflag:$0x3] =	sbarrier.arrive $0xFFFF  }
0x69: {  	_ =	shalt  }

// kernel: kernel.22.cloned.1.call-start
scs
__scs_entry_jumppad:
0x0: {  	(pc) =	sbr.rel $0x88, $3  }
0x1: {  	(tag) =	ssettag $0x0;
	lr =	simm.s32 $0x1  }
0x2: {  	[smem:$0x3F88] =	sst lr;
	_ =	strace $0xD0000000  }
0x3: {  	_ = 	snop  }
0x4: {  	_ = 	snop  }
0x5: {  	_ = 	snop  }
0x6: {  	_ = 	snop  }
0x7: {  	_ = 	snop  }
__scs_overlays_trampoline_lowered:
0x8: {  	[smem:$0x3F97] =	sst s0  }
0x9: {  	[smem:$0x3F98] =	sst s1  }
0xa: {  	[smem:$0x3F99] =	sst s2  }
0xb: {  	[smem:$0x3F9A] =	sst s3  }
0xc: {  	[smem:$0x3F9B] =	sst s4  }
0xd: {  	[smem:$0x3F9C] =	sst s5  }
0xe: {  	[smem:$0x3F9D] =	sst s6  }
0xf: {  	[smem:$0x3F9E] =	sst s7  }
0x10: {  	[smem:$0x3F9F] =	sst s8  }
0x11: {  	[smem:$0x3FA0] =	sst s9;
	s0 =	simm.s32 @!p0 $0x0  }
0x12: {  	s1 =	sld [smem:$0x3F86];
	s0 =	simm.s32 @p0 $0x1  }
0x13: {  	[smem:$0x3FA1] =	sst s0;
	s0 =	simm.s32 @!p1 $0x0  }
0x14: {  	s2 =	sld [smem:$0x3F85];
	s0 =	simm.s32 @p1 $0x1  }
0x15: {  	[smem:$0x3FA2] =	sst s0;
	s0 =	simm.s32 @!p2 $0x0  }
0x16: {  	s3 =	sld [smem:$0x3FDB];
	s0 =	simm.s32 @p2 $0x1  }
0x17: {  	s4 =	simm.s32 $0x1BF5;
	[smem:$0x3FA4] =	sst s0  }
0x18: {  	s0 =	sld [smem:$0x3F87];
	_ =	swait.ge [sflag:s4], $0x0  }
0x19: {  	s7 =	sld [smem:$0x3F88]  }
0x1a: {  	s8 =	sadd.s32 $0xFFFFE003, lr  }
0x1b: {  	s9 =	sadd.s32 $0xFFFFFEF7, lr;
	s5 =	simm.s32 $0xFFFFFFFF;
	p2 =	slt.u32 s8, $0xFFFFF086  }
0x1c: {  	p1 =	slt.u32 s9, $0xF7A;
	s5 =	simm.s32 @!p2 $0x0  }
0x1d: {  	s5 =	simm.s32 @p1 $0x1;
	p0 =	seq.s32 s7, s2  }
0x1e: {  	s7 =	smul.u32 @!p0 $0xF7A, s2;
	p2 =	seq.s32 @!p0 s5, $0x0  }
0x1f: {  	s9 =	smul.u32 $0xF7A, s1;
	s8 =	simm.s32 @!p0 $0x1BF5;
	p2 =	por !p2, p0  }
0x20: {  	[sflag:s8] =	ssyncset.s32 @!p0 $0xFFFFF086;
	s6 =	sadd.s32 @!p0 s3, s7;
	s7 =	simm.s32 @!p0 $0x108  }
0x21: {  	s3 =	sadd.s32 s3, s9;
	s6 =	sadd.s32 @!p0 $0x88, s6;
	s7 =	simm.s32 @p2 $0x1082  }
0x22: {  	[simem:s7], [sflag:s8] =	dma.local @!p0 [hbm:s6], $0xF7A  }
0x23: {  	s9 =	sor.u32 $0xD0000000, s2;
	s6 =	simm.s32 $0x108;
	_ =	swait.ge @!p0 [sflag:s8], $0x0  }
0x24: {  	s3 =	sadd.s32 $0x88, s3;
	s6 =	simm.s32 @!p1 $0x1082;
	[sflag:s4] =	ssyncset.s32 $0xFFFFF086  }
0x25: {  	[simem:s6], [sflag:s4] =	dma.local [hbm:s3], $0xF7A  }
0x26: {  	[smem:$0x3F88] =	sst s1;
	(tag) =	ssettag s2;
	_ =	strace s9  }
0x27: {  	s1 =	sld [smem:$0x3F98]  }
0x28: {  	s2 =	sld [smem:$0x3F99]  }
0x29: {  	s4 =	sld [smem:$0x3F9B]  }
0x2a: {  	p0 =	seq.s32 s5, $0x0;
	s5 =	sld [smem:$0x3F9C]  }
0x2b: {  	s6 =	sld [smem:$0x3F9D]  }
0x2c: {  	s7 =	sld [smem:$0x3F9E]  }
0x2d: {  	s3 =	simm.s32 $0x108;
	s8 =	sld [smem:$0x3F9F]  }
0x2e: {  	s3 =	simm.s32 @!p0 $0x1082;
	s9 =	sld [smem:$0x3FA0]  }
0x2f: {  	lr =	sadd.s32 s0, s3;
	s0 =	sld [smem:$0x3F97]  }
0x30: {  	s3 =	sld [smem:$0x3F9A]  }
0x31: {  	[smem:$0x3FA3] =	sst s10  }
0x32: {  	s10 =	sld [smem:$0x3FA1];
	_ =	sdelay $0x3  }
0x33: {  	p0 =	seq.s32 s10, $0x1;
	s10 =	sld [smem:$0x3FA3];
	_ =	sdelay $0x3  }
0x34: {  	[smem:$0x3FA3] =	sst s10  }
0x35: {  	s10 =	sld [smem:$0x3FA2];
	_ =	sdelay $0x3  }
0x36: {  	p1 =	seq.s32 s10, $0x1;
	s10 =	sld [smem:$0x3FA3];
	_ =	sdelay $0x3  }
0x37: {  	[smem:$0x3FA3] =	sst s10  }
0x38: {  	s10 =	sld [smem:$0x3FA4]  }
0x39: {  	_ = 	snop;
	(pc) =	sbr.ind lr, $3  }
0x3a: {  	_ = 	snop  }
0x3b: {  	_ = 	snop  }
0x3c: {  	p2 =	seq.s32 s10, $0x1;
	s10 =	sld [smem:$0x3FA3]  }
0x3d: {  	_ =	shalt  }
0x3e: {  	_ =	shalt  }
0x3f: {  	_ =	shalt  }
0x40: {  	_ =	shalt  }
0x41: {  	_ =	shalt  }
0x42: {  	_ =	shalt  }
0x43: {  	_ =	shalt  }
0x44: {  	_ =	shalt  }
0x45: {  	_ =	shalt  }
0x46: {  	_ =	shalt  }
0x47: {  	_ =	shalt  }
0x48: {  	_ =	shalt  }
0x49: {  	_ =	shalt  }
0x4a: {  	_ =	shalt  }
0x4b: {  	_ =	shalt  }
0x4c: {  	_ =	shalt  }
0x4d: {  	_ =	shalt  }
0x4e: {  	_ =	shalt  }
0x4f: {  	_ =	shalt  }
0x50: {  	_ =	shalt  }
0x51: {  	_ =	shalt  }
0x52: {  	_ =	shalt  }
0x53: {  	_ =	shalt  }
0x54: {  	_ =	shalt  }
0x55: {  	_ =	shalt  }
0x56: {  	_ =	shalt  }
0x57: {  	_ =	shalt  }
0x58: {  	_ =	shalt  }
0x59: {  	_ =	shalt  }
0x5a: {  	_ =	shalt  }
0x5b: {  	_ =	shalt  }
0x5c: {  	_ =	shalt  }
0x5d: {  	_ =	shalt  }
0x5e: {  	_ =	shalt  }
0x5f: {  	_ =	shalt  }
0x60: {  	_ =	shalt  }
0x61: {  	_ =	shalt  }
0x62: {  	_ =	shalt  }
0x63: {  	_ =	shalt  }
0x64: {  	_ =	shalt  }
0x65: {  	_ =	shalt  }
0x66: {  	_ =	shalt  }
0x67: {  	_ =	shalt  }
0x68: {  	_ =	shalt  }
0x69: {  	_ =	shalt  }
0x6a: {  	_ =	shalt  }
0x6b: {  	_ =	shalt  }
0x6c: {  	_ =	shalt  }
0x6d: {  	_ =	shalt  }
0x6e: {  	_ =	shalt  }
0x6f: {  	_ =	shalt  }
0x70: {  	_ =	shalt  }
0x71: {  	_ =	shalt  }
0x72: {  	_ =	shalt  }
0x73: {  	_ =	shalt  }
0x74: {  	_ =	shalt  }
0x75: {  	_ =	shalt  }
0x76: {  	_ =	shalt  }
0x77: {  	_ =	shalt  }
0x78: {  	_ =	shalt  }
0x79: {  	_ =	shalt  }
0x7a: {  	_ =	shalt  }
0x7b: {  	_ =	shalt  }
0x7c: {  	_ =	shalt  }
0x7d: {  	_ =	shalt  }
0x7e: {  	_ =	shalt  }
0x7f: {  	_ =	shalt  }
0x80: {  	_ =	shalt  }
0x81: {  	_ =	shalt  }
0x82: {  	_ =	shalt  }
0x83: {  	_ =	shalt  }
0x84: {  	_ =	shalt  }
0x85: {  	_ =	shalt  }
0x86: {  	_ =	shalt  }
0x87: {  	_ =	shalt  }
.Lfunc_end0:
.L_simem_size_0:
called_computation.2_lowered:
.L_overlay_start_0:
0x88: {  	s2 =	sld [smem:$0x3FD9]  }
0x89: {  	s3 =	sld [smem:$0x3FFE];
	_ =	sdelay $0x1  }
0x8a: {  	s1 =	srdreg.scid  }
0x8b: {  	s0 =	sand.u32 $0x1, s1  }
0x8c: {  	s16 =	sshll.u32 s0, $0xA;
	s2 =	sadd.s32 s3, s2  }
0x8d: {  	s2 =	sadd.s32 s2, s16  }
0x8e: {  	[smem:$0x3FAF] =	sst s2  }
0x8f: {  	_ = 	snop  }
0x90: {  	(tm) =	ssettm $0x1  }
0x91: {  	s17 =	sld [smem:$0x3FFB];
	_ =	sdelay $0x3  }
0x92: {  	_ =	strace s17  }
0x93: {  	s2 =	sld [smem:$0x3FFC];
	_ =	sdelay $0x3  }
0x94: {  	_ =	strace s2  }
0x95: {  	s2 =	sld [smem:$0x3FFD];
	_ =	sdelay $0x3  }
0x96: {  	_ =	strace s2  }
0x97: {  	_ =	strace $0x8FFFFFFF  }
0x98: {  	s18 =	sld [smem:$0x3FDB];
	_ =	sdelay $0x1  }
0x99: {  	s19 =	simm.s32 $_scs_section_size  }
0x9a: {  	s4 =	simm.s32 $_size__tile_overlayer_lowered;
	s5 =	simm.s32 $_tile_overlayer_lowered  }
0x9b: {  	s22 =	simm.s32 $0x1BFF;
	s21 =	sshll.u32 s5, $0x1;
	s2 =	sadd.s32 s19, s18  }
0x9c: {  	s6 =	simm.s32 $0x0;
	s20 =	sshll.u32 s4, $0x1;
	s4 =	sadd.s32 s21, s2  }
0x9d: {  	[timem:s6], [sflag:s22] =	dma.local [hbm:s4], s20  }
0x9e: {  	_ =	swait.ge [sflag:s22], s20  }
0x9f: {  	s3 =	ssub.s32 $0x0, s20;
	[sflag:s22] =	ssyncset.done $0x0  }
0xa0: {  	[sflag:s22] =	ssyncadd.s32 s3;
	_ =	sdelay $0x1  }
0xa1: {  	s23 =	simm.s32 $0x1B8B  }
0xa2: {  	_ =	swait.ge [sflag:s23], $0x1  }
0xa3: {  	[sflag:s23] =	ssyncset.done $0x0  }
0xa4: {  	s25 =	simm.s32 $0x1B8E;
	s24 =	sld [smem:$0x3FFE];
	[sflag:s23] =	ssyncadd.s32 $0xFFFFFFFF  }
0xa5: {  	s26 =	simm.s32 $execute0_lowered;
	[smem:$0x3FD2] =	sst s25  }
0xa6: {  	s4 =	sshll.u32 s26, $0x1;
	_ =	strace $0x8000004C;
	[dreg:$0x1] =	wrdreg $0xFFFFFFFF  }
0xa7: {  	s28 =	simm.s32 $_size_execute0_lowered;
	s2 =	sadd.s32 s2, s4;
	[dreg:$0x0] =	wrdreg $0x0  }
0xa8: {  	s4 =	sshll.u32 s28, $0x1;
	[dreg:$0x2] =	wrdreg s2  }
0xa9: {  	[dreg:$0x3] =	wrdreg s4  }
0xaa: {  	[dreg:$0x4] =	wrdreg $0xC0  }
0xab: {  	_ =	task [dreg:s6], $0x5FFFF  }
0xac: {  	[dreg:$0x1] =	wrdreg $0xFFFFFFFF  }
0xad: {  	[dreg:$0x0] =	wrdreg $0x60  }
0xae: {  	[dreg:$0x2] =	wrdreg s24  }
0xaf: {  	[dreg:$0x3] =	wrdreg $0xA0000  }
0xb0: {  	[dreg:$0x4] =	wrdreg $0x9  }
0xb1: {  	_ =	task.clear_ibuf [dreg:s6], $0x5FFFF;
	_ =	strace $0x9000004C  }
0xb2: {  	s29 =	simm.s32 $0x9;
	_ =	strace $0x8000004E  }
0xb3: {  	_ =	swait.ge [sflag:s29], $0x1  }
0xb4: {  	[sflag:s29] =	ssyncadd.s32 $0xFFFFFFFF  }
0xb5: {  	_ =	strace $0x9000004E  }
0xb6: {  	_ =	sfence  }
0xb7: {  	s30 =	sld [smem:$0x0];
	_ =	sdelay $0x2  }
0xb8: {  	s31 =	sshll.u32 s1, $0xD;
	s1 =	sshrl.u32 s1, $0x2  }
0xb9: {  	s3 =	sand.u32 $0x4000, s31;
	s1 =	sadd.s32 s1, s30  }
0xba: {  	s0 =	sor.u32 s3, s0;
	s1 =	sshll.u32 s1, $0x11  }
0xbb: {  	s0 =	sor.u32 s1, s0  }
0xbc: {  	s0 =	sadd.s32 $0x8F2B, s0  }
0xbd: {  	[sflag:s0] =	ssyncadd.remote.s32 $0x1  }
0xbe: {  	_ =	sfence.sel $0xFFFF  }
0xbf: {  	[dreg:$0x0] =	wrdreg $0xFFFFFFFF;
	(pc) =	sbr.abs _section_cstart, $3  }
0xc0: {  	[dreg:$0x1] =	wrdreg $0xFFFFFFFF  }
0xc1: {  	_ =	task.clear_ibuf [dreg:s6], $0x2FFFF;
	_ =	strace $0x9FFFFFFF  }
0xc2: {  	(tm) =	ssettm $0x7FFFFFFF  }
0xc3: {  	_ =	shalt  }
tec
execute0_lowered:
.L_overlay_start_1:
0x0: {  	(tag) =	ssettag $0x1  }
0x1: {  	s5 =	rddreg [dreg:$0x0]  }
0x2: {  	s2 =	rddreg [dreg:$0x1]  }
0x3: {  	s1 =	stileid.u32;
	s0 =	rddreg [dreg:$0x2];
	s3 =	simm.s32 $0x0  }
0x4: {  	s25 =	srdreg.scid;
	s14 =	simm.s32 $0x3;
	s17 =	simm.s32 $0x5000  }
0x5: {  	s18 =	simm.s32 $0x1;
	s19 =	simm.s32 $0x50;
	s20 =	simm.s32 $0x2  }
0x6: {  	s21 =	simm.s32 $0x0;
	s4 =	sshrl.u32 s1, $0x3;
	s11 =	smul.u32 $0x50000, s1  }
0x7: {  	s6 =	sshll.u32 s1, $0x7;
	[smem:$0x7FF] =	sst s3;
	s30 =	smul.u32 $0x14000, s1  }
0x8: {  	s9 =	sadd.s32 $0xDE00, s5;
	s10 =	sadd.s32 $0xB0600, s5;
	s4 =	smul.u32 $0x14000, s4  }
0x9: {  	s15 =	sshll.u32 s1, $0x6;
	s6 =	sand.u32 $0x380, s6;
	_ =	strace $0x8000004D  }
0xa: {  	s15 =	sor.u32 $0x1C03, s15;
	s29 =	sshrl.u32 s11, $0x2;
	s4 =	sor.u32 s6, s4  }
0xb: {  	s6 =	sand.u32 $0x1, s25;
	s16 =	sadd.s32 s29, s2;
	s4 =	sshrl.u32 s4, $0x3  }
0xc: {  	s8 =	ssub.s32 $0x2, s6;
	s28 =	smul.u32 $0x280000, s6;
	s16 =	sshrl.u32 s16, $0x3  }
0xd: {  	s7 =	sadd.s32 s4, s5;
	s4 =	sadd.s32 $0xADE00, s5;
	s26 =	sshrl.u32 s8, $0x1  }
0xe: {  	s12 =	ssub.s32 s8, s26;
	s5 =	sadd.s32 $0x3E00, s7;
	s6 =	sadd.s32 $0x8E00, s7  }
.Ltmp0:
0xf: {  	s31 =	sshrl.u32 s28, $0x3;
	s13 =	sadd.s32 $0x140000, s28;
	(pc) =	sbr.rel .LBB2_1-.Ltmp0, $4  }
0x10: {  	s8 =	sadd.s32 s30, s28;
	s7 =	sadd.s32 s9, s31;
	s11 =	sadd.s32 s30, s13  }
0x11: {  	s8 =	sshrl.u32 s8, $0x3;
	s13 =	sshrl.u32 s13, $0x3;
	s11 =	sshrl.u32 s11, $0x3  }
0x12: {  	s8 =	sadd.s32 s10, s8;
	s9 =	sadd.s32 s9, s13;
	s13 =	simm.s32 $0x400  }
0x13: {  	s10 =	sadd.s32 s10, s11;
	s11 =	smax.u32 s12, $0x1;
	s12 =	simm.s32 $0x80  }
.LBB2_7:
0x14: {  	_ =	swait.ge [sflag:s20], $0x2800  }
0x15: {  	s21 =	sadd.s32 $0x1, s21;
	[sflag:s20] =	ssyncset.done $0x0  }
0x16: {  	p0 =	sne.s32 s21, s11;
	[sflag:s20] =	ssyncadd.s32 $0xFFFFD800  }
.Ltmp1:
0x17: {  	[bflag:$0x0] =	sbarrier.arrive $0xFFFF;
	(pc) =	sbr.rel @!p0 .LBB2_8-.Ltmp1, $4  }
0x18: {  	[hbm:s10], [sflag:s15] =	dma.local [spmem:s16], $0x2800  }
0x19: {  	_ =	swait.ge [sflag:s14], $0x2800  }
0x1a: {  	[sflag:s14] =	ssyncset.done $0x0  }
0x1b: {  	[sflag:s14] =	ssyncadd.s32 $0xFFFFD800  }
.LBB2_1:
0x1c: {  	[tilespmem:s3], [sflag:$0x3] =	stream.strided.gather [hbm4b:s5+s12], $0x2800, s13, s12, $0x38;
	[tilespmem:$0x1E000] =	vst v63  }
0x1d: {  	_ =	swait.ge [sflag:s14], $0x2800  }
0x1e: {  	[sflag:s14] =	ssyncset.done $0x0  }
0x1f: {  	s22 =	simm.s32 $0x2800;
	[sflag:s14] =	ssyncadd.s32 $0xFFFFD800  }
0x20: {  	[tilespmem:s22], [sflag:$0x3] =	stream.strided.gather [hbm4b:s6+s12], $0x2800, s13, s12, $0x38;
	[tilespmem:$0x1E000] =	vst v63  }
0x21: {  	_ =	swait.ge [sflag:s14], $0x2800  }
0x22: {  	[sflag:s14] =	ssyncset.done $0x0  }
0x23: {  	[sflag:s14] =	ssyncadd.s32 $0xFFFFD800  }
0x24: {  	[spmem:s16], [sflag:s15] =	dma.local [hbm:s4], $0x2800  }
0x25: {  	_ =	swait.ge [sflag:s14], $0x2800  }
0x26: {  	[sflag:s14] =	ssyncset.done $0x0  }
0x27: {  	[sflag:s14] =	ssyncadd.s32 $0xFFFFD800  }
0x28: {  	s23 =	simm.s32 $0x50;
	s24 =	simm.s32 $0x0;
	[bflag:$0x0] =	sbarrier.arrive $0xFFFF  }
0x29: {  	[tilespmem:s17], [sflag:$0x1] =	stream.indirect.gather [hbm4b:s7+s19], $0x80, s3, s19, $0xb8;
	[tilespmem:$0x1E000] =	vst v63  }
.LBB2_2:
0x2a: {  	_ =	swait.ge [sflag:s18], $0x2800;
	s25 =	sand.u32 $0x1, s24  }
0x2b: {  	[sflag:s18] =	ssyncset.done $0x0;
	p0 =	seq.s32 s25, $0x1;
	s25 =	simm.s32 $0x7800  }
0x2c: {  	[sflag:s18] =	ssyncadd.s32 $0xFFFFD800;
	s25 =	simm.s32 @!p0 $0x5000;
	p0 =	seq.s32 s24, $0x0  }
0x2d: {  	[spmem:s2] =	stream.indirect.scatter.add.f32 [tilespmem:s25], [sflag:$0x2], $0x80, s22, s19, $0xb8;
	[tilespmem:$0x1E000] =	vst v63  }
0x2e: {  	p1 =	seq.s32 @!p0 s24, $0x7F  }
0x2f: {  	p1 =	por p0, !p1  }
.Ltmp2:
0x30: {  	_ = 	snop;
	(pc) =	sbr.rel @!p1 .LBB2_4-.Ltmp2, $4  }
0x31: {  	s25 =	simm.s32 @!p0 $0x2  }
0x32: {  	_ =	swait.ge @!p0 [sflag:s25], $0x2800  }
0x33: {  	[sflag:s25] =	ssyncset.done @!p0 $0x0  }
0x34: {  	[sflag:s25] =	ssyncadd.s32 @!p0 $0xFFFFD800  }
0x35: {  	s24 =	sadd.s32 $0x1, s24  }
.Ltmp3:
0x36: {  	s25 =	sand.u32 $0x1, s24;
	(pc) =	sbr.rel .LBB2_2-.Ltmp3, $4  }
0x37: {  	p0 =	seq.s32 s25, $0x1;
	s25 =	simm.s32 $0x7800  }
0x38: {  	s25 =	simm.s32 @!p0 $0x5000  }
0x39: {  	[tilespmem:s25], [sflag:$0x1] =	stream.indirect.gather [hbm4b:s7+s19], $0x80, s23, s19, $0xb8;
	[tilespmem:$0x1E000] =	vst v63  }
0x3a: {  	s22 =	sadd.s32 $0x50, s22;
	s23 =	sadd.s32 $0x50, s23  }
.LBB2_4:
0x3b: {  	_ =	swait.ge [sflag:s20], $0x2800  }
0x3c: {  	[sflag:s20] =	ssyncset.done $0x0  }
0x3d: {  	[sflag:s20] =	ssyncadd.s32 $0xFFFFD800  }
0x3e: {  	[bflag:$0x0] =	sbarrier.arrive $0xFFFF  }
0x3f: {  	[hbm:s8], [sflag:s15] =	dma.local [spmem:s16], $0x2800  }
0x40: {  	_ =	swait.ge [sflag:s14], $0x2800  }
0x41: {  	[sflag:s14] =	ssyncset.done $0x0  }
0x42: {  	[sflag:s14] =	ssyncadd.s32 $0xFFFFD800  }
0x43: {  	[spmem:s16], [sflag:s15] =	dma.local [hbm:s4], $0x2800  }
0x44: {  	_ =	swait.ge [sflag:s14], $0x2800  }
0x45: {  	[sflag:s14] =	ssyncset.done $0x0  }
0x46: {  	s22 =	simm.s32 $0x50;
	[sflag:s14] =	ssyncadd.s32 $0xFFFFD800  }
0x47: {  	s23 =	simm.s32 $0x0;
	s24 =	simm.s32 $0x2800;
	[bflag:$0x0] =	sbarrier.arrive $0xFFFF  }
0x48: {  	[tilespmem:s17], [sflag:$0x1] =	stream.indirect.gather [hbm4b:s9+s22], $0x80, s23, s22, $0xb8;
	[tilespmem:$0x1E000] =	vst v63  }
.LBB2_5:
0x49: {  	_ =	swait.ge [sflag:s18], $0x2800;
	s25 =	sand.u32 $0x1, s23  }
0x4a: {  	[sflag:s18] =	ssyncset.done $0x0;
	p0 =	seq.s32 s25, $0x1;
	s25 =	simm.s32 $0x7800  }
0x4b: {  	[sflag:s18] =	ssyncadd.s32 $0xFFFFD800;
	s25 =	simm.s32 @!p0 $0x5000;
	p0 =	seq.s32 s23, $0x0  }
0x4c: {  	[spmem:s2] =	stream.indirect.scatter.add.f32 [tilespmem:s25], [sflag:$0x2], $0x80, s24, s19, $0xb8;
	[tilespmem:$0x1E000] =	vst v63  }
0x4d: {  	p1 =	seq.s32 @!p0 s23, $0x7F  }
0x4e: {  	p1 =	por p0, !p1  }
.Ltmp4:
0x4f: {  	_ = 	snop;
	(pc) =	sbr.rel @!p1 .LBB2_7-.Ltmp4, $4  }
0x50: {  	s25 =	simm.s32 @!p0 $0x2  }
0x51: {  	_ =	swait.ge @!p0 [sflag:s25], $0x2800  }
0x52: {  	[sflag:s25] =	ssyncset.done @!p0 $0x0  }
0x53: {  	[sflag:s25] =	ssyncadd.s32 @!p0 $0xFFFFD800  }
0x54: {  	s23 =	sadd.s32 $0x1, s23  }
.Ltmp5:
0x55: {  	s25 =	sand.u32 $0x1, s23;
	(pc) =	sbr.rel .LBB2_5-.Ltmp5, $4  }
0x56: {  	p0 =	seq.s32 s25, $0x1;
	s25 =	simm.s32 $0x7800  }
0x57: {  	s25 =	simm.s32 @!p0 $0x5000  }
0x58: {  	[tilespmem:s25], [sflag:$0x1] =	stream.indirect.gather [hbm4b:s9+s19], $0x80, s22, s19, $0xb8;
	[tilespmem:$0x1E000] =	vst v63  }
0x59: {  	s24 =	sadd.s32 $0x50, s24;
	s22 =	sadd.s32 $0x50, s22  }
.LBB2_8:
0x5a: {  	_ =	sfence.sel $0x180000  }
0x5b: {  	[bflag:$0x0] =	sbarrier.arrive $0xFFFF  }
0x5c: {  	p0 =	sne.s32 s1, $0x0;
	_ =	strace $0x9000004D  }
0x5d: {  	s0 =	sadd.s32 @!p0 $0x100000, s0;
	[bflag:$0x2] =	sbarrier.arrive $0xFFFF  }
0x5e: {  	[sflag:s0] =	ssyncadd.tile.s32 @!p0 $0x1;
	_ =	shalt  }
.Lfunc_end2:
_tile_overlayer_lowered:
.L_overlay_start_2:
0x5f: {  	(tag) =	ssettag $0x2  }
0x60: {  	s0 =	rddreg [dreg:$0x0];
	s2 =	stileid.u32  }
0x61: {  	s1 =	rddreg [dreg:$0x1];
	p0 =	sne.s32 s2, $0x0  }
0x62: {  	s3 =	rddreg [dreg:$0x2];
	[bflag:$0x3] =	sbarrier.arrive $0xFFFF;
	s2 =	simm.s32 @!p0 $0x1C03  }
0x63: {  	[timem:s3], [sflag:s2] =	dma.local @!p0 [hbm:s0], s1  }
0x64: {  	s0 =	simm.s32 @!p0 $0x3  }
0x65: {  	_ =	swait.ge @!p0 [sflag:s0], s1  }
0x66: {  	s1 =	ssub.s32 @!p0 $0x0, s1;
	[sflag:s0] =	ssyncset.done @!p0 $0x0  }
0x67: {  	[sflag:s0] =	ssyncadd.s32 @!p0 s1  }
0x68: {  	[bflag:$0x3] =	sbarrier.arrive $0xFFFF  }
0x69: {  	_ =	shalt  }

// kernel: kernel.25.cloned.1.call-start
scs
__scs_entry_jumppad:
0x0: {  	(pc) =	sbr.rel $0x88, $3  }
0x1: {  	(tag) =	ssettag $0x0;
	lr =	simm.s32 $0x1  }
0x2: {  	[smem:$0x3F88] =	sst lr;
	_ =	strace $0xD0000000  }
0x3: {  	_ = 	snop  }
0x4: {  	_ = 	snop  }
0x5: {  	_ = 	snop  }
0x6: {  	_ = 	snop  }
0x7: {  	_ = 	snop  }
__scs_overlays_trampoline_lowered:
0x8: {  	[smem:$0x3F97] =	sst s0  }
0x9: {  	[smem:$0x3F98] =	sst s1  }
0xa: {  	[smem:$0x3F99] =	sst s2  }
0xb: {  	[smem:$0x3F9A] =	sst s3  }
0xc: {  	[smem:$0x3F9B] =	sst s4  }
0xd: {  	[smem:$0x3F9C] =	sst s5  }
0xe: {  	[smem:$0x3F9D] =	sst s6  }
0xf: {  	[smem:$0x3F9E] =	sst s7  }
0x10: {  	[smem:$0x3F9F] =	sst s8  }
0x11: {  	[smem:$0x3FA0] =	sst s9;
	s0 =	simm.s32 @!p0 $0x0  }
0x12: {  	s1 =	sld [smem:$0x3F86];
	s0 =	simm.s32 @p0 $0x1  }
0x13: {  	[smem:$0x3FA1] =	sst s0;
	s0 =	simm.s32 @!p1 $0x0  }
0x14: {  	s2 =	sld [smem:$0x3F85];
	s0 =	simm.s32 @p1 $0x1  }
0x15: {  	[smem:$0x3FA2] =	sst s0;
	s0 =	simm.s32 @!p2 $0x0  }
0x16: {  	s3 =	sld [smem:$0x3FDB];
	s0 =	simm.s32 @p2 $0x1  }
0x17: {  	s4 =	simm.s32 $0x1BF5;
	[smem:$0x3FA4] =	sst s0  }
0x18: {  	s0 =	sld [smem:$0x3F87];
	_ =	swait.ge [sflag:s4], $0x0  }
0x19: {  	s7 =	sld [smem:$0x3F88]  }
0x1a: {  	s8 =	sadd.s32 $0xFFFFE003, lr  }
0x1b: {  	s9 =	sadd.s32 $0xFFFFFEF7, lr;
	s5 =	simm.s32 $0xFFFFFFFF;
	p2 =	slt.u32 s8, $0xFFFFF086  }
0x1c: {  	p1 =	slt.u32 s9, $0xF7A;
	s5 =	simm.s32 @!p2 $0x0  }
0x1d: {  	s5 =	simm.s32 @p1 $0x1;
	p0 =	seq.s32 s7, s2  }
0x1e: {  	s7 =	smul.u32 @!p0 $0xF7A, s2;
	p2 =	seq.s32 @!p0 s5, $0x0  }
0x1f: {  	s9 =	smul.u32 $0xF7A, s1;
	s8 =	simm.s32 @!p0 $0x1BF5;
	p2 =	por !p2, p0  }
0x20: {  	[sflag:s8] =	ssyncset.s32 @!p0 $0xFFFFF086;
	s6 =	sadd.s32 @!p0 s3, s7;
	s7 =	simm.s32 @!p0 $0x108  }
0x21: {  	s3 =	sadd.s32 s3, s9;
	s6 =	sadd.s32 @!p0 $0x88, s6;
	s7 =	simm.s32 @p2 $0x1082  }
0x22: {  	[simem:s7], [sflag:s8] =	dma.local @!p0 [hbm:s6], $0xF7A  }
0x23: {  	s9 =	sor.u32 $0xD0000000, s2;
	s6 =	simm.s32 $0x108;
	_ =	swait.ge @!p0 [sflag:s8], $0x0  }
0x24: {  	s3 =	sadd.s32 $0x88, s3;
	s6 =	simm.s32 @!p1 $0x1082;
	[sflag:s4] =	ssyncset.s32 $0xFFFFF086  }
0x25: {  	[simem:s6], [sflag:s4] =	dma.local [hbm:s3], $0xF7A  }
0x26: {  	[smem:$0x3F88] =	sst s1;
	(tag) =	ssettag s2;
	_ =	strace s9  }
0x27: {  	s1 =	sld [smem:$0x3F98]  }
0x28: {  	s2 =	sld [smem:$0x3F99]  }
0x29: {  	s4 =	sld [smem:$0x3F9B]  }
0x2a: {  	p0 =	seq.s32 s5, $0x0;
	s5 =	sld [smem:$0x3F9C]  }
0x2b: {  	s6 =	sld [smem:$0x3F9D]  }
0x2c: {  	s7 =	sld [smem:$0x3F9E]  }
0x2d: {  	s3 =	simm.s32 $0x108;
	s8 =	sld [smem:$0x3F9F]  }
0x2e: {  	s3 =	simm.s32 @!p0 $0x1082;
	s9 =	sld [smem:$0x3FA0]  }
0x2f: {  	lr =	sadd.s32 s0, s3;
	s0 =	sld [smem:$0x3F97]  }
0x30: {  	s3 =	sld [smem:$0x3F9A]  }
0x31: {  	[smem:$0x3FA3] =	sst s10  }
0x32: {  	s10 =	sld [smem:$0x3FA1];
	_ =	sdelay $0x3  }
0x33: {  	p0 =	seq.s32 s10, $0x1;
	s10 =	sld [smem:$0x3FA3];
	_ =	sdelay $0x3  }
0x34: {  	[smem:$0x3FA3] =	sst s10  }
0x35: {  	s10 =	sld [smem:$0x3FA2];
	_ =	sdelay $0x3  }
0x36: {  	p1 =	seq.s32 s10, $0x1;
	s10 =	sld [smem:$0x3FA3];
	_ =	sdelay $0x3  }
0x37: {  	[smem:$0x3FA3] =	sst s10  }
0x38: {  	s10 =	sld [smem:$0x3FA4]  }
0x39: {  	_ = 	snop;
	(pc) =	sbr.ind lr, $3  }
0x3a: {  	_ = 	snop  }
0x3b: {  	_ = 	snop  }
0x3c: {  	p2 =	seq.s32 s10, $0x1;
	s10 =	sld [smem:$0x3FA3]  }
0x3d: {  	_ =	shalt  }
0x3e: {  	_ =	shalt  }
0x3f: {  	_ =	shalt  }
0x40: {  	_ =	shalt  }
0x41: {  	_ =	shalt  }
0x42: {  	_ =	shalt  }
0x43: {  	_ =	shalt  }
0x44: {  	_ =	shalt  }
0x45: {  	_ =	shalt  }
0x46: {  	_ =	shalt  }
0x47: {  	_ =	shalt  }
0x48: {  	_ =	shalt  }
0x49: {  	_ =	shalt  }
0x4a: {  	_ =	shalt  }
0x4b: {  	_ =	shalt  }
0x4c: {  	_ =	shalt  }
0x4d: {  	_ =	shalt  }
0x4e: {  	_ =	shalt  }
0x4f: {  	_ =	shalt  }
0x50: {  	_ =	shalt  }
0x51: {  	_ =	shalt  }
0x52: {  	_ =	shalt  }
0x53: {  	_ =	shalt  }
0x54: {  	_ =	shalt  }
0x55: {  	_ =	shalt  }
0x56: {  	_ =	shalt  }
0x57: {  	_ =	shalt  }
0x58: {  	_ =	shalt  }
0x59: {  	_ =	shalt  }
0x5a: {  	_ =	shalt  }
0x5b: {  	_ =	shalt  }
0x5c: {  	_ =	shalt  }
0x5d: {  	_ =	shalt  }
0x5e: {  	_ =	shalt  }
0x5f: {  	_ =	shalt  }
0x60: {  	_ =	shalt  }
0x61: {  	_ =	shalt  }
0x62: {  	_ =	shalt  }
0x63: {  	_ =	shalt  }
0x64: {  	_ =	shalt  }
0x65: {  	_ =	shalt  }
0x66: {  	_ =	shalt  }
0x67: {  	_ =	shalt  }
0x68: {  	_ =	shalt  }
0x69: {  	_ =	shalt  }
0x6a: {  	_ =	shalt  }
0x6b: {  	_ =	shalt  }
0x6c: {  	_ =	shalt  }
0x6d: {  	_ =	shalt  }
0x6e: {  	_ =	shalt  }
0x6f: {  	_ =	shalt  }
0x70: {  	_ =	shalt  }
0x71: {  	_ =	shalt  }
0x72: {  	_ =	shalt  }
0x73: {  	_ =	shalt  }
0x74: {  	_ =	shalt  }
0x75: {  	_ =	shalt  }
0x76: {  	_ =	shalt  }
0x77: {  	_ =	shalt  }
0x78: {  	_ =	shalt  }
0x79: {  	_ =	shalt  }
0x7a: {  	_ =	shalt  }
0x7b: {  	_ =	shalt  }
0x7c: {  	_ =	shalt  }
0x7d: {  	_ =	shalt  }
0x7e: {  	_ =	shalt  }
0x7f: {  	_ =	shalt  }
0x80: {  	_ =	shalt  }
0x81: {  	_ =	shalt  }
0x82: {  	_ =	shalt  }
0x83: {  	_ =	shalt  }
0x84: {  	_ =	shalt  }
0x85: {  	_ =	shalt  }
0x86: {  	_ =	shalt  }
0x87: {  	_ =	shalt  }
.Lfunc_end0:
.L_simem_size_0:
called_computation.3_lowered:
.L_overlay_start_0:
0x88: {  	s2 =	sld [smem:$0x3FD9]  }
0x89: {  	s3 =	sld [smem:$0x3FFE];
	_ =	sdelay $0x1  }
0x8a: {  	s1 =	srdreg.scid  }
0x8b: {  	s0 =	sand.u32 $0x1, s1  }
0x8c: {  	s16 =	sshll.u32 s0, $0xA;
	s2 =	sadd.s32 s3, s2  }
0x8d: {  	s2 =	sadd.s32 s2, s16  }
0x8e: {  	[smem:$0x3FAF] =	sst s2  }
0x8f: {  	_ = 	snop  }
0x90: {  	(tm) =	ssettm $0x1  }
0x91: {  	s17 =	sld [smem:$0x3FFB];
	_ =	sdelay $0x3  }
0x92: {  	_ =	strace s17  }
0x93: {  	s2 =	sld [smem:$0x3FFC];
	_ =	sdelay $0x3  }
0x94: {  	_ =	strace s2  }
0x95: {  	s2 =	sld [smem:$0x3FFD];
	_ =	sdelay $0x3  }
0x96: {  	_ =	strace s2  }
0x97: {  	_ =	strace $0x8FFFFFFF  }
0x98: {  	s18 =	sld [smem:$0x3FDB];
	_ =	sdelay $0x1  }
0x99: {  	s19 =	simm.s32 $_scs_section_size  }
0x9a: {  	s4 =	simm.s32 $_size__tile_overlayer_lowered;
	s5 =	simm.s32 $_tile_overlayer_lowered  }
0x9b: {  	s22 =	simm.s32 $0x1BFF;
	s21 =	sshll.u32 s5, $0x1;
	s2 =	sadd.s32 s19, s18  }
0x9c: {  	s6 =	simm.s32 $0x0;
	s20 =	sshll.u32 s4, $0x1;
	s4 =	sadd.s32 s21, s2  }
0x9d: {  	[timem:s6], [sflag:s22] =	dma.local [hbm:s4], s20  }
0x9e: {  	_ =	swait.ge [sflag:s22], s20  }
0x9f: {  	s3 =	ssub.s32 $0x0, s20;
	[sflag:s22] =	ssyncset.done $0x0  }
0xa0: {  	[sflag:s22] =	ssyncadd.s32 s3;
	_ =	sdelay $0x1  }
0xa1: {  	s23 =	simm.s32 $0x1B8B  }
0xa2: {  	_ =	swait.ge [sflag:s23], $0x1  }
0xa3: {  	[sflag:s23] =	ssyncset.done $0x0  }
0xa4: {  	s25 =	simm.s32 $0x1B8E;
	s24 =	sld [smem:$0x3FFE];
	[sflag:s23] =	ssyncadd.s32 $0xFFFFFFFF  }
0xa5: {  	s26 =	simm.s32 $execute0_lowered;
	[smem:$0x3FD2] =	sst s25  }
0xa6: {  	s4 =	sshll.u32 s26, $0x1;
	_ =	strace $0x8000004F;
	[dreg:$0x1] =	wrdreg $0xFFFFFFFF  }
0xa7: {  	s28 =	simm.s32 $_size_execute0_lowered;
	s2 =	sadd.s32 s2, s4;
	[dreg:$0x0] =	wrdreg $0x0  }
0xa8: {  	s4 =	sshll.u32 s28, $0x1;
	[dreg:$0x2] =	wrdreg s2  }
0xa9: {  	[dreg:$0x3] =	wrdreg s4  }
0xaa: {  	[dreg:$0x4] =	wrdreg $0xC0  }
0xab: {  	_ =	task [dreg:s6], $0x5FFFF  }
0xac: {  	[dreg:$0x1] =	wrdreg $0xFFFFFFFF  }
0xad: {  	[dreg:$0x0] =	wrdreg $0x60  }
0xae: {  	[dreg:$0x2] =	wrdreg s24  }
0xaf: {  	[dreg:$0x3] =	wrdreg $0xA0000  }
0xb0: {  	[dreg:$0x4] =	wrdreg $0x9  }
0xb1: {  	_ =	task.clear_ibuf [dreg:s6], $0x5FFFF;
	_ =	strace $0x9000004F  }
0xb2: {  	s29 =	simm.s32 $0x9;
	_ =	strace $0x80000051  }
0xb3: {  	_ =	swait.ge [sflag:s29], $0x1  }
0xb4: {  	[sflag:s29] =	ssyncadd.s32 $0xFFFFFFFF  }
0xb5: {  	_ =	strace $0x90000051  }
0xb6: {  	_ =	sfence  }
0xb7: {  	s30 =	sld [smem:$0x0];
	_ =	sdelay $0x2  }
0xb8: {  	s31 =	sshll.u32 s1, $0xD;
	s1 =	sshrl.u32 s1, $0x2  }
0xb9: {  	s3 =	sand.u32 $0x4000, s31;
	s1 =	sadd.s32 s1, s30  }
0xba: {  	s0 =	sor.u32 s3, s0;
	s1 =	sshll.u32 s1, $0x11  }
0xbb: {  	s0 =	sor.u32 s1, s0  }
0xbc: {  	s0 =	sadd.s32 $0x8F2B, s0  }
0xbd: {  	[sflag:s0] =	ssyncadd.remote.s32 $0x1  }
0xbe: {  	_ =	sfence.sel $0xFFFF  }
0xbf: {  	[dreg:$0x0] =	wrdreg $0xFFFFFFFF;
	(pc) =	sbr.abs _section_cstart, $3  }
0xc0: {  	[dreg:$0x1] =	wrdreg $0xFFFFFFFF  }
0xc1: {  	_ =	task.clear_ibuf [dreg:s6], $0x2FFFF;
	_ =	strace $0x9FFFFFFF  }
0xc2: {  	(tm) =	ssettm $0x7FFFFFFF  }
0xc3: {  	_ =	shalt  }
tec
execute0_lowered:
.L_overlay_start_1:
0x0: {  	(tag) =	ssettag $0x1  }
0x1: {  	s5 =	rddreg [dreg:$0x0]  }
0x2: {  	s2 =	rddreg [dreg:$0x1]  }
0x3: {  	s1 =	stileid.u32;
	s0 =	rddreg [dreg:$0x2];
	s3 =	simm.s32 $0x0  }
0x4: {  	s25 =	srdreg.scid;
	s14 =	simm.s32 $0x3;
	s17 =	simm.s32 $0x5000  }
0x5: {  	s18 =	simm.s32 $0x1;
	s19 =	simm.s32 $0x50;
	s20 =	simm.s32 $0x2  }
0x6: {  	s21 =	simm.s32 $0x0;
	s4 =	sshrl.u32 s1, $0x3;
	s11 =	smul.u32 $0x50000, s1  }
0x7: {  	s6 =	sshll.u32 s1, $0x7;
	[smem:$0x7FF] =	sst s3;
	s30 =	smul.u32 $0x14000, s1  }
0x8: {  	s9 =	sadd.s32 $0x1F0600, s5;
	s10 =	sadd.s32 $0xB0600, s5;
	s4 =	smul.u32 $0x14000, s4  }
0x9: {  	s15 =	sshll.u32 s1, $0x6;
	s6 =	sand.u32 $0x380, s6;
	_ =	strace $0x80000050  }
0xa: {  	s15 =	sor.u32 $0x1C03, s15;
	s29 =	sshrl.u32 s11, $0x2;
	s4 =	sor.u32 s6, s4  }
0xb: {  	s6 =	sand.u32 $0x1, s25;
	s16 =	sadd.s32 s29, s2;
	s4 =	sshrl.u32 s4, $0x3  }
0xc: {  	s8 =	ssub.s32 $0x2, s6;
	s28 =	smul.u32 $0x280000, s6;
	s16 =	sshrl.u32 s16, $0x3  }
0xd: {  	s7 =	sadd.s32 s4, s5;
	s4 =	sadd.s32 $0xADE00, s5;
	s26 =	sshrl.u32 s8, $0x1  }
0xe: {  	s12 =	ssub.s32 s8, s26;
	s5 =	sadd.s32 $0x3E00, s7;
	s6 =	sadd.s32 $0x8E00, s7  }
.Ltmp0:
0xf: {  	s31 =	sshrl.u32 s28, $0x3;
	s13 =	sadd.s32 $0x140000, s28;
	(pc) =	sbr.rel .LBB2_1-.Ltmp0, $4  }
0x10: {  	s8 =	sadd.s32 s30, s28;
	s7 =	sadd.s32 s9, s31;
	s11 =	sadd.s32 s30, s13  }
0x11: {  	s8 =	sshrl.u32 s8, $0x3;
	s13 =	sshrl.u32 s13, $0x3;
	s11 =	sshrl.u32 s11, $0x3  }
0x12: {  	s8 =	sadd.s32 s10, s8;
	s9 =	sadd.s32 s9, s13;
	s13 =	simm.s32 $0x400  }
0x13: {  	s10 =	sadd.s32 s10, s11;
	s11 =	smax.u32 s12, $0x1;
	s12 =	simm.s32 $0x80  }
.LBB2_7:
0x14: {  	_ =	swait.ge [sflag:s20], $0x2800  }
0x15: {  	s21 =	sadd.s32 $0x1, s21;
	[sflag:s20] =	ssyncset.done $0x0  }
0x16: {  	p0 =	sne.s32 s21, s11;
	[sflag:s20] =	ssyncadd.s32 $0xFFFFD800  }
.Ltmp1:
0x17: {  	[bflag:$0x0] =	sbarrier.arrive $0xFFFF;
	(pc) =	sbr.rel @!p0 .LBB2_8-.Ltmp1, $4  }
0x18: {  	[hbm:s10], [sflag:s15] =	dma.local [spmem:s16], $0x2800  }
0x19: {  	_ =	swait.ge [sflag:s14], $0x2800  }
0x1a: {  	[sflag:s14] =	ssyncset.done $0x0  }
0x1b: {  	[sflag:s14] =	ssyncadd.s32 $0xFFFFD800  }
.LBB2_1:
0x1c: {  	[tilespmem:s3], [sflag:$0x3] =	stream.strided.gather [hbm4b:s5+s12], $0x2800, s13, s12, $0x38;
	[tilespmem:$0x1E000] =	vst v63  }
0x1d: {  	_ =	swait.ge [sflag:s14], $0x2800  }
0x1e: {  	[sflag:s14] =	ssyncset.done $0x0  }
0x1f: {  	s22 =	simm.s32 $0x2800;
	[sflag:s14] =	ssyncadd.s32 $0xFFFFD800  }
0x20: {  	[tilespmem:s22], [sflag:$0x3] =	stream.strided.gather [hbm4b:s6+s12], $0x2800, s13, s12, $0x38;
	[tilespmem:$0x1E000] =	vst v63  }
0x21: {  	_ =	swait.ge [sflag:s14], $0x2800  }
0x22: {  	[sflag:s14] =	ssyncset.done $0x0  }
0x23: {  	[sflag:s14] =	ssyncadd.s32 $0xFFFFD800  }
0x24: {  	[spmem:s16], [sflag:s15] =	dma.local [hbm:s4], $0x2800  }
0x25: {  	_ =	swait.ge [sflag:s14], $0x2800  }
0x26: {  	[sflag:s14] =	ssyncset.done $0x0  }
0x27: {  	[sflag:s14] =	ssyncadd.s32 $0xFFFFD800  }
0x28: {  	s23 =	simm.s32 $0x50;
	s24 =	simm.s32 $0x0;
	[bflag:$0x0] =	sbarrier.arrive $0xFFFF  }
0x29: {  	[tilespmem:s17], [sflag:$0x1] =	stream.indirect.gather [hbm4b:s7+s19], $0x80, s3, s19, $0xb8;
	[tilespmem:$0x1E000] =	vst v63  }
.LBB2_2:
0x2a: {  	_ =	swait.ge [sflag:s18], $0x2800;
	s25 =	sand.u32 $0x1, s24  }
0x2b: {  	[sflag:s18] =	ssyncset.done $0x0;
	p0 =	seq.s32 s25, $0x1;
	s25 =	simm.s32 $0x7800  }
0x2c: {  	[sflag:s18] =	ssyncadd.s32 $0xFFFFD800;
	s25 =	simm.s32 @!p0 $0x5000;
	p0 =	seq.s32 s24, $0x0  }
0x2d: {  	[spmem:s2] =	stream.indirect.scatter.add.f32 [tilespmem:s25], [sflag:$0x2], $0x80, s22, s19, $0xb8;
	[tilespmem:$0x1E000] =	vst v63  }
0x2e: {  	p1 =	seq.s32 @!p0 s24, $0x7F  }
0x2f: {  	p1 =	por p0, !p1  }
.Ltmp2:
0x30: {  	_ = 	snop;
	(pc) =	sbr.rel @!p1 .LBB2_4-.Ltmp2, $4  }
0x31: {  	s25 =	simm.s32 @!p0 $0x2  }
0x32: {  	_ =	swait.ge @!p0 [sflag:s25], $0x2800  }
0x33: {  	[sflag:s25] =	ssyncset.done @!p0 $0x0  }
0x34: {  	[sflag:s25] =	ssyncadd.s32 @!p0 $0xFFFFD800  }
0x35: {  	s24 =	sadd.s32 $0x1, s24  }
.Ltmp3:
0x36: {  	s25 =	sand.u32 $0x1, s24;
	(pc) =	sbr.rel .LBB2_2-.Ltmp3, $4  }
0x37: {  	p0 =	seq.s32 s25, $0x1;
	s25 =	simm.s32 $0x7800  }
0x38: {  	s25 =	simm.s32 @!p0 $0x5000  }
0x39: {  	[tilespmem:s25], [sflag:$0x1] =	stream.indirect.gather [hbm4b:s7+s19], $0x80, s23, s19, $0xb8;
	[tilespmem:$0x1E000] =	vst v63  }
0x3a: {  	s22 =	sadd.s32 $0x50, s22;
	s23 =	sadd.s32 $0x50, s23  }
.LBB2_4:
0x3b: {  	_ =	swait.ge [sflag:s20], $0x2800  }
0x3c: {  	[sflag:s20] =	ssyncset.done $0x0  }
0x3d: {  	[sflag:s20] =	ssyncadd.s32 $0xFFFFD800  }
0x3e: {  	[bflag:$0x0] =	sbarrier.arrive $0xFFFF  }
0x3f: {  	[hbm:s8], [sflag:s15] =	dma.local [spmem:s16], $0x2800  }
0x40: {  	_ =	swait.ge [sflag:s14], $0x2800  }
0x41: {  	[sflag:s14] =	ssyncset.done $0x0  }
0x42: {  	[sflag:s14] =	ssyncadd.s32 $0xFFFFD800  }
0x43: {  	[spmem:s16], [sflag:s15] =	dma.local [hbm:s4], $0x2800  }
0x44: {  	_ =	swait.ge [sflag:s14], $0x2800  }
0x45: {  	[sflag:s14] =	ssyncset.done $0x0  }
0x46: {  	s22 =	simm.s32 $0x50;
	[sflag:s14] =	ssyncadd.s32 $0xFFFFD800  }
0x47: {  	s23 =	simm.s32 $0x0;
	s24 =	simm.s32 $0x2800;
	[bflag:$0x0] =	sbarrier.arrive $0xFFFF  }
0x48: {  	[tilespmem:s17], [sflag:$0x1] =	stream.indirect.gather [hbm4b:s9+s22], $0x80, s23, s22, $0xb8;
	[tilespmem:$0x1E000] =	vst v63  }
.LBB2_5:
0x49: {  	_ =	swait.ge [sflag:s18], $0x2800;
	s25 =	sand.u32 $0x1, s23  }
0x4a: {  	[sflag:s18] =	ssyncset.done $0x0;
	p0 =	seq.s32 s25, $0x1;
	s25 =	simm.s32 $0x7800  }
0x4b: {  	[sflag:s18] =	ssyncadd.s32 $0xFFFFD800;
	s25 =	simm.s32 @!p0 $0x5000;
	p0 =	seq.s32 s23, $0x0  }
0x4c: {  	[spmem:s2] =	stream.indirect.scatter.add.f32 [tilespmem:s25], [sflag:$0x2], $0x80, s24, s19, $0xb8;
	[tilespmem:$0x1E000] =	vst v63  }
0x4d: {  	p1 =	seq.s32 @!p0 s23, $0x7F  }
0x4e: {  	p1 =	por p0, !p1  }
.Ltmp4:
0x4f: {  	_ = 	snop;
	(pc) =	sbr.rel @!p1 .LBB2_7-.Ltmp4, $4  }
0x50: {  	s25 =	simm.s32 @!p0 $0x2  }
0x51: {  	_ =	swait.ge @!p0 [sflag:s25], $0x2800  }
0x52: {  	[sflag:s25] =	ssyncset.done @!p0 $0x0  }
0x53: {  	[sflag:s25] =	ssyncadd.s32 @!p0 $0xFFFFD800  }
0x54: {  	s23 =	sadd.s32 $0x1, s23  }
.Ltmp5:
0x55: {  	s25 =	sand.u32 $0x1, s23;
	(pc) =	sbr.rel .LBB2_5-.Ltmp5, $4  }
0x56: {  	p0 =	seq.s32 s25, $0x1;
	s25 =	simm.s32 $0x7800  }
0x57: {  	s25 =	simm.s32 @!p0 $0x5000  }
0x58: {  	[tilespmem:s25], [sflag:$0x1] =	stream.indirect.gather [hbm4b:s9+s19], $0x80, s22, s19, $0xb8;
	[tilespmem:$0x1E000] =	vst v63  }
0x59: {  	s24 =	sadd.s32 $0x50, s24;
	s22 =	sadd.s32 $0x50, s22  }
.LBB2_8:
0x5a: {  	_ =	sfence.sel $0x180000  }
0x5b: {  	[bflag:$0x0] =	sbarrier.arrive $0xFFFF  }
0x5c: {  	p0 =	sne.s32 s1, $0x0;
	_ =	strace $0x90000050  }
0x5d: {  	s0 =	sadd.s32 @!p0 $0x100000, s0;
	[bflag:$0x2] =	sbarrier.arrive $0xFFFF  }
0x5e: {  	[sflag:s0] =	ssyncadd.tile.s32 @!p0 $0x1;
	_ =	shalt  }
.Lfunc_end2:
_tile_overlayer_lowered:
.L_overlay_start_2:
0x5f: {  	(tag) =	ssettag $0x2  }
0x60: {  	s0 =	rddreg [dreg:$0x0];
	s2 =	stileid.u32  }
0x61: {  	s1 =	rddreg [dreg:$0x1];
	p0 =	sne.s32 s2, $0x0  }
0x62: {  	s3 =	rddreg [dreg:$0x2];
	[bflag:$0x3] =	sbarrier.arrive $0xFFFF;
	s2 =	simm.s32 @!p0 $0x1C03  }
0x63: {  	[timem:s3], [sflag:s2] =	dma.local @!p0 [hbm:s0], s1  }
0x64: {  	s0 =	simm.s32 @!p0 $0x3  }
0x65: {  	_ =	swait.ge @!p0 [sflag:s0], s1  }
0x66: {  	s1 =	ssub.s32 @!p0 $0x0, s1;
	[sflag:s0] =	ssyncset.done @!p0 $0x0  }
0x67: {  	[sflag:s0] =	ssyncadd.s32 @!p0 s1  }
0x68: {  	[bflag:$0x3] =	sbarrier.arrive $0xFFFF  }
0x69: {  	_ =	shalt  }

</sc_bundles>
